<compile_context>
chip_gen: v7x
topology: tpu7x:2x2x1
jax: 0.10.2.dev20260603
libtpu: 0.0.44.dev20260713+nightly
codegen_flags: <defaults>
</compile_context>

<pallas_src>
import functools

import jax
import jax.numpy as jnp
from jax import lax
from jax.experimental import pallas as pl
from jax.experimental.pallas import tpu as pltpu
from jax.experimental.pallas import tpu_sc as plsc

F = 128
BW = 16
H = 2 * F
EPS = 1e-5
NC = 2
NS = 16
NW = NC * NS
TE = 6400
NSPLIT = 2
NSLOT = 4

_sc_mesh = plsc.VectorSubcoreMesh(core_axis_name="c", subcore_axis_name="s")


def _precompute_body(atom_ref, w1_ref, w2_ref, a1_ref, a2_ref):
    a = atom_ref[...]

    def pack(w_ref):
        v = jnp.dot(a, w_ref[...], preferred_element_type=jnp.float32)
        lo = lax.bitcast_convert_type(v[:, :F].astype(jnp.bfloat16), jnp.uint16)
        hi = lax.bitcast_convert_type(v[:, F:].astype(jnp.bfloat16), jnp.uint16)
        word = lo.astype(jnp.uint32) | (hi.astype(jnp.uint32) << 16)
        return lax.bitcast_convert_type(word, jnp.int32)

    a1_ref[...] = pack(w1_ref)
    a2_ref[...] = pack(w2_ref)


@functools.lru_cache(maxsize=None)
def _make_gather_h(eh, ch):
    epw = eh // NW
    nch = epw // ch
    assert epw % ch == 0 and nch >= NSLOT

    @functools.partial(
        pl.kernel,
        out_type=[jax.ShapeDtypeStruct((eh, F), jnp.int32)] * 2,
        mesh=_sc_mesh,
        scratch_types=[
            pltpu.VMEM((nch, ch), jnp.int32),
            pltpu.VMEM((nch, ch), jnp.int32),
        ]
        + [pltpu.VMEM((ch, F), jnp.int32)] * (2 * NSLOT)
        + [pltpu.SemaphoreType.DMA] * (2 * NSLOT),
    )
    def gather_h(a1_hbm, a2_hbm, src_hbm, dst_hbm, h1_hbm, h2_hbm, src_v, dst_v, *scr):
        bufs1 = scr[0:NSLOT]
        bufs2 = scr[NSLOT : 2 * NSLOT]
        sg = scr[2 * NSLOT : 3 * NSLOT]
        sw = scr[3 * NSLOT : 4 * NSLOT]
        cc = lax.axis_index("c")
        ss = lax.axis_index("s")
        wid = ss * NC + cc
        pltpu.sync_copy(src_hbm.at[wid], src_v)
        pltpu.sync_copy(dst_hbm.at[wid], dst_v)
        base = wid * epw

        def issue_g(c, s):
            pltpu.async_copy(a1_hbm.at[src_v.at[c]], bufs1[s], sg[s])
            pltpu.async_copy(a2_hbm.at[dst_v.at[c]], bufs2[s], sg[s])

        def wait_g(s):
            pltpu.make_async_copy(a1_hbm.at[src_v.at[0]], bufs1[s], sg[s]).wait()
            pltpu.make_async_copy(a2_hbm.at[dst_v.at[0]], bufs2[s], sg[s]).wait()

        def issue_w(c, s):
            rows = pl.ds(base + c * ch, ch)
            pltpu.async_copy(bufs1[s], h1_hbm.at[rows], sw[s])
            pltpu.async_copy(bufs2[s], h2_hbm.at[rows], sw[s])

        def wait_w(s):
            rows = pl.ds(base, ch)
            pltpu.make_async_copy(bufs1[s], h1_hbm.at[rows], sw[s]).wait()
            pltpu.make_async_copy(bufs2[s], h2_hbm.at[rows], sw[s]).wait()

        for s in range(NSLOT - 1):
            issue_g(s, s)

        @pl.loop(0, pl.cdiv(nch, NSLOT))
        def _quad(p):
            c0 = p * NSLOT
            for j in range(NSLOT):
                s = j
                c = c0 + j

                def _step(c=c, s=s, first=(j == 0)):
                    wait_g(s)
                    issue_w(c, s)
                    cn = c + (NSLOT - 1)
                    sn = (s + NSLOT - 1) % NSLOT

                    @pl.when(cn < nch)
                    def _():
                        if first:
                            pl.when(c >= 1)(lambda: wait_w(sn))
                        else:
                            wait_w(sn)
                        issue_g(cn, sn)

                if j == 0:
                    _step()
                else:
                    pl.when(c < nch)(_step)

        for s in range(NSLOT):
            wait_w(s)

    return gather_h


def _unpack_halves(hh):
    hf = lax.bitcast_convert_type(hh << 16, jnp.float32)
    hs = lax.bitcast_convert_type(hh & jnp.int32(-65536), jnp.float32)
    return hf, hs


def _stats_body(h1_ref, h2_ref, x2_ref, w3k_ref, st_ref):
    h1f, h1s = _unpack_halves(h1_ref[...])
    h2f, h2s = _unpack_halves(h2_ref[...])
    ge = jnp.dot(x2_ref[...], w3k_ref[...], preferred_element_type=jnp.float32)
    ge = ge.reshape(TE, H)
    gf = h1f + h2f + ge[:, :F]
    gs = h1s + h2s + ge[:, F:]

    @pl.when(pl.program_id(0) == 0)
    def _():
        st_ref[...] = jnp.zeros_like(st_ref)

    su = jnp.concatenate(
        [jnp.sum(gf, axis=0, keepdims=True), jnp.sum(gs, axis=0, keepdims=True)], axis=1
    )
    sq = jnp.concatenate(
        [jnp.sum(gf * gf, axis=0, keepdims=True), jnp.sum(gs * gs, axis=0, keepdims=True)],
        axis=1,
    )
    st_ref[...] += jnp.concatenate([su, sq, jnp.zeros((6, H), jnp.float32)], axis=0)


def _act_body(h1_ref, h2_ref, x2_ref, w3k_ref, ss_ref, m_ref):
    h1f, h1s = _unpack_halves(h1_ref[...])
    h2f, h2s = _unpack_halves(h2_ref[...])
    ge = jnp.dot(x2_ref[...], w3k_ref[...], preferred_element_type=jnp.float32)
    ge = ge.reshape(TE, H)
    gf = h1f + h2f + ge[:, :F]
    gs = h1s + h2s + ge[:, F:]
    gf = gf * ss_ref[0:1, :F] + ss_ref[1:2, :F]
    gs = gs * ss_ref[0:1, F:] + ss_ref[1:2, F:]
    m_ref[...] = jax.nn.sigmoid(gf) * jax.nn.softplus(gs)


@functools.lru_cache(maxsize=None)
def _make_scatter(n, eh, ch):
    epw = eh // NW
    nch = epw // ch
    assert epw % ch == 0
    npt0 = (n // NS) & ~7
    nlast = n - npt0 * (NS - 1)

    @functools.partial(
        pl.kernel,
        out_type=jax.ShapeDtypeStruct((NC, n, F), jnp.float32),
        mesh=_sc_mesh,
        scratch_types=[
            pltpu.VMEM((nch, ch), jnp.int32),
            pltpu.VMEM((ch, F), jnp.float32),
            pltpu.VMEM((ch, F), jnp.float32),
            pltpu.VMEM_SHARED((n, F), jnp.float32),
            pltpu.SemaphoreType.DMA,
            pltpu.SemaphoreType.DMA,
        ],
    )
    def scatter_m(m_hbm, src_hbm, z_hbm, out_hbm, src_v, mb0, mb1, acc, sm0, sm1):
        mbs = (mb0, mb1)
        sms = (sm0, sm1)
        cc = lax.axis_index("c")
        ss = lax.axis_index("s")
        wid = ss * NC + cc
        pltpu.sync_copy(src_hbm.at[wid], src_v)
        row0 = ss * npt0

        @pl.when(ss < NS - 1)
        def _():
            pltpu.sync_copy(z_hbm.at[pl.ds(row0, npt0)], acc.at[pl.ds(row0, npt0)])

        @pl.when(ss == NS - 1)
        def _():
            pltpu.sync_copy(z_hbm.at[pl.ds(row0, nlast)], acc.at[pl.ds(row0, nlast)])

        plsc.subcore_barrier()
        base = wid * epw

        def issue_r(c, s):
            pltpu.async_copy(m_hbm.at[pl.ds(base + c * ch, ch)], mbs[s], sms[s])

        def wait_r(s):
            pltpu.make_async_copy(m_hbm.at[pl.ds(base, ch)], mbs[s], sms[s]).wait()

        issue_r(0, 0)

        @pl.loop(0, pl.cdiv(nch, 2))
        def _pair(p):
            c0 = p * 2
            for j in range(2):
                c = c0 + j

                def _step(c=c, s=j):
                    @pl.when(c + 1 < nch)
                    def _():
                        issue_r(c + 1, 1 - s)

                    wait_r(s)
                    pltpu.sync_copy(mbs[s], acc.at[src_v.at[c]], add=True)

                if j == 0:
                    _step()
                else:
                    pl.when(c < nch)(_step)

        plsc.subcore_barrier()

        @pl.when(ss < NS - 1)
        def _():
            pltpu.sync_copy(acc.at[pl.ds(row0, npt0)], out_hbm.at[cc, pl.ds(row0, npt0)])

        @pl.when(ss == NS - 1)
        def _():
            pltpu.sync_copy(acc.at[pl.ds(row0, nlast)], out_hbm.at[cc, pl.ds(row0, nlast)])

    return scatter_m


def _final_body(pa_ref, pb_ref, atom_ref, ga_ref, ba_ref, out_ref):
    mi = pa_ref[0] + pa_ref[1] + pb_ref[0] + pb_ref[1]
    mean = jnp.mean(mi, axis=0, keepdims=True)
    ctr = mi - mean
    var = jnp.mean(ctr * ctr, axis=0, keepdims=True)
    mih = ctr * lax.rsqrt(var + EPS) * ga_ref[...] + ba_ref[...]
    out_ref[...] = jax.nn.softplus(atom_ref[...] + mih)


def kernel(atom_feature, edge_feature, edge_index, W_full, b_full, g_msg, b_msg, g_agg, b_agg):
    n, f = atom_feature.shape
    e = edge_feature.shape[0]
    eh = e // NSPLIT
    ch = 40
    assert f == F and edge_feature.shape[1] == BW
    assert eh % (NW * ch) == 0 and eh % TE == 0 and n % NS == 0
    epw = eh // NW
    nch = epw // ch

    src = edge_index[:, 0].astype(jnp.int32)
    dst = edge_index[:, 1].astype(jnp.int32)
    W1 = W_full[:F]
    W2 = W_full[F : 2 * F]
    W3 = W_full[2 * F :]
    w3k = jnp.kron(jnp.eye(8, dtype=jnp.float32), W3).astype(jnp.bfloat16)
    x2 = edge_feature.reshape(e // 8, 8 * BW).astype(jnp.bfloat16)

    A1, A2 = pl.pallas_call(
        _precompute_body,
        out_shape=[jax.ShapeDtypeStruct((n, F), jnp.int32)] * 2,
    )(atom_feature, W1, W2)

    gather = _make_gather_h(eh, ch)
    halves = []
    for half in range(NSPLIT):
        src3 = lax.slice_in_dim(src, half * eh, (half + 1) * eh).reshape(NW, nch, ch)
        dst3 = lax.slice_in_dim(dst, half * eh, (half + 1) * eh).reshape(NW, nch, ch)
        h1, h2 = gather(A1, A2, src3, dst3)
        halves.append((src3, h1, h2))

    grid = (eh // TE,)
    stats = []
    for half, (_, h1, h2) in enumerate(halves):
        xoff = half * (eh // TE)
        st = pl.pallas_call(
            _stats_body,
            grid=grid,
            in_specs=[
                pl.BlockSpec((TE, F), lambda i: (i, 0)),
                pl.BlockSpec((TE, F), lambda i: (i, 0)),
                pl.BlockSpec((TE // 8, 8 * BW), lambda i, xoff=xoff: (i + xoff, 0)),
                pl.BlockSpec((F, 8 * H), lambda i: (0, 0)),
            ],
            out_specs=pl.BlockSpec((8, H), lambda i: (0, 0)),
            out_shape=jax.ShapeDtypeStruct((8, H), jnp.float32),
        )(h1, h2, x2, w3k)
        stats.append(st)

    st = stats[0] + stats[1]
    su0 = st[0]
    sq0 = st[1]
    su = su0 + e * b_full
    sq = sq0 + 2.0 * b_full * su0 + e * b_full * b_full
    mean = su / e
    var = sq / e - mean * mean
    scale = g_msg / jnp.sqrt(var + EPS)
    shift = (b_msg - mean * scale) + b_full * scale
    ssb = jnp.zeros((8, H), jnp.float32).at[0].set(scale).at[1].set(shift)

    scatter = _make_scatter(n, eh, ch)
    zeros_nf = jnp.zeros((n, F), jnp.float32)
    partials = []
    for half, (src3, h1, h2) in enumerate(halves):
        xoff = half * (eh // TE)
        m = pl.pallas_call(
            _act_body,
            grid=grid,
            in_specs=[
                pl.BlockSpec((TE, F), lambda i: (i, 0)),
                pl.BlockSpec((TE, F), lambda i: (i, 0)),
                pl.BlockSpec((TE // 8, 8 * BW), lambda i, xoff=xoff: (i + xoff, 0)),
                pl.BlockSpec((F, 8 * H), lambda i: (0, 0)),
                pl.BlockSpec((8, H), lambda i: (0, 0)),
            ],
            out_specs=pl.BlockSpec((TE, F), lambda i: (i, 0)),
            out_shape=jax.ShapeDtypeStruct((eh, F), jnp.float32),
        )(h1, h2, x2, w3k, ssb)
        partials.append(scatter(m, src3, zeros_nf))

    out = pl.pallas_call(
        _final_body,
        out_shape=jax.ShapeDtypeStruct((n, F), jnp.float32),
    )(partials[0], partials[1], atom_feature, g_agg.reshape(1, F), b_agg.reshape(1, F))
    return out

# --- scband reference (transcript-rebuilt; emitter-appended) ---
"""Pipeline reference for scband-conv-layer-40123584479572 (READ-ONLY COPY).

The authoritative reference and input builder live on the scoring server;
editing this copy changes nothing except your own understanding.
"""

import jax, jax.numpy as jnp
import numpy as np

F = 128
B = 16
N = 10000
E = 320000
EPS = 1e-5


def _batchnorm(x, gamma, beta):
    mean = jnp.mean(x, axis=0)
    var = jnp.var(x, axis=0)  # biased variance, as torch BN uses for normalization
    return (x - mean) / jnp.sqrt(var + EPS) * gamma + beta


def setup_inputs(seed: int = 0) -> dict:
    key = jax.random.key(seed)
    k1, k2, k3, k4, k5 = jax.random.split(key, 5)
    atom_feature = jax.random.normal(k1, (N, F), dtype=jnp.float32)
    edge_feature = jax.random.normal(k2, (E, B), dtype=jnp.float32)
    edge_index = jax.random.randint(k3, (E, 2), 0, N, dtype=jnp.int64)
    fan_in = 2 * F + B
    bound = 1.0 / np.sqrt(fan_in)
    W_full = jax.random.uniform(k4, (fan_in, 2 * F), minval=-bound, maxval=bound, dtype=jnp.float32)
    b_full = jax.random.uniform(k5, (2 * F,), minval=-bound, maxval=bound, dtype=jnp.float32)
    g_msg = jnp.ones((2 * F,), dtype=jnp.float32)
    b_msg = jnp.zeros((2 * F,), dtype=jnp.float32)
    g_agg = jnp.ones((F,), dtype=jnp.float32)
    b_agg = jnp.zeros((F,), dtype=jnp.float32)
    return {
        "atom_feature": atom_feature,
        "edge_feature": edge_feature,
        "edge_index": edge_index,
        "W_full": W_full,
        "b_full": b_full,
        "g_msg": g_msg,
        "b_msg": b_msg,
        "g_agg": g_agg,
        "b_agg": b_agg,
    }


def reference(atom_feature, edge_feature, edge_index, W_full, b_full, g_msg, b_msg, g_agg, b_agg):
    src = edge_index[:, 0]
    dst = edge_index[:, 1]
    v_i = jnp.take(atom_feature, src, axis=0)
    v_j = jnp.take(atom_feature, dst, axis=0)
    z_ij = jnp.concatenate([v_i, v_j, edge_feature], axis=1)
    gated = z_ij @ W_full + b_full
    gated = _batchnorm(gated, g_msg, b_msg)
    f_ij, s_ij = jnp.split(gated, 2, axis=1)
    m_ij = jax.nn.sigmoid(f_ij) * jax.nn.softplus(s_ij)
    num_nodes = atom_feature.shape[0]
    m_i = jnp.zeros((num_nodes, m_ij.shape[1]), dtype=m_ij.dtype).at[src].add(m_ij)
    m_i = _batchnorm(m_i, g_agg, b_agg)
    out = jax.nn.softplus(atom_feature + m_i)
    return out

if __name__ == "__main__":
    import jax
    _d = setup_inputs()
    print(jax.jit(kernel)(*tuple(_d.values())))

</pallas_src>

<mosaic_0001>
#map = affine_map<(d0, d1) -> (0, 0)>
#map1 = affine_map<(d0, d1) -> (0, 0, 0)>
module attributes {stable_mosaic.version = 14 : i64} {
  func.func @scatter_m(%arg0: i32, %arg1: i32, %arg2: memref<160000x128xf32, #tpu.memory_space<hbm>>, %arg3: memref<32x125x40xi32, #tpu.memory_space<hbm>>, %arg4: memref<10000x128xf32, #tpu.memory_space<hbm>>, %arg5: memref<2x10000x128xf32, #tpu.memory_space<hbm>>, %arg6: memref<125x40xi32, #tpu.memory_space<vmem>>, %arg7: memref<40x128xf32, #tpu.memory_space<vmem>>, %arg8: memref<40x128xf32, #tpu.memory_space<vmem>>, %arg9: memref<10000x128xf32, #tpu.memory_space<vmem_shared>>, %arg10: memref<!tpu.dma_semaphore, #tpu.memory_space<semaphore_mem>>, %arg11: memref<!tpu.dma_semaphore, #tpu.memory_space<semaphore_mem>>) attributes {dimension_semantics = [#tpu.dimension_semantics<core_parallel>, #tpu.dimension_semantics<subcore_parallel>], iteration_bounds = array<i64: 2, 16>, scalar_prefetch = 0 : i64, scratch_operands = 6 : i64, tpu.core_type = #tpu.core_type<sc_vector_subcore>, window_params = [{transform_indices = #map}, {transform_indices = #map1}, {transform_indices = #map}, {transform_indices = #map1}]} {
    %mul3A = arith.constant 2 : i32
    %mul3A_0 = arith.muli %arg1, %mul3A : i32
    %add3A = arith.addi %mul3A_0, %arg0 : i32
    "tpu.region"() ({
      %run_scoped3A = tpu.sem_alloc : memref<!tpu.dma_semaphore, #tpu.memory_space<semaphore_mem>>
      %dma_start3A_31 = arith.constant 0 : i32
      %dma_start3A_32 = arith.constant 0 : i32
      %dma_start3A_33 = tpu.memref_slice %arg3[%add3A, %dma_start3A_31, %dma_start3A_32] : memref<32x125x40xi32, #tpu.memory_space<hbm>> -> memref<1x125x40xi32, #tpu.memory_space<hbm>>
      %dma_start3A_34 = tpu.memref_squeeze %dma_start3A_33 : memref<1x125x40xi32, #tpu.memory_space<hbm>> -> memref<125x40xi32, #tpu.memory_space<hbm>>
      %dma_start3A_35 = arith.constant 0 : i32
      %dma_start3A_36 = arith.constant 0 : i32
      %dma_start3A_37 = tpu.memref_slice %arg3[%add3A, %dma_start3A_35, %dma_start3A_36] : memref<32x125x40xi32, #tpu.memory_space<hbm>> -> memref<1x125x40xi32, #tpu.memory_space<hbm>>
      %dma_start3A_38 = tpu.memref_squeeze %dma_start3A_37 : memref<1x125x40xi32, #tpu.memory_space<hbm>> -> memref<125x40xi32, #tpu.memory_space<hbm>>
      tpu.enqueue_dma source(%dma_start3A_38 : memref<125x40xi32, #tpu.memory_space<hbm>>) target(%arg6 : memref<125x40xi32, #tpu.memory_space<vmem>>) target_semaphore(%run_scoped3A : memref<!tpu.dma_semaphore, #tpu.memory_space<semaphore_mem>>)
      %dma_wait3A = arith.constant 0 : i32
      %dma_wait3A_39 = arith.constant 0 : i32
      %dma_wait3A_40 = tpu.memref_slice %arg3[%add3A, %dma_wait3A, %dma_wait3A_39] : memref<32x125x40xi32, #tpu.memory_space<hbm>> -> memref<1x125x40xi32, #tpu.memory_space<hbm>>
      %dma_wait3A_41 = tpu.memref_squeeze %dma_wait3A_40 : memref<1x125x40xi32, #tpu.memory_space<hbm>> -> memref<125x40xi32, #tpu.memory_space<hbm>>
      %dma_wait3A_42 = arith.constant 0 : i32
      %dma_wait3A_43 = arith.constant 0 : i32
      %dma_wait3A_44 = tpu.memref_slice %arg3[%add3A, %dma_wait3A_42, %dma_wait3A_43] : memref<32x125x40xi32, #tpu.memory_space<hbm>> -> memref<1x125x40xi32, #tpu.memory_space<hbm>>
      %dma_wait3A_45 = tpu.memref_squeeze %dma_wait3A_44 : memref<1x125x40xi32, #tpu.memory_space<hbm>> -> memref<125x40xi32, #tpu.memory_space<hbm>>
      tpu.wait_dma2 semaphore(%run_scoped3A : memref<!tpu.dma_semaphore, #tpu.memory_space<semaphore_mem>>) src(%dma_wait3A_45 : memref<125x40xi32, #tpu.memory_space<hbm>>) dst(%arg6 : memref<125x40xi32, #tpu.memory_space<vmem>>)
      tpu.yield
    }) : () -> ()
    %mul3A_1 = arith.constant 624 : i32
    %mul3A_2 = arith.muli %arg1, %mul3A_1 : i32
    %lt3A = arith.constant 15 : i32
    %lt3A_3 = arith.cmpi slt, %arg1, %lt3A : i32
    %convert_element_type3A = arith.extui %lt3A_3 : i1 to i32
    %cond3A = arith.constant 0 : i32
    %cond3A_4 = arith.cmpi ne, %convert_element_type3A, %cond3A : i32
    scf.if %cond3A_4 {
      "tpu.region"() ({
        %run_scoped3A = tpu.sem_alloc : memref<!tpu.dma_semaphore, #tpu.memory_space<semaphore_mem>>
        %dma_start3A_31 = arith.constant 0 : i32
        %dma_start3A_32 = tpu.memref_slice %arg9[%mul3A_2, %dma_start3A_31] : memref<10000x128xf32, #tpu.memory_space<vmem_shared>> -> memref<624x128xf32, #tpu.memory_space<vmem_shared>>
        %dma_start3A_33 = arith.constant 0 : i32
        %dma_start3A_34 = tpu.memref_slice %arg4[%mul3A_2, %dma_start3A_33] : memref<10000x128xf32, #tpu.memory_space<hbm>> -> memref<624x128xf32, #tpu.memory_space<hbm>>
        tpu.enqueue_dma source(%dma_start3A_34 : memref<624x128xf32, #tpu.memory_space<hbm>>) target(%dma_start3A_32 : memref<624x128xf32, #tpu.memory_space<vmem_shared>>) target_semaphore(%run_scoped3A : memref<!tpu.dma_semaphore, #tpu.memory_space<semaphore_mem>>)
        %dma_wait3A = arith.constant 0 : i32
        %dma_wait3A_35 = tpu.memref_slice %arg9[%mul3A_2, %dma_wait3A] : memref<10000x128xf32, #tpu.memory_space<vmem_shared>> -> memref<624x128xf32, #tpu.memory_space<vmem_shared>>
        %dma_wait3A_36 = arith.constant 0 : i32
        %dma_wait3A_37 = tpu.memref_slice %arg4[%mul3A_2, %dma_wait3A_36] : memref<10000x128xf32, #tpu.memory_space<hbm>> -> memref<624x128xf32, #tpu.memory_space<hbm>>
        tpu.wait_dma2 semaphore(%run_scoped3A : memref<!tpu.dma_semaphore, #tpu.memory_space<semaphore_mem>>) src(%dma_wait3A_37 : memref<624x128xf32, #tpu.memory_space<hbm>>) dst(%dma_wait3A_35 : memref<624x128xf32, #tpu.memory_space<vmem_shared>>)
        tpu.yield
      }) : () -> ()
    } else {
    }
    %eq3A = arith.constant 15 : i32
    %eq3A_5 = arith.cmpi eq, %arg1, %eq3A : i32
    %convert_element_type3A_6 = arith.extui %eq3A_5 : i1 to i32
    %cond3A_7 = arith.constant 0 : i32
    %cond3A_8 = arith.cmpi ne, %convert_element_type3A_6, %cond3A_7 : i32
    scf.if %cond3A_8 {
      "tpu.region"() ({
        %run_scoped3A = tpu.sem_alloc : memref<!tpu.dma_semaphore, #tpu.memory_space<semaphore_mem>>
        %dma_start3A_31 = arith.constant 0 : i32
        %dma_start3A_32 = tpu.memref_slice %arg9[%mul3A_2, %dma_start3A_31] : memref<10000x128xf32, #tpu.memory_space<vmem_shared>> -> memref<640x128xf32, #tpu.memory_space<vmem_shared>>
        %dma_start3A_33 = arith.constant 0 : i32
        %dma_start3A_34 = tpu.memref_slice %arg4[%mul3A_2, %dma_start3A_33] : memref<10000x128xf32, #tpu.memory_space<hbm>> -> memref<640x128xf32, #tpu.memory_space<hbm>>
        tpu.enqueue_dma source(%dma_start3A_34 : memref<640x128xf32, #tpu.memory_space<hbm>>) target(%dma_start3A_32 : memref<640x128xf32, #tpu.memory_space<vmem_shared>>) target_semaphore(%run_scoped3A : memref<!tpu.dma_semaphore, #tpu.memory_space<semaphore_mem>>)
        %dma_wait3A = arith.constant 0 : i32
        %dma_wait3A_35 = tpu.memref_slice %arg9[%mul3A_2, %dma_wait3A] : memref<10000x128xf32, #tpu.memory_space<vmem_shared>> -> memref<640x128xf32, #tpu.memory_space<vmem_shared>>
        %dma_wait3A_36 = arith.constant 0 : i32
        %dma_wait3A_37 = tpu.memref_slice %arg4[%mul3A_2, %dma_wait3A_36] : memref<10000x128xf32, #tpu.memory_space<hbm>> -> memref<640x128xf32, #tpu.memory_space<hbm>>
        tpu.wait_dma2 semaphore(%run_scoped3A : memref<!tpu.dma_semaphore, #tpu.memory_space<semaphore_mem>>) src(%dma_wait3A_37 : memref<640x128xf32, #tpu.memory_space<hbm>>) dst(%dma_wait3A_35 : memref<640x128xf32, #tpu.memory_space<vmem_shared>>)
        tpu.yield
      }) : () -> ()
    } else {
    }
    %barrier3A = arith.constant 0 : index
    tpu.barrier barrier_id(%barrier3A)
    %mul3A_9 = arith.constant 5000 : i32
    %mul3A_10 = arith.muli %add3A, %mul3A_9 : i32
    %add3A_11 = arith.constant 0 : i32
    %add3A_12 = arith.addi %mul3A_10, %add3A_11 : i32
    %dma_start3A = arith.constant 0 : i32
    %dma_start3A_13 = tpu.memref_slice %arg2[%add3A_12, %dma_start3A] : memref<160000x128xf32, #tpu.memory_space<hbm>> -> memref<40x128xf32, #tpu.memory_space<hbm>>
    %dma_start3A_14 = arith.constant 0 : i32
    %dma_start3A_15 = tpu.memref_slice %arg2[%add3A_12, %dma_start3A_14] : memref<160000x128xf32, #tpu.memory_space<hbm>> -> memref<40x128xf32, #tpu.memory_space<hbm>>
    tpu.enqueue_dma source(%dma_start3A_15 : memref<40x128xf32, #tpu.memory_space<hbm>>) target(%arg7 : memref<40x128xf32, #tpu.memory_space<vmem>>) target_semaphore(%arg10 : memref<!tpu.dma_semaphore, #tpu.memory_space<semaphore_mem>>)
    %scan3A = arith.constant 0 : i32
    %scan3A_16 = arith.constant 63 : i32
    %scan3A_17 = arith.addi %scan3A, %scan3A_16 : i32
    %scan3A_18 = arith.constant 1 : i32
    scf.for %scan3A_31 = %scan3A to %scan3A_17 step %scan3A_18  : i32 {
      %mul3A_32 = arith.constant 1 : i32
      %mul3A_33 = arith.muli %scan3A_31, %mul3A_32 : i32
      %add3A_34 = arith.constant 0 : i32
      %add3A_35 = arith.addi %add3A_34, %mul3A_33 : i32
      %mul3A_36 = arith.constant 2 : i32
      %mul3A_37 = arith.muli %add3A_35, %mul3A_36 : i32
      %add3A_38 = arith.constant 0 : i32
      %add3A_39 = arith.addi %mul3A_37, %add3A_38 : i32
      %add3A_40 = arith.constant 1 : i32
      %add3A_41 = arith.addi %add3A_39, %add3A_40 : i32
      %lt3A_42 = arith.constant 125 : i32
      %lt3A_43 = arith.cmpi slt, %add3A_41, %lt3A_42 : i32
      %convert_element_type3A_44 = arith.extui %lt3A_43 : i1 to i32
      %cond3A_45 = arith.constant 0 : i32
      %cond3A_46 = arith.cmpi ne, %convert_element_type3A_44, %cond3A_45 : i32
      scf.if %cond3A_46 {
        %add3A_57 = arith.constant 1 : i32
        %add3A_58 = arith.addi %add3A_39, %add3A_57 : i32
        %mul3A_59 = arith.constant 40 : i32
        %mul3A_60 = arith.muli %add3A_58, %mul3A_59 : i32
        %add3A_61 = arith.addi %mul3A_10, %mul3A_60 : i32
        %dma_start3A_62 = arith.constant 0 : i32
        %dma_start3A_63 = tpu.memref_slice %arg2[%add3A_61, %dma_start3A_62] : memref<160000x128xf32, #tpu.memory_space<hbm>> -> memref<40x128xf32, #tpu.memory_space<hbm>>
        %dma_start3A_64 = arith.constant 0 : i32
        %dma_start3A_65 = tpu.memref_slice %arg2[%add3A_61, %dma_start3A_64] : memref<160000x128xf32, #tpu.memory_space<hbm>> -> memref<40x128xf32, #tpu.memory_space<hbm>>
        tpu.enqueue_dma source(%dma_start3A_65 : memref<40x128xf32, #tpu.memory_space<hbm>>) target(%arg8 : memref<40x128xf32, #tpu.memory_space<vmem>>) target_semaphore(%arg11 : memref<!tpu.dma_semaphore, #tpu.memory_space<semaphore_mem>>)
      } else {
      }
      %dma_wait3A = arith.constant 0 : i32
      %dma_wait3A_47 = tpu.memref_slice %arg2[%mul3A_10, %dma_wait3A] : memref<160000x128xf32, #tpu.memory_space<hbm>> -> memref<40x128xf32, #tpu.memory_space<hbm>>
      %dma_wait3A_48 = arith.constant 0 : i32
      %dma_wait3A_49 = tpu.memref_slice %arg2[%mul3A_10, %dma_wait3A_48] : memref<160000x128xf32, #tpu.memory_space<hbm>> -> memref<40x128xf32, #tpu.memory_space<hbm>>
      tpu.wait_dma2 semaphore(%arg10 : memref<!tpu.dma_semaphore, #tpu.memory_space<semaphore_mem>>) src(%dma_wait3A_49 : memref<40x128xf32, #tpu.memory_space<hbm>>) dst(%arg7 : memref<40x128xf32, #tpu.memory_space<vmem>>)
      "tpu.region"() ({
        %run_scoped3A = tpu.sem_alloc : memref<!tpu.dma_semaphore, #tpu.memory_space<semaphore_mem>>
        %dma_start3A_57 = arith.constant 0 : i32
        %dma_start3A_58 = tpu.memref_slice %arg6[%add3A_39, %dma_start3A_57] : memref<125x40xi32, #tpu.memory_space<vmem>> -> memref<1x40xi32, #tpu.memory_space<vmem>>
        %dma_start3A_59 = tpu.memref_squeeze %dma_start3A_58 : memref<1x40xi32, #tpu.memory_space<vmem>> -> memref<40xi32, #tpu.memory_space<vmem>>
        %dma_start3A_60 = arith.constant 0 : i32
        %dma_start3A_61 = arith.constant 0 : i32
        %dma_start3A_62 = tpu.memref_slice %arg9[%dma_start3A_60, %dma_start3A_61] : memref<10000x128xf32, #tpu.memory_space<vmem_shared>> -> memref<10000x128xf32, #tpu.memory_space<vmem_shared>>
        tpu.enqueue_indirect_dma source(%arg7 : memref<40x128xf32, #tpu.memory_space<vmem>>) target(%dma_start3A_62 : memref<10000x128xf32, #tpu.memory_space<vmem_shared>>) offsets(%dma_start3A_59 : memref<40xi32, #tpu.memory_space<vmem>>) semaphore(%run_scoped3A : memref<!tpu.dma_semaphore, #tpu.memory_space<semaphore_mem>>) {add = true}
        %dma_wait3A_63 = arith.constant 0 : i32
        %dma_wait3A_64 = tpu.memref_slice %arg6[%add3A_39, %dma_wait3A_63] : memref<125x40xi32, #tpu.memory_space<vmem>> -> memref<1x40xi32, #tpu.memory_space<vmem>>
        %dma_wait3A_65 = tpu.memref_squeeze %dma_wait3A_64 : memref<1x40xi32, #tpu.memory_space<vmem>> -> memref<40xi32, #tpu.memory_space<vmem>>
        %dma_wait3A_66 = arith.constant 0 : i32
        %dma_wait3A_67 = arith.constant 0 : i32
        %dma_wait3A_68 = tpu.memref_slice %arg9[%dma_wait3A_66, %dma_wait3A_67] : memref<10000x128xf32, #tpu.memory_space<vmem_shared>> -> memref<10000x128xf32, #tpu.memory_space<vmem_shared>>
        tpu.wait_indirect_dma semaphore(%run_scoped3A : memref<!tpu.dma_semaphore, #tpu.memory_space<semaphore_mem>>) src(%arg7 : memref<40x128xf32, #tpu.memory_space<vmem>>) dst(%dma_wait3A_68 : memref<10000x128xf32, #tpu.memory_space<vmem_shared>>)
        tpu.yield
      }) : () -> ()
      %add3A_50 = arith.constant 1 : i32
      %add3A_51 = arith.addi %mul3A_37, %add3A_50 : i32
      %lt3A_52 = arith.constant 125 : i32
      %lt3A_53 = arith.cmpi slt, %add3A_51, %lt3A_52 : i32
      %convert_element_type3A_54 = arith.extui %lt3A_53 : i1 to i32
      %cond3A_55 = arith.constant 0 : i32
      %cond3A_56 = arith.cmpi ne, %convert_element_type3A_54, %cond3A_55 : i32
      scf.if %cond3A_56 {
        %add3A_57 = arith.constant 1 : i32
        %add3A_58 = arith.addi %add3A_51, %add3A_57 : i32
        %lt3A_59 = arith.constant 125 : i32
        %lt3A_60 = arith.cmpi slt, %add3A_58, %lt3A_59 : i32
        %convert_element_type3A_61 = arith.extui %lt3A_60 : i1 to i32
        %cond3A_62 = arith.constant 0 : i32
        %cond3A_63 = arith.cmpi ne, %convert_element_type3A_61, %cond3A_62 : i32
        scf.if %cond3A_63 {
          %add3A_68 = arith.constant 1 : i32
          %add3A_69 = arith.addi %add3A_51, %add3A_68 : i32
          %mul3A_70 = arith.constant 40 : i32
          %mul3A_71 = arith.muli %add3A_69, %mul3A_70 : i32
          %add3A_72 = arith.addi %mul3A_10, %mul3A_71 : i32
          %dma_start3A_73 = arith.constant 0 : i32
          %dma_start3A_74 = tpu.memref_slice %arg2[%add3A_72, %dma_start3A_73] : memref<160000x128xf32, #tpu.memory_space<hbm>> -> memref<40x128xf32, #tpu.memory_space<hbm>>
          %dma_start3A_75 = arith.constant 0 : i32
          %dma_start3A_76 = tpu.memref_slice %arg2[%add3A_72, %dma_start3A_75] : memref<160000x128xf32, #tpu.memory_space<hbm>> -> memref<40x128xf32, #tpu.memory_space<hbm>>
          tpu.enqueue_dma source(%dma_start3A_76 : memref<40x128xf32, #tpu.memory_space<hbm>>) target(%arg7 : memref<40x128xf32, #tpu.memory_space<vmem>>) target_semaphore(%arg10 : memref<!tpu.dma_semaphore, #tpu.memory_space<semaphore_mem>>)
        } else {
        }
        %dma_wait3A_64 = arith.constant 0 : i32
        %dma_wait3A_65 = tpu.memref_slice %arg2[%mul3A_10, %dma_wait3A_64] : memref<160000x128xf32, #tpu.memory_space<hbm>> -> memref<40x128xf32, #tpu.memory_space<hbm>>
        %dma_wait3A_66 = arith.constant 0 : i32
        %dma_wait3A_67 = tpu.memref_slice %arg2[%mul3A_10, %dma_wait3A_66] : memref<160000x128xf32, #tpu.memory_space<hbm>> -> memref<40x128xf32, #tpu.memory_space<hbm>>
        tpu.wait_dma2 semaphore(%arg11 : memref<!tpu.dma_semaphore, #tpu.memory_space<semaphore_mem>>) src(%dma_wait3A_67 : memref<40x128xf32, #tpu.memory_space<hbm>>) dst(%arg8 : memref<40x128xf32, #tpu.memory_space<vmem>>)
        "tpu.region"() ({
          %run_scoped3A = tpu.sem_alloc : memref<!tpu.dma_semaphore, #tpu.memory_space<semaphore_mem>>
          %dma_start3A_68 = arith.constant 0 : i32
          %dma_start3A_69 = tpu.memref_slice %arg6[%add3A_51, %dma_start3A_68] : memref<125x40xi32, #tpu.memory_space<vmem>> -> memref<1x40xi32, #tpu.memory_space<vmem>>
          %dma_start3A_70 = tpu.memref_squeeze %dma_start3A_69 : memref<1x40xi32, #tpu.memory_space<vmem>> -> memref<40xi32, #tpu.memory_space<vmem>>
          %dma_start3A_71 = arith.constant 0 : i32
          %dma_start3A_72 = arith.constant 0 : i32
          %dma_start3A_73 = tpu.memref_slice %arg9[%dma_start3A_71, %dma_start3A_72] : memref<10000x128xf32, #tpu.memory_space<vmem_shared>> -> memref<10000x128xf32, #tpu.memory_space<vmem_shared>>
          tpu.enqueue_indirect_dma source(%arg8 : memref<40x128xf32, #tpu.memory_space<vmem>>) target(%dma_start3A_73 : memref<10000x128xf32, #tpu.memory_space<vmem_shared>>) offsets(%dma_start3A_70 : memref<40xi32, #tpu.memory_space<vmem>>) semaphore(%run_scoped3A : memref<!tpu.dma_semaphore, #tpu.memory_space<semaphore_mem>>) {add = true}
          %dma_wait3A_74 = arith.constant 0 : i32
          %dma_wait3A_75 = tpu.memref_slice %arg6[%add3A_51, %dma_wait3A_74] : memref<125x40xi32, #tpu.memory_space<vmem>> -> memref<1x40xi32, #tpu.memory_space<vmem>>
          %dma_wait3A_76 = tpu.memref_squeeze %dma_wait3A_75 : memref<1x40xi32, #tpu.memory_space<vmem>> -> memref<40xi32, #tpu.memory_space<vmem>>
          %dma_wait3A_77 = arith.constant 0 : i32
          %dma_wait3A_78 = arith.constant 0 : i32
          %dma_wait3A_79 = tpu.memref_slice %arg9[%dma_wait3A_77, %dma_wait3A_78] : memref<10000x128xf32, #tpu.memory_space<vmem_shared>> -> memref<10000x128xf32, #tpu.memory_space<vmem_shared>>
          tpu.wait_indirect_dma semaphore(%run_scoped3A : memref<!tpu.dma_semaphore, #tpu.memory_space<semaphore_mem>>) src(%arg8 : memref<40x128xf32, #tpu.memory_space<vmem>>) dst(%dma_wait3A_79 : memref<10000x128xf32, #tpu.memory_space<vmem_shared>>)
          tpu.yield
        }) : () -> ()
      } else {
      }
    }
    %scan3A_19 = arith.constant 63 : i32
    %barrier3A_20 = arith.constant 0 : index
    tpu.barrier barrier_id(%barrier3A_20)
    %lt3A_21 = arith.constant 15 : i32
    %lt3A_22 = arith.cmpi slt, %arg1, %lt3A_21 : i32
    %convert_element_type3A_23 = arith.extui %lt3A_22 : i1 to i32
    %cond3A_24 = arith.constant 0 : i32
    %cond3A_25 = arith.cmpi ne, %convert_element_type3A_23, %cond3A_24 : i32
    scf.if %cond3A_25 {
      "tpu.region"() ({
        %run_scoped3A = tpu.sem_alloc : memref<!tpu.dma_semaphore, #tpu.memory_space<semaphore_mem>>
        %dma_start3A_31 = arith.constant 0 : i32
        %dma_start3A_32 = tpu.memref_slice %arg5[%arg0, %mul3A_2, %dma_start3A_31] : memref<2x10000x128xf32, #tpu.memory_space<hbm>> -> memref<1x624x128xf32, #tpu.memory_space<hbm>>
        %dma_start3A_33 = tpu.memref_squeeze %dma_start3A_32 : memref<1x624x128xf32, #tpu.memory_space<hbm>> -> memref<624x128xf32, #tpu.memory_space<hbm>>
        %dma_start3A_34 = arith.constant 0 : i32
        %dma_start3A_35 = tpu.memref_slice %arg9[%mul3A_2, %dma_start3A_34] : memref<10000x128xf32, #tpu.memory_space<vmem_shared>> -> memref<624x128xf32, #tpu.memory_space<vmem_shared>>
        tpu.enqueue_dma source(%dma_start3A_35 : memref<624x128xf32, #tpu.memory_space<vmem_shared>>) target(%dma_start3A_33 : memref<624x128xf32, #tpu.memory_space<hbm>>) target_semaphore(%run_scoped3A : memref<!tpu.dma_semaphore, #tpu.memory_space<semaphore_mem>>)
        %dma_wait3A = arith.constant 0 : i32
        %dma_wait3A_36 = tpu.memref_slice %arg5[%arg0, %mul3A_2, %dma_wait3A] : memref<2x10000x128xf32, #tpu.memory_space<hbm>> -> memref<1x624x128xf32, #tpu.memory_space<hbm>>
        %dma_wait3A_37 = tpu.memref_squeeze %dma_wait3A_36 : memref<1x624x128xf32, #tpu.memory_space<hbm>> -> memref<624x128xf32, #tpu.memory_space<hbm>>
        %dma_wait3A_38 = arith.constant 0 : i32
        %dma_wait3A_39 = tpu.memref_slice %arg9[%mul3A_2, %dma_wait3A_38] : memref<10000x128xf32, #tpu.memory_space<vmem_shared>> -> memref<624x128xf32, #tpu.memory_space<vmem_shared>>
        tpu.wait_dma2 semaphore(%run_scoped3A : memref<!tpu.dma_semaphore, #tpu.memory_space<semaphore_mem>>) src(%dma_wait3A_39 : memref<624x128xf32, #tpu.memory_space<vmem_shared>>) dst(%dma_wait3A_37 : memref<624x128xf32, #tpu.memory_space<hbm>>)
        tpu.yield
      }) : () -> ()
    } else {
    }
    %eq3A_26 = arith.constant 15 : i32
    %eq3A_27 = arith.cmpi eq, %arg1, %eq3A_26 : i32
    %convert_element_type3A_28 = arith.extui %eq3A_27 : i1 to i32
    %cond3A_29 = arith.constant 0 : i32
    %cond3A_30 = arith.cmpi ne, %convert_element_type3A_28, %cond3A_29 : i32
    scf.if %cond3A_30 {
      "tpu.region"() ({
        %run_scoped3A = tpu.sem_alloc : memref<!tpu.dma_semaphore, #tpu.memory_space<semaphore_mem>>
        %dma_start3A_31 = arith.constant 0 : i32
        %dma_start3A_32 = tpu.memref_slice %arg5[%arg0, %mul3A_2, %dma_start3A_31] : memref<2x10000x128xf32, #tpu.memory_space<hbm>> -> memref<1x640x128xf32, #tpu.memory_space<hbm>>
        %dma_start3A_33 = tpu.memref_squeeze %dma_start3A_32 : memref<1x640x128xf32, #tpu.memory_space<hbm>> -> memref<640x128xf32, #tpu.memory_space<hbm>>
        %dma_start3A_34 = arith.constant 0 : i32
        %dma_start3A_35 = tpu.memref_slice %arg9[%mul3A_2, %dma_start3A_34] : memref<10000x128xf32, #tpu.memory_space<vmem_shared>> -> memref<640x128xf32, #tpu.memory_space<vmem_shared>>
        tpu.enqueue_dma source(%dma_start3A_35 : memref<640x128xf32, #tpu.memory_space<vmem_shared>>) target(%dma_start3A_33 : memref<640x128xf32, #tpu.memory_space<hbm>>) target_semaphore(%run_scoped3A : memref<!tpu.dma_semaphore, #tpu.memory_space<semaphore_mem>>)
        %dma_wait3A = arith.constant 0 : i32
        %dma_wait3A_36 = tpu.memref_slice %arg5[%arg0, %mul3A_2, %dma_wait3A] : memref<2x10000x128xf32, #tpu.memory_space<hbm>> -> memref<1x640x128xf32, #tpu.memory_space<hbm>>
        %dma_wait3A_37 = tpu.memref_squeeze %dma_wait3A_36 : memref<1x640x128xf32, #tpu.memory_space<hbm>> -> memref<640x128xf32, #tpu.memory_space<hbm>>
        %dma_wait3A_38 = arith.constant 0 : i32
        %dma_wait3A_39 = tpu.memref_slice %arg9[%mul3A_2, %dma_wait3A_38] : memref<10000x128xf32, #tpu.memory_space<vmem_shared>> -> memref<640x128xf32, #tpu.memory_space<vmem_shared>>
        tpu.wait_dma2 semaphore(%run_scoped3A : memref<!tpu.dma_semaphore, #tpu.memory_space<semaphore_mem>>) src(%dma_wait3A_39 : memref<640x128xf32, #tpu.memory_space<vmem_shared>>) dst(%dma_wait3A_37 : memref<640x128xf32, #tpu.memory_space<hbm>>)
        tpu.yield
      }) : () -> ()
    } else {
    }
    return
  }
}

#map = affine_map<(d0, d1) -> (0, 0)>
#map1 = affine_map<(d0, d1) -> (0, 0, 0)>
module attributes {stable_mosaic.version = 14 : i64} {
  func.func @gather_h(%arg0: i32, %arg1: i32, %arg2: memref<10000x128xi32, #tpu.memory_space<hbm>>, %arg3: memref<10000x128xi32, #tpu.memory_space<hbm>>, %arg4: memref<32x125x40xi32, #tpu.memory_space<hbm>>, %arg5: memref<32x125x40xi32, #tpu.memory_space<hbm>>, %arg6: memref<160000x128xi32, #tpu.memory_space<hbm>>, %arg7: memref<160000x128xi32, #tpu.memory_space<hbm>>, %arg8: memref<125x40xi32, #tpu.memory_space<vmem>>, %arg9: memref<125x40xi32, #tpu.memory_space<vmem>>, %arg10: memref<40x128xi32, #tpu.memory_space<vmem>>, %arg11: memref<40x128xi32, #tpu.memory_space<vmem>>, %arg12: memref<40x128xi32, #tpu.memory_space<vmem>>, %arg13: memref<40x128xi32, #tpu.memory_space<vmem>>, %arg14: memref<40x128xi32, #tpu.memory_space<vmem>>, %arg15: memref<40x128xi32, #tpu.memory_space<vmem>>, %arg16: memref<40x128xi32, #tpu.memory_space<vmem>>, %arg17: memref<40x128xi32, #tpu.memory_space<vmem>>, %arg18: memref<!tpu.dma_semaphore, #tpu.memory_space<semaphore_mem>>, %arg19: memref<!tpu.dma_semaphore, #tpu.memory_space<semaphore_mem>>, %arg20: memref<!tpu.dma_semaphore, #tpu.memory_space<semaphore_mem>>, %arg21: memref<!tpu.dma_semaphore, #tpu.memory_space<semaphore_mem>>, %arg22: memref<!tpu.dma_semaphore, #tpu.memory_space<semaphore_mem>>, %arg23: memref<!tpu.dma_semaphore, #tpu.memory_space<semaphore_mem>>, %arg24: memref<!tpu.dma_semaphore, #tpu.memory_space<semaphore_mem>>, %arg25: memref<!tpu.dma_semaphore, #tpu.memory_space<semaphore_mem>>) attributes {dimension_semantics = [#tpu.dimension_semantics<core_parallel>, #tpu.dimension_semantics<subcore_parallel>], iteration_bounds = array<i64: 2, 16>, scalar_prefetch = 0 : i64, scratch_operands = 18 : i64, tpu.core_type = #tpu.core_type<sc_vector_subcore>, window_params = [{transform_indices = #map}, {transform_indices = #map}, {transform_indices = #map1}, {transform_indices = #map1}, {transform_indices = #map}, {transform_indices = #map}]} {
    %mul3A = arith.constant 2 : i32
    %mul3A_0 = arith.muli %arg1, %mul3A : i32
    %add3A = arith.addi %mul3A_0, %arg0 : i32
    "tpu.region"() ({
      %run_scoped3A = tpu.sem_alloc : memref<!tpu.dma_semaphore, #tpu.memory_space<semaphore_mem>>
      %dma_start3A_79 = arith.constant 0 : i32
      %dma_start3A_80 = arith.constant 0 : i32
      %dma_start3A_81 = tpu.memref_slice %arg4[%add3A, %dma_start3A_79, %dma_start3A_80] : memref<32x125x40xi32, #tpu.memory_space<hbm>> -> memref<1x125x40xi32, #tpu.memory_space<hbm>>
      %dma_start3A_82 = tpu.memref_squeeze %dma_start3A_81 : memref<1x125x40xi32, #tpu.memory_space<hbm>> -> memref<125x40xi32, #tpu.memory_space<hbm>>
      %dma_start3A_83 = arith.constant 0 : i32
      %dma_start3A_84 = arith.constant 0 : i32
      %dma_start3A_85 = tpu.memref_slice %arg4[%add3A, %dma_start3A_83, %dma_start3A_84] : memref<32x125x40xi32, #tpu.memory_space<hbm>> -> memref<1x125x40xi32, #tpu.memory_space<hbm>>
      %dma_start3A_86 = tpu.memref_squeeze %dma_start3A_85 : memref<1x125x40xi32, #tpu.memory_space<hbm>> -> memref<125x40xi32, #tpu.memory_space<hbm>>
      tpu.enqueue_dma source(%dma_start3A_86 : memref<125x40xi32, #tpu.memory_space<hbm>>) target(%arg8 : memref<125x40xi32, #tpu.memory_space<vmem>>) target_semaphore(%run_scoped3A : memref<!tpu.dma_semaphore, #tpu.memory_space<semaphore_mem>>)
      %dma_wait3A_87 = arith.constant 0 : i32
      %dma_wait3A_88 = arith.constant 0 : i32
      %dma_wait3A_89 = tpu.memref_slice %arg4[%add3A, %dma_wait3A_87, %dma_wait3A_88] : memref<32x125x40xi32, #tpu.memory_space<hbm>> -> memref<1x125x40xi32, #tpu.memory_space<hbm>>
      %dma_wait3A_90 = tpu.memref_squeeze %dma_wait3A_89 : memref<1x125x40xi32, #tpu.memory_space<hbm>> -> memref<125x40xi32, #tpu.memory_space<hbm>>
      %dma_wait3A_91 = arith.constant 0 : i32
      %dma_wait3A_92 = arith.constant 0 : i32
      %dma_wait3A_93 = tpu.memref_slice %arg4[%add3A, %dma_wait3A_91, %dma_wait3A_92] : memref<32x125x40xi32, #tpu.memory_space<hbm>> -> memref<1x125x40xi32, #tpu.memory_space<hbm>>
      %dma_wait3A_94 = tpu.memref_squeeze %dma_wait3A_93 : memref<1x125x40xi32, #tpu.memory_space<hbm>> -> memref<125x40xi32, #tpu.memory_space<hbm>>
      tpu.wait_dma2 semaphore(%run_scoped3A : memref<!tpu.dma_semaphore, #tpu.memory_space<semaphore_mem>>) src(%dma_wait3A_94 : memref<125x40xi32, #tpu.memory_space<hbm>>) dst(%arg8 : memref<125x40xi32, #tpu.memory_space<vmem>>)
      tpu.yield
    }) : () -> ()
    "tpu.region"() ({
      %run_scoped3A = tpu.sem_alloc : memref<!tpu.dma_semaphore, #tpu.memory_space<semaphore_mem>>
      %dma_start3A_79 = arith.constant 0 : i32
      %dma_start3A_80 = arith.constant 0 : i32
      %dma_start3A_81 = tpu.memref_slice %arg5[%add3A, %dma_start3A_79, %dma_start3A_80] : memref<32x125x40xi32, #tpu.memory_space<hbm>> -> memref<1x125x40xi32, #tpu.memory_space<hbm>>
      %dma_start3A_82 = tpu.memref_squeeze %dma_start3A_81 : memref<1x125x40xi32, #tpu.memory_space<hbm>> -> memref<125x40xi32, #tpu.memory_space<hbm>>
      %dma_start3A_83 = arith.constant 0 : i32
      %dma_start3A_84 = arith.constant 0 : i32
      %dma_start3A_85 = tpu.memref_slice %arg5[%add3A, %dma_start3A_83, %dma_start3A_84] : memref<32x125x40xi32, #tpu.memory_space<hbm>> -> memref<1x125x40xi32, #tpu.memory_space<hbm>>
      %dma_start3A_86 = tpu.memref_squeeze %dma_start3A_85 : memref<1x125x40xi32, #tpu.memory_space<hbm>> -> memref<125x40xi32, #tpu.memory_space<hbm>>
      tpu.enqueue_dma source(%dma_start3A_86 : memref<125x40xi32, #tpu.memory_space<hbm>>) target(%arg9 : memref<125x40xi32, #tpu.memory_space<vmem>>) target_semaphore(%run_scoped3A : memref<!tpu.dma_semaphore, #tpu.memory_space<semaphore_mem>>)
      %dma_wait3A_87 = arith.constant 0 : i32
      %dma_wait3A_88 = arith.constant 0 : i32
      %dma_wait3A_89 = tpu.memref_slice %arg5[%add3A, %dma_wait3A_87, %dma_wait3A_88] : memref<32x125x40xi32, #tpu.memory_space<hbm>> -> memref<1x125x40xi32, #tpu.memory_space<hbm>>
      %dma_wait3A_90 = tpu.memref_squeeze %dma_wait3A_89 : memref<1x125x40xi32, #tpu.memory_space<hbm>> -> memref<125x40xi32, #tpu.memory_space<hbm>>
      %dma_wait3A_91 = arith.constant 0 : i32
      %dma_wait3A_92 = arith.constant 0 : i32
      %dma_wait3A_93 = tpu.memref_slice %arg5[%add3A, %dma_wait3A_91, %dma_wait3A_92] : memref<32x125x40xi32, #tpu.memory_space<hbm>> -> memref<1x125x40xi32, #tpu.memory_space<hbm>>
      %dma_wait3A_94 = tpu.memref_squeeze %dma_wait3A_93 : memref<1x125x40xi32, #tpu.memory_space<hbm>> -> memref<125x40xi32, #tpu.memory_space<hbm>>
      tpu.wait_dma2 semaphore(%run_scoped3A : memref<!tpu.dma_semaphore, #tpu.memory_space<semaphore_mem>>) src(%dma_wait3A_94 : memref<125x40xi32, #tpu.memory_space<hbm>>) dst(%arg9 : memref<125x40xi32, #tpu.memory_space<vmem>>)
      tpu.yield
    }) : () -> ()
    %mul3A_1 = arith.constant 5000 : i32
    %mul3A_2 = arith.muli %add3A, %mul3A_1 : i32
    %dma_start3A = arith.constant 0 : i32
    %dma_start3A_3 = arith.constant 0 : i32
    %dma_start3A_4 = tpu.memref_slice %arg8[%dma_start3A, %dma_start3A_3] : memref<125x40xi32, #tpu.memory_space<vmem>> -> memref<1x40xi32, #tpu.memory_space<vmem>>
    %dma_start3A_5 = tpu.memref_squeeze %dma_start3A_4 : memref<1x40xi32, #tpu.memory_space<vmem>> -> memref<40xi32, #tpu.memory_space<vmem>>
    %dma_start3A_6 = arith.constant 0 : i32
    %dma_start3A_7 = arith.constant 0 : i32
    %dma_start3A_8 = tpu.memref_slice %arg2[%dma_start3A_6, %dma_start3A_7] : memref<10000x128xi32, #tpu.memory_space<hbm>> -> memref<10000x128xi32, #tpu.memory_space<hbm>>
    tpu.enqueue_indirect_dma source(%dma_start3A_8 : memref<10000x128xi32, #tpu.memory_space<hbm>>) target(%arg10 : memref<40x128xi32, #tpu.memory_space<vmem>>) offsets(%dma_start3A_5 : memref<40xi32, #tpu.memory_space<vmem>>) semaphore(%arg18 : memref<!tpu.dma_semaphore, #tpu.memory_space<semaphore_mem>>)
    %dma_start3A_9 = arith.constant 0 : i32
    %dma_start3A_10 = arith.constant 0 : i32
    %dma_start3A_11 = tpu.memref_slice %arg9[%dma_start3A_9, %dma_start3A_10] : memref<125x40xi32, #tpu.memory_space<vmem>> -> memref<1x40xi32, #tpu.memory_space<vmem>>
    %dma_start3A_12 = tpu.memref_squeeze %dma_start3A_11 : memref<1x40xi32, #tpu.memory_space<vmem>> -> memref<40xi32, #tpu.memory_space<vmem>>
    %dma_start3A_13 = arith.constant 0 : i32
    %dma_start3A_14 = arith.constant 0 : i32
    %dma_start3A_15 = tpu.memref_slice %arg3[%dma_start3A_13, %dma_start3A_14] : memref<10000x128xi32, #tpu.memory_space<hbm>> -> memref<10000x128xi32, #tpu.memory_space<hbm>>
    tpu.enqueue_indirect_dma source(%dma_start3A_15 : memref<10000x128xi32, #tpu.memory_space<hbm>>) target(%arg14 : memref<40x128xi32, #tpu.memory_space<vmem>>) offsets(%dma_start3A_12 : memref<40xi32, #tpu.memory_space<vmem>>) semaphore(%arg18 : memref<!tpu.dma_semaphore, #tpu.memory_space<semaphore_mem>>)
    %dma_start3A_16 = arith.constant 1 : i32
    %dma_start3A_17 = arith.constant 0 : i32
    %dma_start3A_18 = tpu.memref_slice %arg8[%dma_start3A_16, %dma_start3A_17] : memref<125x40xi32, #tpu.memory_space<vmem>> -> memref<1x40xi32, #tpu.memory_space<vmem>>
    %dma_start3A_19 = tpu.memref_squeeze %dma_start3A_18 : memref<1x40xi32, #tpu.memory_space<vmem>> -> memref<40xi32, #tpu.memory_space<vmem>>
    %dma_start3A_20 = arith.constant 0 : i32
    %dma_start3A_21 = arith.constant 0 : i32
    %dma_start3A_22 = tpu.memref_slice %arg2[%dma_start3A_20, %dma_start3A_21] : memref<10000x128xi32, #tpu.memory_space<hbm>> -> memref<10000x128xi32, #tpu.memory_space<hbm>>
    tpu.enqueue_indirect_dma source(%dma_start3A_22 : memref<10000x128xi32, #tpu.memory_space<hbm>>) target(%arg11 : memref<40x128xi32, #tpu.memory_space<vmem>>) offsets(%dma_start3A_19 : memref<40xi32, #tpu.memory_space<vmem>>) semaphore(%arg19 : memref<!tpu.dma_semaphore, #tpu.memory_space<semaphore_mem>>)
    %dma_start3A_23 = arith.constant 1 : i32
    %dma_start3A_24 = arith.constant 0 : i32
    %dma_start3A_25 = tpu.memref_slice %arg9[%dma_start3A_23, %dma_start3A_24] : memref<125x40xi32, #tpu.memory_space<vmem>> -> memref<1x40xi32, #tpu.memory_space<vmem>>
    %dma_start3A_26 = tpu.memref_squeeze %dma_start3A_25 : memref<1x40xi32, #tpu.memory_space<vmem>> -> memref<40xi32, #tpu.memory_space<vmem>>
    %dma_start3A_27 = arith.constant 0 : i32
    %dma_start3A_28 = arith.constant 0 : i32
    %dma_start3A_29 = tpu.memref_slice %arg3[%dma_start3A_27, %dma_start3A_28] : memref<10000x128xi32, #tpu.memory_space<hbm>> -> memref<10000x128xi32, #tpu.memory_space<hbm>>
    tpu.enqueue_indirect_dma source(%dma_start3A_29 : memref<10000x128xi32, #tpu.memory_space<hbm>>) target(%arg15 : memref<40x128xi32, #tpu.memory_space<vmem>>) offsets(%dma_start3A_26 : memref<40xi32, #tpu.memory_space<vmem>>) semaphore(%arg19 : memref<!tpu.dma_semaphore, #tpu.memory_space<semaphore_mem>>)
    %dma_start3A_30 = arith.constant 2 : i32
    %dma_start3A_31 = arith.constant 0 : i32
    %dma_start3A_32 = tpu.memref_slice %arg8[%dma_start3A_30, %dma_start3A_31] : memref<125x40xi32, #tpu.memory_space<vmem>> -> memref<1x40xi32, #tpu.memory_space<vmem>>
    %dma_start3A_33 = tpu.memref_squeeze %dma_start3A_32 : memref<1x40xi32, #tpu.memory_space<vmem>> -> memref<40xi32, #tpu.memory_space<vmem>>
    %dma_start3A_34 = arith.constant 0 : i32
    %dma_start3A_35 = arith.constant 0 : i32
    %dma_start3A_36 = tpu.memref_slice %arg2[%dma_start3A_34, %dma_start3A_35] : memref<10000x128xi32, #tpu.memory_space<hbm>> -> memref<10000x128xi32, #tpu.memory_space<hbm>>
    tpu.enqueue_indirect_dma source(%dma_start3A_36 : memref<10000x128xi32, #tpu.memory_space<hbm>>) target(%arg12 : memref<40x128xi32, #tpu.memory_space<vmem>>) offsets(%dma_start3A_33 : memref<40xi32, #tpu.memory_space<vmem>>) semaphore(%arg20 : memref<!tpu.dma_semaphore, #tpu.memory_space<semaphore_mem>>)
    %dma_start3A_37 = arith.constant 2 : i32
    %dma_start3A_38 = arith.constant 0 : i32
    %dma_start3A_39 = tpu.memref_slice %arg9[%dma_start3A_37, %dma_start3A_38] : memref<125x40xi32, #tpu.memory_space<vmem>> -> memref<1x40xi32, #tpu.memory_space<vmem>>
    %dma_start3A_40 = tpu.memref_squeeze %dma_start3A_39 : memref<1x40xi32, #tpu.memory_space<vmem>> -> memref<40xi32, #tpu.memory_space<vmem>>
    %dma_start3A_41 = arith.constant 0 : i32
    %dma_start3A_42 = arith.constant 0 : i32
    %dma_start3A_43 = tpu.memref_slice %arg3[%dma_start3A_41, %dma_start3A_42] : memref<10000x128xi32, #tpu.memory_space<hbm>> -> memref<10000x128xi32, #tpu.memory_space<hbm>>
    tpu.enqueue_indirect_dma source(%dma_start3A_43 : memref<10000x128xi32, #tpu.memory_space<hbm>>) target(%arg16 : memref<40x128xi32, #tpu.memory_space<vmem>>) offsets(%dma_start3A_40 : memref<40xi32, #tpu.memory_space<vmem>>) semaphore(%arg20 : memref<!tpu.dma_semaphore, #tpu.memory_space<semaphore_mem>>)
    %scan3A = arith.constant 0 : i32
    %scan3A_44 = arith.constant 32 : i32
    %scan3A_45 = arith.addi %scan3A, %scan3A_44 : i32
    %scan3A_46 = arith.constant 1 : i32
    scf.for %scan3A_79 = %scan3A to %scan3A_45 step %scan3A_46  : i32 {
      %mul3A_80 = arith.constant 1 : i32
      %mul3A_81 = arith.muli %scan3A_79, %mul3A_80 : i32
      %add3A_82 = arith.constant 0 : i32
      %add3A_83 = arith.addi %add3A_82, %mul3A_81 : i32
      %mul3A_84 = arith.constant 4 : i32
      %mul3A_85 = arith.muli %add3A_83, %mul3A_84 : i32
      %add3A_86 = arith.constant 0 : i32
      %add3A_87 = arith.addi %mul3A_85, %add3A_86 : i32
      %dma_wait3A_88 = arith.constant 0 : i32
      %dma_wait3A_89 = arith.constant 0 : i32
      %dma_wait3A_90 = tpu.memref_slice %arg8[%dma_wait3A_88, %dma_wait3A_89] : memref<125x40xi32, #tpu.memory_space<vmem>> -> memref<1x40xi32, #tpu.memory_space<vmem>>
      %dma_wait3A_91 = tpu.memref_squeeze %dma_wait3A_90 : memref<1x40xi32, #tpu.memory_space<vmem>> -> memref<40xi32, #tpu.memory_space<vmem>>
      %dma_wait3A_92 = arith.constant 0 : i32
      %dma_wait3A_93 = arith.constant 0 : i32
      %dma_wait3A_94 = tpu.memref_slice %arg2[%dma_wait3A_92, %dma_wait3A_93] : memref<10000x128xi32, #tpu.memory_space<hbm>> -> memref<10000x128xi32, #tpu.memory_space<hbm>>
      tpu.wait_indirect_dma semaphore(%arg18 : memref<!tpu.dma_semaphore, #tpu.memory_space<semaphore_mem>>) src(%dma_wait3A_94 : memref<10000x128xi32, #tpu.memory_space<hbm>>) dst(%arg10 : memref<40x128xi32, #tpu.memory_space<vmem>>)
      %dma_wait3A_95 = arith.constant 0 : i32
      %dma_wait3A_96 = arith.constant 0 : i32
      %dma_wait3A_97 = tpu.memref_slice %arg9[%dma_wait3A_95, %dma_wait3A_96] : memref<125x40xi32, #tpu.memory_space<vmem>> -> memref<1x40xi32, #tpu.memory_space<vmem>>
      %dma_wait3A_98 = tpu.memref_squeeze %dma_wait3A_97 : memref<1x40xi32, #tpu.memory_space<vmem>> -> memref<40xi32, #tpu.memory_space<vmem>>
      %dma_wait3A_99 = arith.constant 0 : i32
      %dma_wait3A_100 = arith.constant 0 : i32
      %dma_wait3A_101 = tpu.memref_slice %arg3[%dma_wait3A_99, %dma_wait3A_100] : memref<10000x128xi32, #tpu.memory_space<hbm>> -> memref<10000x128xi32, #tpu.memory_space<hbm>>
      tpu.wait_indirect_dma semaphore(%arg18 : memref<!tpu.dma_semaphore, #tpu.memory_space<semaphore_mem>>) src(%dma_wait3A_101 : memref<10000x128xi32, #tpu.memory_space<hbm>>) dst(%arg14 : memref<40x128xi32, #tpu.memory_space<vmem>>)
      %mul3A_102 = arith.constant 40 : i32
      %mul3A_103 = arith.muli %add3A_87, %mul3A_102 : i32
      %add3A_104 = arith.addi %mul3A_2, %mul3A_103 : i32
      %dma_start3A_105 = arith.constant 0 : i32
      %dma_start3A_106 = tpu.memref_slice %arg6[%add3A_104, %dma_start3A_105] : memref<160000x128xi32, #tpu.memory_space<hbm>> -> memref<40x128xi32, #tpu.memory_space<hbm>>
      %dma_start3A_107 = arith.constant 0 : i32
      %dma_start3A_108 = tpu.memref_slice %arg6[%add3A_104, %dma_start3A_107] : memref<160000x128xi32, #tpu.memory_space<hbm>> -> memref<40x128xi32, #tpu.memory_space<hbm>>
      tpu.enqueue_dma source(%arg10 : memref<40x128xi32, #tpu.memory_space<vmem>>) target(%dma_start3A_108 : memref<40x128xi32, #tpu.memory_space<hbm>>) target_semaphore(%arg22 : memref<!tpu.dma_semaphore, #tpu.memory_space<semaphore_mem>>)
      %dma_start3A_109 = arith.constant 0 : i32
      %dma_start3A_110 = tpu.memref_slice %arg7[%add3A_104, %dma_start3A_109] : memref<160000x128xi32, #tpu.memory_space<hbm>> -> memref<40x128xi32, #tpu.memory_space<hbm>>
      %dma_start3A_111 = arith.constant 0 : i32
      %dma_start3A_112 = tpu.memref_slice %arg7[%add3A_104, %dma_start3A_111] : memref<160000x128xi32, #tpu.memory_space<hbm>> -> memref<40x128xi32, #tpu.memory_space<hbm>>
      tpu.enqueue_dma source(%arg14 : memref<40x128xi32, #tpu.memory_space<vmem>>) target(%dma_start3A_112 : memref<40x128xi32, #tpu.memory_space<hbm>>) target_semaphore(%arg22 : memref<!tpu.dma_semaphore, #tpu.memory_space<semaphore_mem>>)
      %add3A_113 = arith.constant 3 : i32
      %add3A_114 = arith.addi %add3A_87, %add3A_113 : i32
      %lt3A = arith.constant 125 : i32
      %lt3A_115 = arith.cmpi slt, %add3A_114, %lt3A : i32
      %convert_element_type3A = arith.extui %lt3A_115 : i1 to i32
      %cond3A = arith.constant 0 : i32
      %cond3A_116 = arith.cmpi ne, %convert_element_type3A, %cond3A : i32
      scf.if %cond3A_116 {
        %ge3A = arith.constant 1 : i32
        %ge3A_138 = arith.cmpi sge, %add3A_87, %ge3A : i32
        %convert_element_type3A_139 = arith.extui %ge3A_138 : i1 to i32
        %cond3A_140 = arith.constant 0 : i32
        %cond3A_141 = arith.cmpi ne, %convert_element_type3A_139, %cond3A_140 : i32
        scf.if %cond3A_141 {
          %dma_wait3A_154 = arith.constant 0 : i32
          %dma_wait3A_155 = tpu.memref_slice %arg6[%mul3A_2, %dma_wait3A_154] : memref<160000x128xi32, #tpu.memory_space<hbm>> -> memref<40x128xi32, #tpu.memory_space<hbm>>
          %dma_wait3A_156 = arith.constant 0 : i32
          %dma_wait3A_157 = tpu.memref_slice %arg6[%mul3A_2, %dma_wait3A_156] : memref<160000x128xi32, #tpu.memory_space<hbm>> -> memref<40x128xi32, #tpu.memory_space<hbm>>
          tpu.wait_dma2 semaphore(%arg25 : memref<!tpu.dma_semaphore, #tpu.memory_space<semaphore_mem>>) src(%arg13 : memref<40x128xi32, #tpu.memory_space<vmem>>) dst(%dma_wait3A_157 : memref<40x128xi32, #tpu.memory_space<hbm>>)
          %dma_wait3A_158 = arith.constant 0 : i32
          %dma_wait3A_159 = tpu.memref_slice %arg7[%mul3A_2, %dma_wait3A_158] : memref<160000x128xi32, #tpu.memory_space<hbm>> -> memref<40x128xi32, #tpu.memory_space<hbm>>
          %dma_wait3A_160 = arith.constant 0 : i32
          %dma_wait3A_161 = tpu.memref_slice %arg7[%mul3A_2, %dma_wait3A_160] : memref<160000x128xi32, #tpu.memory_space<hbm>> -> memref<40x128xi32, #tpu.memory_space<hbm>>
          tpu.wait_dma2 semaphore(%arg25 : memref<!tpu.dma_semaphore, #tpu.memory_space<semaphore_mem>>) src(%arg17 : memref<40x128xi32, #tpu.memory_space<vmem>>) dst(%dma_wait3A_161 : memref<40x128xi32, #tpu.memory_space<hbm>>)
        } else {
        }
        %dma_start3A_142 = arith.constant 0 : i32
        %dma_start3A_143 = tpu.memref_slice %arg8[%add3A_114, %dma_start3A_142] : memref<125x40xi32, #tpu.memory_space<vmem>> -> memref<1x40xi32, #tpu.memory_space<vmem>>
        %dma_start3A_144 = tpu.memref_squeeze %dma_start3A_143 : memref<1x40xi32, #tpu.memory_space<vmem>> -> memref<40xi32, #tpu.memory_space<vmem>>
        %dma_start3A_145 = arith.constant 0 : i32
        %dma_start3A_146 = arith.constant 0 : i32
        %dma_start3A_147 = tpu.memref_slice %arg2[%dma_start3A_145, %dma_start3A_146] : memref<10000x128xi32, #tpu.memory_space<hbm>> -> memref<10000x128xi32, #tpu.memory_space<hbm>>
        tpu.enqueue_indirect_dma source(%dma_start3A_147 : memref<10000x128xi32, #tpu.memory_space<hbm>>) target(%arg13 : memref<40x128xi32, #tpu.memory_space<vmem>>) offsets(%dma_start3A_144 : memref<40xi32, #tpu.memory_space<vmem>>) semaphore(%arg21 : memref<!tpu.dma_semaphore, #tpu.memory_space<semaphore_mem>>)
        %dma_start3A_148 = arith.constant 0 : i32
        %dma_start3A_149 = tpu.memref_slice %arg9[%add3A_114, %dma_start3A_148] : memref<125x40xi32, #tpu.memory_space<vmem>> -> memref<1x40xi32, #tpu.memory_space<vmem>>
        %dma_start3A_150 = tpu.memref_squeeze %dma_start3A_149 : memref<1x40xi32, #tpu.memory_space<vmem>> -> memref<40xi32, #tpu.memory_space<vmem>>
        %dma_start3A_151 = arith.constant 0 : i32
        %dma_start3A_152 = arith.constant 0 : i32
        %dma_start3A_153 = tpu.memref_slice %arg3[%dma_start3A_151, %dma_start3A_152] : memref<10000x128xi32, #tpu.memory_space<hbm>> -> memref<10000x128xi32, #tpu.memory_space<hbm>>
        tpu.enqueue_indirect_dma source(%dma_start3A_153 : memref<10000x128xi32, #tpu.memory_space<hbm>>) target(%arg17 : memref<40x128xi32, #tpu.memory_space<vmem>>) offsets(%dma_start3A_150 : memref<40xi32, #tpu.memory_space<vmem>>) semaphore(%arg21 : memref<!tpu.dma_semaphore, #tpu.memory_space<semaphore_mem>>)
      } else {
      }
      %add3A_117 = arith.constant 1 : i32
      %add3A_118 = arith.addi %mul3A_85, %add3A_117 : i32
      %lt3A_119 = arith.constant 125 : i32
      %lt3A_120 = arith.cmpi slt, %add3A_118, %lt3A_119 : i32
      %convert_element_type3A_121 = arith.extui %lt3A_120 : i1 to i32
      %cond3A_122 = arith.constant 0 : i32
      %cond3A_123 = arith.cmpi ne, %convert_element_type3A_121, %cond3A_122 : i32
      scf.if %cond3A_123 {
        %dma_wait3A_138 = arith.constant 0 : i32
        %dma_wait3A_139 = arith.constant 0 : i32
        %dma_wait3A_140 = tpu.memref_slice %arg8[%dma_wait3A_138, %dma_wait3A_139] : memref<125x40xi32, #tpu.memory_space<vmem>> -> memref<1x40xi32, #tpu.memory_space<vmem>>
        %dma_wait3A_141 = tpu.memref_squeeze %dma_wait3A_140 : memref<1x40xi32, #tpu.memory_space<vmem>> -> memref<40xi32, #tpu.memory_space<vmem>>
        %dma_wait3A_142 = arith.constant 0 : i32
        %dma_wait3A_143 = arith.constant 0 : i32
        %dma_wait3A_144 = tpu.memref_slice %arg2[%dma_wait3A_142, %dma_wait3A_143] : memref<10000x128xi32, #tpu.memory_space<hbm>> -> memref<10000x128xi32, #tpu.memory_space<hbm>>
        tpu.wait_indirect_dma semaphore(%arg19 : memref<!tpu.dma_semaphore, #tpu.memory_space<semaphore_mem>>) src(%dma_wait3A_144 : memref<10000x128xi32, #tpu.memory_space<hbm>>) dst(%arg11 : memref<40x128xi32, #tpu.memory_space<vmem>>)
        %dma_wait3A_145 = arith.constant 0 : i32
        %dma_wait3A_146 = arith.constant 0 : i32
        %dma_wait3A_147 = tpu.memref_slice %arg9[%dma_wait3A_145, %dma_wait3A_146] : memref<125x40xi32, #tpu.memory_space<vmem>> -> memref<1x40xi32, #tpu.memory_space<vmem>>
        %dma_wait3A_148 = tpu.memref_squeeze %dma_wait3A_147 : memref<1x40xi32, #tpu.memory_space<vmem>> -> memref<40xi32, #tpu.memory_space<vmem>>
        %dma_wait3A_149 = arith.constant 0 : i32
        %dma_wait3A_150 = arith.constant 0 : i32
        %dma_wait3A_151 = tpu.memref_slice %arg3[%dma_wait3A_149, %dma_wait3A_150] : memref<10000x128xi32, #tpu.memory_space<hbm>> -> memref<10000x128xi32, #tpu.memory_space<hbm>>
        tpu.wait_indirect_dma semaphore(%arg19 : memref<!tpu.dma_semaphore, #tpu.memory_space<semaphore_mem>>) src(%dma_wait3A_151 : memref<10000x128xi32, #tpu.memory_space<hbm>>) dst(%arg15 : memref<40x128xi32, #tpu.memory_space<vmem>>)
        %mul3A_152 = arith.constant 40 : i32
        %mul3A_153 = arith.muli %add3A_118, %mul3A_152 : i32
        %add3A_154 = arith.addi %mul3A_2, %mul3A_153 : i32
        %dma_start3A_155 = arith.constant 0 : i32
        %dma_start3A_156 = tpu.memref_slice %arg6[%add3A_154, %dma_start3A_155] : memref<160000x128xi32, #tpu.memory_space<hbm>> -> memref<40x128xi32, #tpu.memory_space<hbm>>
        %dma_start3A_157 = arith.constant 0 : i32
        %dma_start3A_158 = tpu.memref_slice %arg6[%add3A_154, %dma_start3A_157] : memref<160000x128xi32, #tpu.memory_space<hbm>> -> memref<40x128xi32, #tpu.memory_space<hbm>>
        tpu.enqueue_dma source(%arg11 : memref<40x128xi32, #tpu.memory_space<vmem>>) target(%dma_start3A_158 : memref<40x128xi32, #tpu.memory_space<hbm>>) target_semaphore(%arg23 : memref<!tpu.dma_semaphore, #tpu.memory_space<semaphore_mem>>)
        %dma_start3A_159 = arith.constant 0 : i32
        %dma_start3A_160 = tpu.memref_slice %arg7[%add3A_154, %dma_start3A_159] : memref<160000x128xi32, #tpu.memory_space<hbm>> -> memref<40x128xi32, #tpu.memory_space<hbm>>
        %dma_start3A_161 = arith.constant 0 : i32
        %dma_start3A_162 = tpu.memref_slice %arg7[%add3A_154, %dma_start3A_161] : memref<160000x128xi32, #tpu.memory_space<hbm>> -> memref<40x128xi32, #tpu.memory_space<hbm>>
        tpu.enqueue_dma source(%arg15 : memref<40x128xi32, #tpu.memory_space<vmem>>) target(%dma_start3A_162 : memref<40x128xi32, #tpu.memory_space<hbm>>) target_semaphore(%arg23 : memref<!tpu.dma_semaphore, #tpu.memory_space<semaphore_mem>>)
        %add3A_163 = arith.constant 3 : i32
        %add3A_164 = arith.addi %add3A_118, %add3A_163 : i32
        %lt3A_165 = arith.constant 125 : i32
        %lt3A_166 = arith.cmpi slt, %add3A_164, %lt3A_165 : i32
        %convert_element_type3A_167 = arith.extui %lt3A_166 : i1 to i32
        %cond3A_168 = arith.constant 0 : i32
        %cond3A_169 = arith.cmpi ne, %convert_element_type3A_167, %cond3A_168 : i32
        scf.if %cond3A_169 {
          %dma_wait3A_170 = arith.constant 0 : i32
          %dma_wait3A_171 = tpu.memref_slice %arg6[%mul3A_2, %dma_wait3A_170] : memref<160000x128xi32, #tpu.memory_space<hbm>> -> memref<40x128xi32, #tpu.memory_space<hbm>>
          %dma_wait3A_172 = arith.constant 0 : i32
          %dma_wait3A_173 = tpu.memref_slice %arg6[%mul3A_2, %dma_wait3A_172] : memref<160000x128xi32, #tpu.memory_space<hbm>> -> memref<40x128xi32, #tpu.memory_space<hbm>>
          tpu.wait_dma2 semaphore(%arg22 : memref<!tpu.dma_semaphore, #tpu.memory_space<semaphore_mem>>) src(%arg10 : memref<40x128xi32, #tpu.memory_space<vmem>>) dst(%dma_wait3A_173 : memref<40x128xi32, #tpu.memory_space<hbm>>)
          %dma_wait3A_174 = arith.constant 0 : i32
          %dma_wait3A_175 = tpu.memref_slice %arg7[%mul3A_2, %dma_wait3A_174] : memref<160000x128xi32, #tpu.memory_space<hbm>> -> memref<40x128xi32, #tpu.memory_space<hbm>>
          %dma_wait3A_176 = arith.constant 0 : i32
          %dma_wait3A_177 = tpu.memref_slice %arg7[%mul3A_2, %dma_wait3A_176] : memref<160000x128xi32, #tpu.memory_space<hbm>> -> memref<40x128xi32, #tpu.memory_space<hbm>>
          tpu.wait_dma2 semaphore(%arg22 : memref<!tpu.dma_semaphore, #tpu.memory_space<semaphore_mem>>) src(%arg14 : memref<40x128xi32, #tpu.memory_space<vmem>>) dst(%dma_wait3A_177 : memref<40x128xi32, #tpu.memory_space<hbm>>)
          %dma_start3A_178 = arith.constant 0 : i32
          %dma_start3A_179 = tpu.memref_slice %arg8[%add3A_164, %dma_start3A_178] : memref<125x40xi32, #tpu.memory_space<vmem>> -> memref<1x40xi32, #tpu.memory_space<vmem>>
          %dma_start3A_180 = tpu.memref_squeeze %dma_start3A_179 : memref<1x40xi32, #tpu.memory_space<vmem>> -> memref<40xi32, #tpu.memory_space<vmem>>
          %dma_start3A_181 = arith.constant 0 : i32
          %dma_start3A_182 = arith.constant 0 : i32
          %dma_start3A_183 = tpu.memref_slice %arg2[%dma_start3A_181, %dma_start3A_182] : memref<10000x128xi32, #tpu.memory_space<hbm>> -> memref<10000x128xi32, #tpu.memory_space<hbm>>
          tpu.enqueue_indirect_dma source(%dma_start3A_183 : memref<10000x128xi32, #tpu.memory_space<hbm>>) target(%arg10 : memref<40x128xi32, #tpu.memory_space<vmem>>) offsets(%dma_start3A_180 : memref<40xi32, #tpu.memory_space<vmem>>) semaphore(%arg18 : memref<!tpu.dma_semaphore, #tpu.memory_space<semaphore_mem>>)
          %dma_start3A_184 = arith.constant 0 : i32
          %dma_start3A_185 = tpu.memref_slice %arg9[%add3A_164, %dma_start3A_184] : memref<125x40xi32, #tpu.memory_space<vmem>> -> memref<1x40xi32, #tpu.memory_space<vmem>>
          %dma_start3A_186 = tpu.memref_squeeze %dma_start3A_185 : memref<1x40xi32, #tpu.memory_space<vmem>> -> memref<40xi32, #tpu.memory_space<vmem>>
          %dma_start3A_187 = arith.constant 0 : i32
          %dma_start3A_188 = arith.constant 0 : i32
          %dma_start3A_189 = tpu.memref_slice %arg3[%dma_start3A_187, %dma_start3A_188] : memref<10000x128xi32, #tpu.memory_space<hbm>> -> memref<10000x128xi32, #tpu.memory_space<hbm>>
          tpu.enqueue_indirect_dma source(%dma_start3A_189 : memref<10000x128xi32, #tpu.memory_space<hbm>>) target(%arg14 : memref<40x128xi32, #tpu.memory_space<vmem>>) offsets(%dma_start3A_186 : memref<40xi32, #tpu.memory_space<vmem>>) semaphore(%arg18 : memref<!tpu.dma_semaphore, #tpu.memory_space<semaphore_mem>>)
        } else {
        }
      } else {
      }
      %add3A_124 = arith.constant 2 : i32
      %add3A_125 = arith.addi %mul3A_85, %add3A_124 : i32
      %lt3A_126 = arith.constant 125 : i32
      %lt3A_127 = arith.cmpi slt, %add3A_125, %lt3A_126 : i32
      %convert_element_type3A_128 = arith.extui %lt3A_127 : i1 to i32
      %cond3A_129 = arith.constant 0 : i32
      %cond3A_130 = arith.cmpi ne, %convert_element_type3A_128, %cond3A_129 : i32
      scf.if %cond3A_130 {
        %dma_wait3A_138 = arith.constant 0 : i32
        %dma_wait3A_139 = arith.constant 0 : i32
        %dma_wait3A_140 = tpu.memref_slice %arg8[%dma_wait3A_138, %dma_wait3A_139] : memref<125x40xi32, #tpu.memory_space<vmem>> -> memref<1x40xi32, #tpu.memory_space<vmem>>
        %dma_wait3A_141 = tpu.memref_squeeze %dma_wait3A_140 : memref<1x40xi32, #tpu.memory_space<vmem>> -> memref<40xi32, #tpu.memory_space<vmem>>
        %dma_wait3A_142 = arith.constant 0 : i32
        %dma_wait3A_143 = arith.constant 0 : i32
        %dma_wait3A_144 = tpu.memref_slice %arg2[%dma_wait3A_142, %dma_wait3A_143] : memref<10000x128xi32, #tpu.memory_space<hbm>> -> memref<10000x128xi32, #tpu.memory_space<hbm>>
        tpu.wait_indirect_dma semaphore(%arg20 : memref<!tpu.dma_semaphore, #tpu.memory_space<semaphore_mem>>) src(%dma_wait3A_144 : memref<10000x128xi32, #tpu.memory_space<hbm>>) dst(%arg12 : memref<40x128xi32, #tpu.memory_space<vmem>>)
        %dma_wait3A_145 = arith.constant 0 : i32
        %dma_wait3A_146 = arith.constant 0 : i32
        %dma_wait3A_147 = tpu.memref_slice %arg9[%dma_wait3A_145, %dma_wait3A_146] : memref<125x40xi32, #tpu.memory_space<vmem>> -> memref<1x40xi32, #tpu.memory_space<vmem>>
        %dma_wait3A_148 = tpu.memref_squeeze %dma_wait3A_147 : memref<1x40xi32, #tpu.memory_space<vmem>> -> memref<40xi32, #tpu.memory_space<vmem>>
        %dma_wait3A_149 = arith.constant 0 : i32
        %dma_wait3A_150 = arith.constant 0 : i32
        %dma_wait3A_151 = tpu.memref_slice %arg3[%dma_wait3A_149, %dma_wait3A_150] : memref<10000x128xi32, #tpu.memory_space<hbm>> -> memref<10000x128xi32, #tpu.memory_space<hbm>>
        tpu.wait_indirect_dma semaphore(%arg20 : memref<!tpu.dma_semaphore, #tpu.memory_space<semaphore_mem>>) src(%dma_wait3A_151 : memref<10000x128xi32, #tpu.memory_space<hbm>>) dst(%arg16 : memref<40x128xi32, #tpu.memory_space<vmem>>)
        %mul3A_152 = arith.constant 40 : i32
        %mul3A_153 = arith.muli %add3A_125, %mul3A_152 : i32
        %add3A_154 = arith.addi %mul3A_2, %mul3A_153 : i32
        %dma_start3A_155 = arith.constant 0 : i32
        %dma_start3A_156 = tpu.memref_slice %arg6[%add3A_154, %dma_start3A_155] : memref<160000x128xi32, #tpu.memory_space<hbm>> -> memref<40x128xi32, #tpu.memory_space<hbm>>
        %dma_start3A_157 = arith.constant 0 : i32
        %dma_start3A_158 = tpu.memref_slice %arg6[%add3A_154, %dma_start3A_157] : memref<160000x128xi32, #tpu.memory_space<hbm>> -> memref<40x128xi32, #tpu.memory_space<hbm>>
        tpu.enqueue_dma source(%arg12 : memref<40x128xi32, #tpu.memory_space<vmem>>) target(%dma_start3A_158 : memref<40x128xi32, #tpu.memory_space<hbm>>) target_semaphore(%arg24 : memref<!tpu.dma_semaphore, #tpu.memory_space<semaphore_mem>>)
        %dma_start3A_159 = arith.constant 0 : i32
        %dma_start3A_160 = tpu.memref_slice %arg7[%add3A_154, %dma_start3A_159] : memref<160000x128xi32, #tpu.memory_space<hbm>> -> memref<40x128xi32, #tpu.memory_space<hbm>>
        %dma_start3A_161 = arith.constant 0 : i32
        %dma_start3A_162 = tpu.memref_slice %arg7[%add3A_154, %dma_start3A_161] : memref<160000x128xi32, #tpu.memory_space<hbm>> -> memref<40x128xi32, #tpu.memory_space<hbm>>
        tpu.enqueue_dma source(%arg16 : memref<40x128xi32, #tpu.memory_space<vmem>>) target(%dma_start3A_162 : memref<40x128xi32, #tpu.memory_space<hbm>>) target_semaphore(%arg24 : memref<!tpu.dma_semaphore, #tpu.memory_space<semaphore_mem>>)
        %add3A_163 = arith.constant 3 : i32
        %add3A_164 = arith.addi %add3A_125, %add3A_163 : i32
        %lt3A_165 = arith.constant 125 : i32
        %lt3A_166 = arith.cmpi slt, %add3A_164, %lt3A_165 : i32
        %convert_element_type3A_167 = arith.extui %lt3A_166 : i1 to i32
        %cond3A_168 = arith.constant 0 : i32
        %cond3A_169 = arith.cmpi ne, %convert_element_type3A_167, %cond3A_168 : i32
        scf.if %cond3A_169 {
          %dma_wait3A_170 = arith.constant 0 : i32
          %dma_wait3A_171 = tpu.memref_slice %arg6[%mul3A_2, %dma_wait3A_170] : memref<160000x128xi32, #tpu.memory_space<hbm>> -> memref<40x128xi32, #tpu.memory_space<hbm>>
          %dma_wait3A_172 = arith.constant 0 : i32
          %dma_wait3A_173 = tpu.memref_slice %arg6[%mul3A_2, %dma_wait3A_172] : memref<160000x128xi32, #tpu.memory_space<hbm>> -> memref<40x128xi32, #tpu.memory_space<hbm>>
          tpu.wait_dma2 semaphore(%arg23 : memref<!tpu.dma_semaphore, #tpu.memory_space<semaphore_mem>>) src(%arg11 : memref<40x128xi32, #tpu.memory_space<vmem>>) dst(%dma_wait3A_173 : memref<40x128xi32, #tpu.memory_space<hbm>>)
          %dma_wait3A_174 = arith.constant 0 : i32
          %dma_wait3A_175 = tpu.memref_slice %arg7[%mul3A_2, %dma_wait3A_174] : memref<160000x128xi32, #tpu.memory_space<hbm>> -> memref<40x128xi32, #tpu.memory_space<hbm>>
          %dma_wait3A_176 = arith.constant 0 : i32
          %dma_wait3A_177 = tpu.memref_slice %arg7[%mul3A_2, %dma_wait3A_176] : memref<160000x128xi32, #tpu.memory_space<hbm>> -> memref<40x128xi32, #tpu.memory_space<hbm>>
          tpu.wait_dma2 semaphore(%arg23 : memref<!tpu.dma_semaphore, #tpu.memory_space<semaphore_mem>>) src(%arg15 : memref<40x128xi32, #tpu.memory_space<vmem>>) dst(%dma_wait3A_177 : memref<40x128xi32, #tpu.memory_space<hbm>>)
          %dma_start3A_178 = arith.constant 0 : i32
          %dma_start3A_179 = tpu.memref_slice %arg8[%add3A_164, %dma_start3A_178] : memref<125x40xi32, #tpu.memory_space<vmem>> -> memref<1x40xi32, #tpu.memory_space<vmem>>
          %dma_start3A_180 = tpu.memref_squeeze %dma_start3A_179 : memref<1x40xi32, #tpu.memory_space<vmem>> -> memref<40xi32, #tpu.memory_space<vmem>>
          %dma_start3A_181 = arith.constant 0 : i32
          %dma_start3A_182 = arith.constant 0 : i32
          %dma_start3A_183 = tpu.memref_slice %arg2[%dma_start3A_181, %dma_start3A_182] : memref<10000x128xi32, #tpu.memory_space<hbm>> -> memref<10000x128xi32, #tpu.memory_space<hbm>>
          tpu.enqueue_indirect_dma source(%dma_start3A_183 : memref<10000x128xi32, #tpu.memory_space<hbm>>) target(%arg11 : memref<40x128xi32, #tpu.memory_space<vmem>>) offsets(%dma_start3A_180 : memref<40xi32, #tpu.memory_space<vmem>>) semaphore(%arg19 : memref<!tpu.dma_semaphore, #tpu.memory_space<semaphore_mem>>)
          %dma_start3A_184 = arith.constant 0 : i32
          %dma_start3A_185 = tpu.memref_slice %arg9[%add3A_164, %dma_start3A_184] : memref<125x40xi32, #tpu.memory_space<vmem>> -> memref<1x40xi32, #tpu.memory_space<vmem>>
          %dma_start3A_186 = tpu.memref_squeeze %dma_start3A_185 : memref<1x40xi32, #tpu.memory_space<vmem>> -> memref<40xi32, #tpu.memory_space<vmem>>
          %dma_start3A_187 = arith.constant 0 : i32
          %dma_start3A_188 = arith.constant 0 : i32
          %dma_start3A_189 = tpu.memref_slice %arg3[%dma_start3A_187, %dma_start3A_188] : memref<10000x128xi32, #tpu.memory_space<hbm>> -> memref<10000x128xi32, #tpu.memory_space<hbm>>
          tpu.enqueue_indirect_dma source(%dma_start3A_189 : memref<10000x128xi32, #tpu.memory_space<hbm>>) target(%arg15 : memref<40x128xi32, #tpu.memory_space<vmem>>) offsets(%dma_start3A_186 : memref<40xi32, #tpu.memory_space<vmem>>) semaphore(%arg19 : memref<!tpu.dma_semaphore, #tpu.memory_space<semaphore_mem>>)
        } else {
        }
      } else {
      }
      %add3A_131 = arith.constant 3 : i32
      %add3A_132 = arith.addi %mul3A_85, %add3A_131 : i32
      %lt3A_133 = arith.constant 125 : i32
      %lt3A_134 = arith.cmpi slt, %add3A_132, %lt3A_133 : i32
      %convert_element_type3A_135 = arith.extui %lt3A_134 : i1 to i32
      %cond3A_136 = arith.constant 0 : i32
      %cond3A_137 = arith.cmpi ne, %convert_element_type3A_135, %cond3A_136 : i32
      scf.if %cond3A_137 {
        %dma_wait3A_138 = arith.constant 0 : i32
        %dma_wait3A_139 = arith.constant 0 : i32
        %dma_wait3A_140 = tpu.memref_slice %arg8[%dma_wait3A_138, %dma_wait3A_139] : memref<125x40xi32, #tpu.memory_space<vmem>> -> memref<1x40xi32, #tpu.memory_space<vmem>>
        %dma_wait3A_141 = tpu.memref_squeeze %dma_wait3A_140 : memref<1x40xi32, #tpu.memory_space<vmem>> -> memref<40xi32, #tpu.memory_space<vmem>>
        %dma_wait3A_142 = arith.constant 0 : i32
        %dma_wait3A_143 = arith.constant 0 : i32
        %dma_wait3A_144 = tpu.memref_slice %arg2[%dma_wait3A_142, %dma_wait3A_143] : memref<10000x128xi32, #tpu.memory_space<hbm>> -> memref<10000x128xi32, #tpu.memory_space<hbm>>
        tpu.wait_indirect_dma semaphore(%arg21 : memref<!tpu.dma_semaphore, #tpu.memory_space<semaphore_mem>>) src(%dma_wait3A_144 : memref<10000x128xi32, #tpu.memory_space<hbm>>) dst(%arg13 : memref<40x128xi32, #tpu.memory_space<vmem>>)
        %dma_wait3A_145 = arith.constant 0 : i32
        %dma_wait3A_146 = arith.constant 0 : i32
        %dma_wait3A_147 = tpu.memref_slice %arg9[%dma_wait3A_145, %dma_wait3A_146] : memref<125x40xi32, #tpu.memory_space<vmem>> -> memref<1x40xi32, #tpu.memory_space<vmem>>
        %dma_wait3A_148 = tpu.memref_squeeze %dma_wait3A_147 : memref<1x40xi32, #tpu.memory_space<vmem>> -> memref<40xi32, #tpu.memory_space<vmem>>
        %dma_wait3A_149 = arith.constant 0 : i32
        %dma_wait3A_150 = arith.constant 0 : i32
        %dma_wait3A_151 = tpu.memref_slice %arg3[%dma_wait3A_149, %dma_wait3A_150] : memref<10000x128xi32, #tpu.memory_space<hbm>> -> memref<10000x128xi32, #tpu.memory_space<hbm>>
        tpu.wait_indirect_dma semaphore(%arg21 : memref<!tpu.dma_semaphore, #tpu.memory_space<semaphore_mem>>) src(%dma_wait3A_151 : memref<10000x128xi32, #tpu.memory_space<hbm>>) dst(%arg17 : memref<40x128xi32, #tpu.memory_space<vmem>>)
        %mul3A_152 = arith.constant 40 : i32
        %mul3A_153 = arith.muli %add3A_132, %mul3A_152 : i32
        %add3A_154 = arith.addi %mul3A_2, %mul3A_153 : i32
        %dma_start3A_155 = arith.constant 0 : i32
        %dma_start3A_156 = tpu.memref_slice %arg6[%add3A_154, %dma_start3A_155] : memref<160000x128xi32, #tpu.memory_space<hbm>> -> memref<40x128xi32, #tpu.memory_space<hbm>>
        %dma_start3A_157 = arith.constant 0 : i32
        %dma_start3A_158 = tpu.memref_slice %arg6[%add3A_154, %dma_start3A_157] : memref<160000x128xi32, #tpu.memory_space<hbm>> -> memref<40x128xi32, #tpu.memory_space<hbm>>
        tpu.enqueue_dma source(%arg13 : memref<40x128xi32, #tpu.memory_space<vmem>>) target(%dma_start3A_158 : memref<40x128xi32, #tpu.memory_space<hbm>>) target_semaphore(%arg25 : memref<!tpu.dma_semaphore, #tpu.memory_space<semaphore_mem>>)
        %dma_start3A_159 = arith.constant 0 : i32
        %dma_start3A_160 = tpu.memref_slice %arg7[%add3A_154, %dma_start3A_159] : memref<160000x128xi32, #tpu.memory_space<hbm>> -> memref<40x128xi32, #tpu.memory_space<hbm>>
        %dma_start3A_161 = arith.constant 0 : i32
        %dma_start3A_162 = tpu.memref_slice %arg7[%add3A_154, %dma_start3A_161] : memref<160000x128xi32, #tpu.memory_space<hbm>> -> memref<40x128xi32, #tpu.memory_space<hbm>>
        tpu.enqueue_dma source(%arg17 : memref<40x128xi32, #tpu.memory_space<vmem>>) target(%dma_start3A_162 : memref<40x128xi32, #tpu.memory_space<hbm>>) target_semaphore(%arg25 : memref<!tpu.dma_semaphore, #tpu.memory_space<semaphore_mem>>)
        %add3A_163 = arith.constant 3 : i32
        %add3A_164 = arith.addi %add3A_132, %add3A_163 : i32
        %lt3A_165 = arith.constant 125 : i32
        %lt3A_166 = arith.cmpi slt, %add3A_164, %lt3A_165 : i32
        %convert_element_type3A_167 = arith.extui %lt3A_166 : i1 to i32
        %cond3A_168 = arith.constant 0 : i32
        %cond3A_169 = arith.cmpi ne, %convert_element_type3A_167, %cond3A_168 : i32
        scf.if %cond3A_169 {
          %dma_wait3A_170 = arith.constant 0 : i32
          %dma_wait3A_171 = tpu.memref_slice %arg6[%mul3A_2, %dma_wait3A_170] : memref<160000x128xi32, #tpu.memory_space<hbm>> -> memref<40x128xi32, #tpu.memory_space<hbm>>
          %dma_wait3A_172 = arith.constant 0 : i32
          %dma_wait3A_173 = tpu.memref_slice %arg6[%mul3A_2, %dma_wait3A_172] : memref<160000x128xi32, #tpu.memory_space<hbm>> -> memref<40x128xi32, #tpu.memory_space<hbm>>
          tpu.wait_dma2 semaphore(%arg24 : memref<!tpu.dma_semaphore, #tpu.memory_space<semaphore_mem>>) src(%arg12 : memref<40x128xi32, #tpu.memory_space<vmem>>) dst(%dma_wait3A_173 : memref<40x128xi32, #tpu.memory_space<hbm>>)
          %dma_wait3A_174 = arith.constant 0 : i32
          %dma_wait3A_175 = tpu.memref_slice %arg7[%mul3A_2, %dma_wait3A_174] : memref<160000x128xi32, #tpu.memory_space<hbm>> -> memref<40x128xi32, #tpu.memory_space<hbm>>
          %dma_wait3A_176 = arith.constant 0 : i32
          %dma_wait3A_177 = tpu.memref_slice %arg7[%mul3A_2, %dma_wait3A_176] : memref<160000x128xi32, #tpu.memory_space<hbm>> -> memref<40x128xi32, #tpu.memory_space<hbm>>
          tpu.wait_dma2 semaphore(%arg24 : memref<!tpu.dma_semaphore, #tpu.memory_space<semaphore_mem>>) src(%arg16 : memref<40x128xi32, #tpu.memory_space<vmem>>) dst(%dma_wait3A_177 : memref<40x128xi32, #tpu.memory_space<hbm>>)
          %dma_start3A_178 = arith.constant 0 : i32
          %dma_start3A_179 = tpu.memref_slice %arg8[%add3A_164, %dma_start3A_178] : memref<125x40xi32, #tpu.memory_space<vmem>> -> memref<1x40xi32, #tpu.memory_space<vmem>>
          %dma_start3A_180 = tpu.memref_squeeze %dma_start3A_179 : memref<1x40xi32, #tpu.memory_space<vmem>> -> memref<40xi32, #tpu.memory_space<vmem>>
          %dma_start3A_181 = arith.constant 0 : i32
          %dma_start3A_182 = arith.constant 0 : i32
          %dma_start3A_183 = tpu.memref_slice %arg2[%dma_start3A_181, %dma_start3A_182] : memref<10000x128xi32, #tpu.memory_space<hbm>> -> memref<10000x128xi32, #tpu.memory_space<hbm>>
          tpu.enqueue_indirect_dma source(%dma_start3A_183 : memref<10000x128xi32, #tpu.memory_space<hbm>>) target(%arg12 : memref<40x128xi32, #tpu.memory_space<vmem>>) offsets(%dma_start3A_180 : memref<40xi32, #tpu.memory_space<vmem>>) semaphore(%arg20 : memref<!tpu.dma_semaphore, #tpu.memory_space<semaphore_mem>>)
          %dma_start3A_184 = arith.constant 0 : i32
          %dma_start3A_185 = tpu.memref_slice %arg9[%add3A_164, %dma_start3A_184] : memref<125x40xi32, #tpu.memory_space<vmem>> -> memref<1x40xi32, #tpu.memory_space<vmem>>
          %dma_start3A_186 = tpu.memref_squeeze %dma_start3A_185 : memref<1x40xi32, #tpu.memory_space<vmem>> -> memref<40xi32, #tpu.memory_space<vmem>>
          %dma_start3A_187 = arith.constant 0 : i32
          %dma_start3A_188 = arith.constant 0 : i32
          %dma_start3A_189 = tpu.memref_slice %arg3[%dma_start3A_187, %dma_start3A_188] : memref<10000x128xi32, #tpu.memory_space<hbm>> -> memref<10000x128xi32, #tpu.memory_space<hbm>>
          tpu.enqueue_indirect_dma source(%dma_start3A_189 : memref<10000x128xi32, #tpu.memory_space<hbm>>) target(%arg16 : memref<40x128xi32, #tpu.memory_space<vmem>>) offsets(%dma_start3A_186 : memref<40xi32, #tpu.memory_space<vmem>>) semaphore(%arg20 : memref<!tpu.dma_semaphore, #tpu.memory_space<semaphore_mem>>)
        } else {
        }
      } else {
      }
    }
    %scan3A_47 = arith.constant 32 : i32
    %dma_wait3A = arith.constant 0 : i32
    %dma_wait3A_48 = tpu.memref_slice %arg6[%mul3A_2, %dma_wait3A] : memref<160000x128xi32, #tpu.memory_space<hbm>> -> memref<40x128xi32, #tpu.memory_space<hbm>>
    %dma_wait3A_49 = arith.constant 0 : i32
    %dma_wait3A_50 = tpu.memref_slice %arg6[%mul3A_2, %dma_wait3A_49] : memref<160000x128xi32, #tpu.memory_space<hbm>> -> memref<40x128xi32, #tpu.memory_space<hbm>>
    tpu.wait_dma2 semaphore(%arg22 : memref<!tpu.dma_semaphore, #tpu.memory_space<semaphore_mem>>) src(%arg10 : memref<40x128xi32, #tpu.memory_space<vmem>>) dst(%dma_wait3A_50 : memref<40x128xi32, #tpu.memory_space<hbm>>)
    %dma_wait3A_51 = arith.constant 0 : i32
    %dma_wait3A_52 = tpu.memref_slice %arg7[%mul3A_2, %dma_wait3A_51] : memref<160000x128xi32, #tpu.memory_space<hbm>> -> memref<40x128xi32, #tpu.memory_space<hbm>>
    %dma_wait3A_53 = arith.constant 0 : i32
    %dma_wait3A_54 = tpu.memref_slice %arg7[%mul3A_2, %dma_wait3A_53] : memref<160000x128xi32, #tpu.memory_space<hbm>> -> memref<40x128xi32, #tpu.memory_space<hbm>>
    tpu.wait_dma2 semaphore(%arg22 : memref<!tpu.dma_semaphore, #tpu.memory_space<semaphore_mem>>) src(%arg14 : memref<40x128xi32, #tpu.memory_space<vmem>>) dst(%dma_wait3A_54 : memref<40x128xi32, #tpu.memory_space<hbm>>)
    %dma_wait3A_55 = arith.constant 0 : i32
    %dma_wait3A_56 = tpu.memref_slice %arg6[%mul3A_2, %dma_wait3A_55] : memref<160000x128xi32, #tpu.memory_space<hbm>> -> memref<40x128xi32, #tpu.memory_space<hbm>>
    %dma_wait3A_57 = arith.constant 0 : i32
    %dma_wait3A_58 = tpu.memref_slice %arg6[%mul3A_2, %dma_wait3A_57] : memref<160000x128xi32, #tpu.memory_space<hbm>> -> memref<40x128xi32, #tpu.memory_space<hbm>>
    tpu.wait_dma2 semaphore(%arg23 : memref<!tpu.dma_semaphore, #tpu.memory_space<semaphore_mem>>) src(%arg11 : memref<40x128xi32, #tpu.memory_space<vmem>>) dst(%dma_wait3A_58 : memref<40x128xi32, #tpu.memory_space<hbm>>)
    %dma_wait3A_59 = arith.constant 0 : i32
    %dma_wait3A_60 = tpu.memref_slice %arg7[%mul3A_2, %dma_wait3A_59] : memref<160000x128xi32, #tpu.memory_space<hbm>> -> memref<40x128xi32, #tpu.memory_space<hbm>>
    %dma_wait3A_61 = arith.constant 0 : i32
    %dma_wait3A_62 = tpu.memref_slice %arg7[%mul3A_2, %dma_wait3A_61] : memref<160000x128xi32, #tpu.memory_space<hbm>> -> memref<40x128xi32, #tpu.memory_space<hbm>>
    tpu.wait_dma2 semaphore(%arg23 : memref<!tpu.dma_semaphore, #tpu.memory_space<semaphore_mem>>) src(%arg15 : memref<40x128xi32, #tpu.memory_space<vmem>>) dst(%dma_wait3A_62 : memref<40x128xi32, #tpu.memory_space<hbm>>)
    %dma_wait3A_63 = arith.constant 0 : i32
    %dma_wait3A_64 = tpu.memref_slice %arg6[%mul3A_2, %dma_wait3A_63] : memref<160000x128xi32, #tpu.memory_space<hbm>> -> memref<40x128xi32, #tpu.memory_space<hbm>>
    %dma_wait3A_65 = arith.constant 0 : i32
    %dma_wait3A_66 = tpu.memref_slice %arg6[%mul3A_2, %dma_wait3A_65] : memref<160000x128xi32, #tpu.memory_space<hbm>> -> memref<40x128xi32, #tpu.memory_space<hbm>>
    tpu.wait_dma2 semaphore(%arg24 : memref<!tpu.dma_semaphore, #tpu.memory_space<semaphore_mem>>) src(%arg12 : memref<40x128xi32, #tpu.memory_space<vmem>>) dst(%dma_wait3A_66 : memref<40x128xi32, #tpu.memory_space<hbm>>)
    %dma_wait3A_67 = arith.constant 0 : i32
    %dma_wait3A_68 = tpu.memref_slice %arg7[%mul3A_2, %dma_wait3A_67] : memref<160000x128xi32, #tpu.memory_space<hbm>> -> memref<40x128xi32, #tpu.memory_space<hbm>>
    %dma_wait3A_69 = arith.constant 0 : i32
    %dma_wait3A_70 = tpu.memref_slice %arg7[%mul3A_2, %dma_wait3A_69] : memref<160000x128xi32, #tpu.memory_space<hbm>> -> memref<40x128xi32, #tpu.memory_space<hbm>>
    tpu.wait_dma2 semaphore(%arg24 : memref<!tpu.dma_semaphore, #tpu.memory_space<semaphore_mem>>) src(%arg16 : memref<40x128xi32, #tpu.memory_space<vmem>>) dst(%dma_wait3A_70 : memref<40x128xi32, #tpu.memory_space<hbm>>)
    %dma_wait3A_71 = arith.constant 0 : i32
    %dma_wait3A_72 = tpu.memref_slice %arg6[%mul3A_2, %dma_wait3A_71] : memref<160000x128xi32, #tpu.memory_space<hbm>> -> memref<40x128xi32, #tpu.memory_space<hbm>>
    %dma_wait3A_73 = arith.constant 0 : i32
    %dma_wait3A_74 = tpu.memref_slice %arg6[%mul3A_2, %dma_wait3A_73] : memref<160000x128xi32, #tpu.memory_space<hbm>> -> memref<40x128xi32, #tpu.memory_space<hbm>>
    tpu.wait_dma2 semaphore(%arg25 : memref<!tpu.dma_semaphore, #tpu.memory_space<semaphore_mem>>) src(%arg13 : memref<40x128xi32, #tpu.memory_space<vmem>>) dst(%dma_wait3A_74 : memref<40x128xi32, #tpu.memory_space<hbm>>)
    %dma_wait3A_75 = arith.constant 0 : i32
    %dma_wait3A_76 = tpu.memref_slice %arg7[%mul3A_2, %dma_wait3A_75] : memref<160000x128xi32, #tpu.memory_space<hbm>> -> memref<40x128xi32, #tpu.memory_space<hbm>>
    %dma_wait3A_77 = arith.constant 0 : i32
    %dma_wait3A_78 = tpu.memref_slice %arg7[%mul3A_2, %dma_wait3A_77] : memref<160000x128xi32, #tpu.memory_space<hbm>> -> memref<40x128xi32, #tpu.memory_space<hbm>>
    tpu.wait_dma2 semaphore(%arg25 : memref<!tpu.dma_semaphore, #tpu.memory_space<semaphore_mem>>) src(%arg17 : memref<40x128xi32, #tpu.memory_space<vmem>>) dst(%dma_wait3A_78 : memref<40x128xi32, #tpu.memory_space<hbm>>)
    return
  }
}

#map = affine_map<(d0, d1) -> (0, 0)>
#map1 = affine_map<(d0, d1) -> (0, 0, 0)>
module attributes {stable_mosaic.version = 14 : i64} {
  func.func @gather_h(%arg0: i32, %arg1: i32, %arg2: memref<10000x128xi32, #tpu.memory_space<hbm>>, %arg3: memref<10000x128xi32, #tpu.memory_space<hbm>>, %arg4: memref<32x125x40xi32, #tpu.memory_space<hbm>>, %arg5: memref<32x125x40xi32, #tpu.memory_space<hbm>>, %arg6: memref<160000x128xi32, #tpu.memory_space<hbm>>, %arg7: memref<160000x128xi32, #tpu.memory_space<hbm>>, %arg8: memref<125x40xi32, #tpu.memory_space<vmem>>, %arg9: memref<125x40xi32, #tpu.memory_space<vmem>>, %arg10: memref<40x128xi32, #tpu.memory_space<vmem>>, %arg11: memref<40x128xi32, #tpu.memory_space<vmem>>, %arg12: memref<40x128xi32, #tpu.memory_space<vmem>>, %arg13: memref<40x128xi32, #tpu.memory_space<vmem>>, %arg14: memref<40x128xi32, #tpu.memory_space<vmem>>, %arg15: memref<40x128xi32, #tpu.memory_space<vmem>>, %arg16: memref<40x128xi32, #tpu.memory_space<vmem>>, %arg17: memref<40x128xi32, #tpu.memory_space<vmem>>, %arg18: memref<!tpu.dma_semaphore, #tpu.memory_space<semaphore_mem>>, %arg19: memref<!tpu.dma_semaphore, #tpu.memory_space<semaphore_mem>>, %arg20: memref<!tpu.dma_semaphore, #tpu.memory_space<semaphore_mem>>, %arg21: memref<!tpu.dma_semaphore, #tpu.memory_space<semaphore_mem>>, %arg22: memref<!tpu.dma_semaphore, #tpu.memory_space<semaphore_mem>>, %arg23: memref<!tpu.dma_semaphore, #tpu.memory_space<semaphore_mem>>, %arg24: memref<!tpu.dma_semaphore, #tpu.memory_space<semaphore_mem>>, %arg25: memref<!tpu.dma_semaphore, #tpu.memory_space<semaphore_mem>>) attributes {dimension_semantics = [#tpu.dimension_semantics<core_parallel>, #tpu.dimension_semantics<subcore_parallel>], iteration_bounds = array<i64: 2, 16>, scalar_prefetch = 0 : i64, scratch_operands = 18 : i64, tpu.core_type = #tpu.core_type<sc_vector_subcore>, window_params = [{transform_indices = #map}, {transform_indices = #map}, {transform_indices = #map1}, {transform_indices = #map1}, {transform_indices = #map}, {transform_indices = #map}]} {
    %mul3A = arith.constant 2 : i32
    %mul3A_0 = arith.muli %arg1, %mul3A : i32
    %add3A = arith.addi %mul3A_0, %arg0 : i32
    "tpu.region"() ({
      %run_scoped3A = tpu.sem_alloc : memref<!tpu.dma_semaphore, #tpu.memory_space<semaphore_mem>>
      %dma_start3A_79 = arith.constant 0 : i32
      %dma_start3A_80 = arith.constant 0 : i32
      %dma_start3A_81 = tpu.memref_slice %arg4[%add3A, %dma_start3A_79, %dma_start3A_80] : memref<32x125x40xi32, #tpu.memory_space<hbm>> -> memref<1x125x40xi32, #tpu.memory_space<hbm>>
      %dma_start3A_82 = tpu.memref_squeeze %dma_start3A_81 : memref<1x125x40xi32, #tpu.memory_space<hbm>> -> memref<125x40xi32, #tpu.memory_space<hbm>>
      %dma_start3A_83 = arith.constant 0 : i32
      %dma_start3A_84 = arith.constant 0 : i32
      %dma_start3A_85 = tpu.memref_slice %arg4[%add3A, %dma_start3A_83, %dma_start3A_84] : memref<32x125x40xi32, #tpu.memory_space<hbm>> -> memref<1x125x40xi32, #tpu.memory_space<hbm>>
      %dma_start3A_86 = tpu.memref_squeeze %dma_start3A_85 : memref<1x125x40xi32, #tpu.memory_space<hbm>> -> memref<125x40xi32, #tpu.memory_space<hbm>>
      tpu.enqueue_dma source(%dma_start3A_86 : memref<125x40xi32, #tpu.memory_space<hbm>>) target(%arg8 : memref<125x40xi32, #tpu.memory_space<vmem>>) target_semaphore(%run_scoped3A : memref<!tpu.dma_semaphore, #tpu.memory_space<semaphore_mem>>)
      %dma_wait3A_87 = arith.constant 0 : i32
      %dma_wait3A_88 = arith.constant 0 : i32
      %dma_wait3A_89 = tpu.memref_slice %arg4[%add3A, %dma_wait3A_87, %dma_wait3A_88] : memref<32x125x40xi32, #tpu.memory_space<hbm>> -> memref<1x125x40xi32, #tpu.memory_space<hbm>>
      %dma_wait3A_90 = tpu.memref_squeeze %dma_wait3A_89 : memref<1x125x40xi32, #tpu.memory_space<hbm>> -> memref<125x40xi32, #tpu.memory_space<hbm>>
      %dma_wait3A_91 = arith.constant 0 : i32
      %dma_wait3A_92 = arith.constant 0 : i32
      %dma_wait3A_93 = tpu.memref_slice %arg4[%add3A, %dma_wait3A_91, %dma_wait3A_92] : memref<32x125x40xi32, #tpu.memory_space<hbm>> -> memref<1x125x40xi32, #tpu.memory_space<hbm>>
      %dma_wait3A_94 = tpu.memref_squeeze %dma_wait3A_93 : memref<1x125x40xi32, #tpu.memory_space<hbm>> -> memref<125x40xi32, #tpu.memory_space<hbm>>
      tpu.wait_dma2 semaphore(%run_scoped3A : memref<!tpu.dma_semaphore, #tpu.memory_space<semaphore_mem>>) src(%dma_wait3A_94 : memref<125x40xi32, #tpu.memory_space<hbm>>) dst(%arg8 : memref<125x40xi32, #tpu.memory_space<vmem>>)
      tpu.yield
    }) : () -> ()
    "tpu.region"() ({
      %run_scoped3A = tpu.sem_alloc : memref<!tpu.dma_semaphore, #tpu.memory_space<semaphore_mem>>
      %dma_start3A_79 = arith.constant 0 : i32
      %dma_start3A_80 = arith.constant 0 : i32
      %dma_start3A_81 = tpu.memref_slice %arg5[%add3A, %dma_start3A_79, %dma_start3A_80] : memref<32x125x40xi32, #tpu.memory_space<hbm>> -> memref<1x125x40xi32, #tpu.memory_space<hbm>>
      %dma_start3A_82 = tpu.memref_squeeze %dma_start3A_81 : memref<1x125x40xi32, #tpu.memory_space<hbm>> -> memref<125x40xi32, #tpu.memory_space<hbm>>
      %dma_start3A_83 = arith.constant 0 : i32
      %dma_start3A_84 = arith.constant 0 : i32
      %dma_start3A_85 = tpu.memref_slice %arg5[%add3A, %dma_start3A_83, %dma_start3A_84] : memref<32x125x40xi32, #tpu.memory_space<hbm>> -> memref<1x125x40xi32, #tpu.memory_space<hbm>>
      %dma_start3A_86 = tpu.memref_squeeze %dma_start3A_85 : memref<1x125x40xi32, #tpu.memory_space<hbm>> -> memref<125x40xi32, #tpu.memory_space<hbm>>
      tpu.enqueue_dma source(%dma_start3A_86 : memref<125x40xi32, #tpu.memory_space<hbm>>) target(%arg9 : memref<125x40xi32, #tpu.memory_space<vmem>>) target_semaphore(%run_scoped3A : memref<!tpu.dma_semaphore, #tpu.memory_space<semaphore_mem>>)
      %dma_wait3A_87 = arith.constant 0 : i32
      %dma_wait3A_88 = arith.constant 0 : i32
      %dma_wait3A_89 = tpu.memref_slice %arg5[%add3A, %dma_wait3A_87, %dma_wait3A_88] : memref<32x125x40xi32, #tpu.memory_space<hbm>> -> memref<1x125x40xi32, #tpu.memory_space<hbm>>
      %dma_wait3A_90 = tpu.memref_squeeze %dma_wait3A_89 : memref<1x125x40xi32, #tpu.memory_space<hbm>> -> memref<125x40xi32, #tpu.memory_space<hbm>>
      %dma_wait3A_91 = arith.constant 0 : i32
      %dma_wait3A_92 = arith.constant 0 : i32
      %dma_wait3A_93 = tpu.memref_slice %arg5[%add3A, %dma_wait3A_91, %dma_wait3A_92] : memref<32x125x40xi32, #tpu.memory_space<hbm>> -> memref<1x125x40xi32, #tpu.memory_space<hbm>>
      %dma_wait3A_94 = tpu.memref_squeeze %dma_wait3A_93 : memref<1x125x40xi32, #tpu.memory_space<hbm>> -> memref<125x40xi32, #tpu.memory_space<hbm>>
      tpu.wait_dma2 semaphore(%run_scoped3A : memref<!tpu.dma_semaphore, #tpu.memory_space<semaphore_mem>>) src(%dma_wait3A_94 : memref<125x40xi32, #tpu.memory_space<hbm>>) dst(%arg9 : memref<125x40xi32, #tpu.memory_space<vmem>>)
      tpu.yield
    }) : () -> ()
    %mul3A_1 = arith.constant 5000 : i32
    %mul3A_2 = arith.muli %add3A, %mul3A_1 : i32
    %dma_start3A = arith.constant 0 : i32
    %dma_start3A_3 = arith.constant 0 : i32
    %dma_start3A_4 = tpu.memref_slice %arg8[%dma_start3A, %dma_start3A_3] : memref<125x40xi32, #tpu.memory_space<vmem>> -> memref<1x40xi32, #tpu.memory_space<vmem>>
    %dma_start3A_5 = tpu.memref_squeeze %dma_start3A_4 : memref<1x40xi32, #tpu.memory_space<vmem>> -> memref<40xi32, #tpu.memory_space<vmem>>
    %dma_start3A_6 = arith.constant 0 : i32
    %dma_start3A_7 = arith.constant 0 : i32
    %dma_start3A_8 = tpu.memref_slice %arg2[%dma_start3A_6, %dma_start3A_7] : memref<10000x128xi32, #tpu.memory_space<hbm>> -> memref<10000x128xi32, #tpu.memory_space<hbm>>
    tpu.enqueue_indirect_dma source(%dma_start3A_8 : memref<10000x128xi32, #tpu.memory_space<hbm>>) target(%arg10 : memref<40x128xi32, #tpu.memory_space<vmem>>) offsets(%dma_start3A_5 : memref<40xi32, #tpu.memory_space<vmem>>) semaphore(%arg18 : memref<!tpu.dma_semaphore, #tpu.memory_space<semaphore_mem>>)
    %dma_start3A_9 = arith.constant 0 : i32
    %dma_start3A_10 = arith.constant 0 : i32
    %dma_start3A_11 = tpu.memref_slice %arg9[%dma_start3A_9, %dma_start3A_10] : memref<125x40xi32, #tpu.memory_space<vmem>> -> memref<1x40xi32, #tpu.memory_space<vmem>>
    %dma_start3A_12 = tpu.memref_squeeze %dma_start3A_11 : memref<1x40xi32, #tpu.memory_space<vmem>> -> memref<40xi32, #tpu.memory_space<vmem>>
    %dma_start3A_13 = arith.constant 0 : i32
    %dma_start3A_14 = arith.constant 0 : i32
    %dma_start3A_15 = tpu.memref_slice %arg3[%dma_start3A_13, %dma_start3A_14] : memref<10000x128xi32, #tpu.memory_space<hbm>> -> memref<10000x128xi32, #tpu.memory_space<hbm>>
    tpu.enqueue_indirect_dma source(%dma_start3A_15 : memref<10000x128xi32, #tpu.memory_space<hbm>>) target(%arg14 : memref<40x128xi32, #tpu.memory_space<vmem>>) offsets(%dma_start3A_12 : memref<40xi32, #tpu.memory_space<vmem>>) semaphore(%arg18 : memref<!tpu.dma_semaphore, #tpu.memory_space<semaphore_mem>>)
    %dma_start3A_16 = arith.constant 1 : i32
    %dma_start3A_17 = arith.constant 0 : i32
    %dma_start3A_18 = tpu.memref_slice %arg8[%dma_start3A_16, %dma_start3A_17] : memref<125x40xi32, #tpu.memory_space<vmem>> -> memref<1x40xi32, #tpu.memory_space<vmem>>
    %dma_start3A_19 = tpu.memref_squeeze %dma_start3A_18 : memref<1x40xi32, #tpu.memory_space<vmem>> -> memref<40xi32, #tpu.memory_space<vmem>>
    %dma_start3A_20 = arith.constant 0 : i32
    %dma_start3A_21 = arith.constant 0 : i32
    %dma_start3A_22 = tpu.memref_slice %arg2[%dma_start3A_20, %dma_start3A_21] : memref<10000x128xi32, #tpu.memory_space<hbm>> -> memref<10000x128xi32, #tpu.memory_space<hbm>>
    tpu.enqueue_indirect_dma source(%dma_start3A_22 : memref<10000x128xi32, #tpu.memory_space<hbm>>) target(%arg11 : memref<40x128xi32, #tpu.memory_space<vmem>>) offsets(%dma_start3A_19 : memref<40xi32, #tpu.memory_space<vmem>>) semaphore(%arg19 : memref<!tpu.dma_semaphore, #tpu.memory_space<semaphore_mem>>)
    %dma_start3A_23 = arith.constant 1 : i32
    %dma_start3A_24 = arith.constant 0 : i32
    %dma_start3A_25 = tpu.memref_slice %arg9[%dma_start3A_23, %dma_start3A_24] : memref<125x40xi32, #tpu.memory_space<vmem>> -> memref<1x40xi32, #tpu.memory_space<vmem>>
    %dma_start3A_26 = tpu.memref_squeeze %dma_start3A_25 : memref<1x40xi32, #tpu.memory_space<vmem>> -> memref<40xi32, #tpu.memory_space<vmem>>
    %dma_start3A_27 = arith.constant 0 : i32
    %dma_start3A_28 = arith.constant 0 : i32
    %dma_start3A_29 = tpu.memref_slice %arg3[%dma_start3A_27, %dma_start3A_28] : memref<10000x128xi32, #tpu.memory_space<hbm>> -> memref<10000x128xi32, #tpu.memory_space<hbm>>
    tpu.enqueue_indirect_dma source(%dma_start3A_29 : memref<10000x128xi32, #tpu.memory_space<hbm>>) target(%arg15 : memref<40x128xi32, #tpu.memory_space<vmem>>) offsets(%dma_start3A_26 : memref<40xi32, #tpu.memory_space<vmem>>) semaphore(%arg19 : memref<!tpu.dma_semaphore, #tpu.memory_space<semaphore_mem>>)
    %dma_start3A_30 = arith.constant 2 : i32
    %dma_start3A_31 = arith.constant 0 : i32
    %dma_start3A_32 = tpu.memref_slice %arg8[%dma_start3A_30, %dma_start3A_31] : memref<125x40xi32, #tpu.memory_space<vmem>> -> memref<1x40xi32, #tpu.memory_space<vmem>>
    %dma_start3A_33 = tpu.memref_squeeze %dma_start3A_32 : memref<1x40xi32, #tpu.memory_space<vmem>> -> memref<40xi32, #tpu.memory_space<vmem>>
    %dma_start3A_34 = arith.constant 0 : i32
    %dma_start3A_35 = arith.constant 0 : i32
    %dma_start3A_36 = tpu.memref_slice %arg2[%dma_start3A_34, %dma_start3A_35] : memref<10000x128xi32, #tpu.memory_space<hbm>> -> memref<10000x128xi32, #tpu.memory_space<hbm>>
    tpu.enqueue_indirect_dma source(%dma_start3A_36 : memref<10000x128xi32, #tpu.memory_space<hbm>>) target(%arg12 : memref<40x128xi32, #tpu.memory_space<vmem>>) offsets(%dma_start3A_33 : memref<40xi32, #tpu.memory_space<vmem>>) semaphore(%arg20 : memref<!tpu.dma_semaphore, #tpu.memory_space<semaphore_mem>>)
    %dma_start3A_37 = arith.constant 2 : i32
    %dma_start3A_38 = arith.constant 0 : i32
    %dma_start3A_39 = tpu.memref_slice %arg9[%dma_start3A_37, %dma_start3A_38] : memref<125x40xi32, #tpu.memory_space<vmem>> -> memref<1x40xi32, #tpu.memory_space<vmem>>
    %dma_start3A_40 = tpu.memref_squeeze %dma_start3A_39 : memref<1x40xi32, #tpu.memory_space<vmem>> -> memref<40xi32, #tpu.memory_space<vmem>>
    %dma_start3A_41 = arith.constant 0 : i32
    %dma_start3A_42 = arith.constant 0 : i32
    %dma_start3A_43 = tpu.memref_slice %arg3[%dma_start3A_41, %dma_start3A_42] : memref<10000x128xi32, #tpu.memory_space<hbm>> -> memref<10000x128xi32, #tpu.memory_space<hbm>>
    tpu.enqueue_indirect_dma source(%dma_start3A_43 : memref<10000x128xi32, #tpu.memory_space<hbm>>) target(%arg16 : memref<40x128xi32, #tpu.memory_space<vmem>>) offsets(%dma_start3A_40 : memref<40xi32, #tpu.memory_space<vmem>>) semaphore(%arg20 : memref<!tpu.dma_semaphore, #tpu.memory_space<semaphore_mem>>)
    %scan3A = arith.constant 0 : i32
    %scan3A_44 = arith.constant 32 : i32
    %scan3A_45 = arith.addi %scan3A, %scan3A_44 : i32
    %scan3A_46 = arith.constant 1 : i32
    scf.for %scan3A_79 = %scan3A to %scan3A_45 step %scan3A_46  : i32 {
      %mul3A_80 = arith.constant 1 : i32
      %mul3A_81 = arith.muli %scan3A_79, %mul3A_80 : i32
      %add3A_82 = arith.constant 0 : i32
      %add3A_83 = arith.addi %add3A_82, %mul3A_81 : i32
      %mul3A_84 = arith.constant 4 : i32
      %mul3A_85 = arith.muli %add3A_83, %mul3A_84 : i32
      %add3A_86 = arith.constant 0 : i32
      %add3A_87 = arith.addi %mul3A_85, %add3A_86 : i32
      %dma_wait3A_88 = arith.constant 0 : i32
      %dma_wait3A_89 = arith.constant 0 : i32
      %dma_wait3A_90 = tpu.memref_slice %arg8[%dma_wait3A_88, %dma_wait3A_89] : memref<125x40xi32, #tpu.memory_space<vmem>> -> memref<1x40xi32, #tpu.memory_space<vmem>>
      %dma_wait3A_91 = tpu.memref_squeeze %dma_wait3A_90 : memref<1x40xi32, #tpu.memory_space<vmem>> -> memref<40xi32, #tpu.memory_space<vmem>>
      %dma_wait3A_92 = arith.constant 0 : i32
      %dma_wait3A_93 = arith.constant 0 : i32
      %dma_wait3A_94 = tpu.memref_slice %arg2[%dma_wait3A_92, %dma_wait3A_93] : memref<10000x128xi32, #tpu.memory_space<hbm>> -> memref<10000x128xi32, #tpu.memory_space<hbm>>
      tpu.wait_indirect_dma semaphore(%arg18 : memref<!tpu.dma_semaphore, #tpu.memory_space<semaphore_mem>>) src(%dma_wait3A_94 : memref<10000x128xi32, #tpu.memory_space<hbm>>) dst(%arg10 : memref<40x128xi32, #tpu.memory_space<vmem>>)
      %dma_wait3A_95 = arith.constant 0 : i32
      %dma_wait3A_96 = arith.constant 0 : i32
      %dma_wait3A_97 = tpu.memref_slice %arg9[%dma_wait3A_95, %dma_wait3A_96] : memref<125x40xi32, #tpu.memory_space<vmem>> -> memref<1x40xi32, #tpu.memory_space<vmem>>
      %dma_wait3A_98 = tpu.memref_squeeze %dma_wait3A_97 : memref<1x40xi32, #tpu.memory_space<vmem>> -> memref<40xi32, #tpu.memory_space<vmem>>
      %dma_wait3A_99 = arith.constant 0 : i32
      %dma_wait3A_100 = arith.constant 0 : i32
      %dma_wait3A_101 = tpu.memref_slice %arg3[%dma_wait3A_99, %dma_wait3A_100] : memref<10000x128xi32, #tpu.memory_space<hbm>> -> memref<10000x128xi32, #tpu.memory_space<hbm>>
      tpu.wait_indirect_dma semaphore(%arg18 : memref<!tpu.dma_semaphore, #tpu.memory_space<semaphore_mem>>) src(%dma_wait3A_101 : memref<10000x128xi32, #tpu.memory_space<hbm>>) dst(%arg14 : memref<40x128xi32, #tpu.memory_space<vmem>>)
      %mul3A_102 = arith.constant 40 : i32
      %mul3A_103 = arith.muli %add3A_87, %mul3A_102 : i32
      %add3A_104 = arith.addi %mul3A_2, %mul3A_103 : i32
      %dma_start3A_105 = arith.constant 0 : i32
      %dma_start3A_106 = tpu.memref_slice %arg6[%add3A_104, %dma_start3A_105] : memref<160000x128xi32, #tpu.memory_space<hbm>> -> memref<40x128xi32, #tpu.memory_space<hbm>>
      %dma_start3A_107 = arith.constant 0 : i32
      %dma_start3A_108 = tpu.memref_slice %arg6[%add3A_104, %dma_start3A_107] : memref<160000x128xi32, #tpu.memory_space<hbm>> -> memref<40x128xi32, #tpu.memory_space<hbm>>
      tpu.enqueue_dma source(%arg10 : memref<40x128xi32, #tpu.memory_space<vmem>>) target(%dma_start3A_108 : memref<40x128xi32, #tpu.memory_space<hbm>>) target_semaphore(%arg22 : memref<!tpu.dma_semaphore, #tpu.memory_space<semaphore_mem>>)
      %dma_start3A_109 = arith.constant 0 : i32
      %dma_start3A_110 = tpu.memref_slice %arg7[%add3A_104, %dma_start3A_109] : memref<160000x128xi32, #tpu.memory_space<hbm>> -> memref<40x128xi32, #tpu.memory_space<hbm>>
      %dma_start3A_111 = arith.constant 0 : i32
      %dma_start3A_112 = tpu.memref_slice %arg7[%add3A_104, %dma_start3A_111] : memref<160000x128xi32, #tpu.memory_space<hbm>> -> memref<40x128xi32, #tpu.memory_space<hbm>>
      tpu.enqueue_dma source(%arg14 : memref<40x128xi32, #tpu.memory_space<vmem>>) target(%dma_start3A_112 : memref<40x128xi32, #tpu.memory_space<hbm>>) target_semaphore(%arg22 : memref<!tpu.dma_semaphore, #tpu.memory_space<semaphore_mem>>)
      %add3A_113 = arith.constant 3 : i32
      %add3A_114 = arith.addi %add3A_87, %add3A_113 : i32
      %lt3A = arith.constant 125 : i32
      %lt3A_115 = arith.cmpi slt, %add3A_114, %lt3A : i32
      %convert_element_type3A = arith.extui %lt3A_115 : i1 to i32
      %cond3A = arith.constant 0 : i32
      %cond3A_116 = arith.cmpi ne, %convert_element_type3A, %cond3A : i32
      scf.if %cond3A_116 {
        %ge3A = arith.constant 1 : i32
        %ge3A_138 = arith.cmpi sge, %add3A_87, %ge3A : i32
        %convert_element_type3A_139 = arith.extui %ge3A_138 : i1 to i32
        %cond3A_140 = arith.constant 0 : i32
        %cond3A_141 = arith.cmpi ne, %convert_element_type3A_139, %cond3A_140 : i32
        scf.if %cond3A_141 {
          %dma_wait3A_154 = arith.constant 0 : i32
          %dma_wait3A_155 = tpu.memref_slice %arg6[%mul3A_2, %dma_wait3A_154] : memref<160000x128xi32, #tpu.memory_space<hbm>> -> memref<40x128xi32, #tpu.memory_space<hbm>>
          %dma_wait3A_156 = arith.constant 0 : i32
          %dma_wait3A_157 = tpu.memref_slice %arg6[%mul3A_2, %dma_wait3A_156] : memref<160000x128xi32, #tpu.memory_space<hbm>> -> memref<40x128xi32, #tpu.memory_space<hbm>>
          tpu.wait_dma2 semaphore(%arg25 : memref<!tpu.dma_semaphore, #tpu.memory_space<semaphore_mem>>) src(%arg13 : memref<40x128xi32, #tpu.memory_space<vmem>>) dst(%dma_wait3A_157 : memref<40x128xi32, #tpu.memory_space<hbm>>)
          %dma_wait3A_158 = arith.constant 0 : i32
          %dma_wait3A_159 = tpu.memref_slice %arg7[%mul3A_2, %dma_wait3A_158] : memref<160000x128xi32, #tpu.memory_space<hbm>> -> memref<40x128xi32, #tpu.memory_space<hbm>>
          %dma_wait3A_160 = arith.constant 0 : i32
          %dma_wait3A_161 = tpu.memref_slice %arg7[%mul3A_2, %dma_wait3A_160] : memref<160000x128xi32, #tpu.memory_space<hbm>> -> memref<40x128xi32, #tpu.memory_space<hbm>>
          tpu.wait_dma2 semaphore(%arg25 : memref<!tpu.dma_semaphore, #tpu.memory_space<semaphore_mem>>) src(%arg17 : memref<40x128xi32, #tpu.memory_space<vmem>>) dst(%dma_wait3A_161 : memref<40x128xi32, #tpu.memory_space<hbm>>)
        } else {
        }
        %dma_start3A_142 = arith.constant 0 : i32
        %dma_start3A_143 = tpu.memref_slice %arg8[%add3A_114, %dma_start3A_142] : memref<125x40xi32, #tpu.memory_space<vmem>> -> memref<1x40xi32, #tpu.memory_space<vmem>>
        %dma_start3A_144 = tpu.memref_squeeze %dma_start3A_143 : memref<1x40xi32, #tpu.memory_space<vmem>> -> memref<40xi32, #tpu.memory_space<vmem>>
        %dma_start3A_145 = arith.constant 0 : i32
        %dma_start3A_146 = arith.constant 0 : i32
        %dma_start3A_147 = tpu.memref_slice %arg2[%dma_start3A_145, %dma_start3A_146] : memref<10000x128xi32, #tpu.memory_space<hbm>> -> memref<10000x128xi32, #tpu.memory_space<hbm>>
        tpu.enqueue_indirect_dma source(%dma_start3A_147 : memref<10000x128xi32, #tpu.memory_space<hbm>>) target(%arg13 : memref<40x128xi32, #tpu.memory_space<vmem>>) offsets(%dma_start3A_144 : memref<40xi32, #tpu.memory_space<vmem>>) semaphore(%arg21 : memref<!tpu.dma_semaphore, #tpu.memory_space<semaphore_mem>>)
        %dma_start3A_148 = arith.constant 0 : i32
        %dma_start3A_149 = tpu.memref_slice %arg9[%add3A_114, %dma_start3A_148] : memref<125x40xi32, #tpu.memory_space<vmem>> -> memref<1x40xi32, #tpu.memory_space<vmem>>
        %dma_start3A_150 = tpu.memref_squeeze %dma_start3A_149 : memref<1x40xi32, #tpu.memory_space<vmem>> -> memref<40xi32, #tpu.memory_space<vmem>>
        %dma_start3A_151 = arith.constant 0 : i32
        %dma_start3A_152 = arith.constant 0 : i32
        %dma_start3A_153 = tpu.memref_slice %arg3[%dma_start3A_151, %dma_start3A_152] : memref<10000x128xi32, #tpu.memory_space<hbm>> -> memref<10000x128xi32, #tpu.memory_space<hbm>>
        tpu.enqueue_indirect_dma source(%dma_start3A_153 : memref<10000x128xi32, #tpu.memory_space<hbm>>) target(%arg17 : memref<40x128xi32, #tpu.memory_space<vmem>>) offsets(%dma_start3A_150 : memref<40xi32, #tpu.memory_space<vmem>>) semaphore(%arg21 : memref<!tpu.dma_semaphore, #tpu.memory_space<semaphore_mem>>)
      } else {
      }
      %add3A_117 = arith.constant 1 : i32
      %add3A_118 = arith.addi %mul3A_85, %add3A_117 : i32
      %lt3A_119 = arith.constant 125 : i32
      %lt3A_120 = arith.cmpi slt, %add3A_118, %lt3A_119 : i32
      %convert_element_type3A_121 = arith.extui %lt3A_120 : i1 to i32
      %cond3A_122 = arith.constant 0 : i32
      %cond3A_123 = arith.cmpi ne, %convert_element_type3A_121, %cond3A_122 : i32
      scf.if %cond3A_123 {
        %dma_wait3A_138 = arith.constant 0 : i32
        %dma_wait3A_139 = arith.constant 0 : i32
        %dma_wait3A_140 = tpu.memref_slice %arg8[%dma_wait3A_138, %dma_wait3A_139] : memref<125x40xi32, #tpu.memory_space<vmem>> -> memref<1x40xi32, #tpu.memory_space<vmem>>
        %dma_wait3A_141 = tpu.memref_squeeze %dma_wait3A_140 : memref<1x40xi32, #tpu.memory_space<vmem>> -> memref<40xi32, #tpu.memory_space<vmem>>
        %dma_wait3A_142 = arith.constant 0 : i32
        %dma_wait3A_143 = arith.constant 0 : i32
        %dma_wait3A_144 = tpu.memref_slice %arg2[%dma_wait3A_142, %dma_wait3A_143] : memref<10000x128xi32, #tpu.memory_space<hbm>> -> memref<10000x128xi32, #tpu.memory_space<hbm>>
        tpu.wait_indirect_dma semaphore(%arg19 : memref<!tpu.dma_semaphore, #tpu.memory_space<semaphore_mem>>) src(%dma_wait3A_144 : memref<10000x128xi32, #tpu.memory_space<hbm>>) dst(%arg11 : memref<40x128xi32, #tpu.memory_space<vmem>>)
        %dma_wait3A_145 = arith.constant 0 : i32
        %dma_wait3A_146 = arith.constant 0 : i32
        %dma_wait3A_147 = tpu.memref_slice %arg9[%dma_wait3A_145, %dma_wait3A_146] : memref<125x40xi32, #tpu.memory_space<vmem>> -> memref<1x40xi32, #tpu.memory_space<vmem>>
        %dma_wait3A_148 = tpu.memref_squeeze %dma_wait3A_147 : memref<1x40xi32, #tpu.memory_space<vmem>> -> memref<40xi32, #tpu.memory_space<vmem>>
        %dma_wait3A_149 = arith.constant 0 : i32
        %dma_wait3A_150 = arith.constant 0 : i32
        %dma_wait3A_151 = tpu.memref_slice %arg3[%dma_wait3A_149, %dma_wait3A_150] : memref<10000x128xi32, #tpu.memory_space<hbm>> -> memref<10000x128xi32, #tpu.memory_space<hbm>>
        tpu.wait_indirect_dma semaphore(%arg19 : memref<!tpu.dma_semaphore, #tpu.memory_space<semaphore_mem>>) src(%dma_wait3A_151 : memref<10000x128xi32, #tpu.memory_space<hbm>>) dst(%arg15 : memref<40x128xi32, #tpu.memory_space<vmem>>)
        %mul3A_152 = arith.constant 40 : i32
        %mul3A_153 = arith.muli %add3A_118, %mul3A_152 : i32
        %add3A_154 = arith.addi %mul3A_2, %mul3A_153 : i32
        %dma_start3A_155 = arith.constant 0 : i32
        %dma_start3A_156 = tpu.memref_slice %arg6[%add3A_154, %dma_start3A_155] : memref<160000x128xi32, #tpu.memory_space<hbm>> -> memref<40x128xi32, #tpu.memory_space<hbm>>
        %dma_start3A_157 = arith.constant 0 : i32
        %dma_start3A_158 = tpu.memref_slice %arg6[%add3A_154, %dma_start3A_157] : memref<160000x128xi32, #tpu.memory_space<hbm>> -> memref<40x128xi32, #tpu.memory_space<hbm>>
        tpu.enqueue_dma source(%arg11 : memref<40x128xi32, #tpu.memory_space<vmem>>) target(%dma_start3A_158 : memref<40x128xi32, #tpu.memory_space<hbm>>) target_semaphore(%arg23 : memref<!tpu.dma_semaphore, #tpu.memory_space<semaphore_mem>>)
        %dma_start3A_159 = arith.constant 0 : i32
        %dma_start3A_160 = tpu.memref_slice %arg7[%add3A_154, %dma_start3A_159] : memref<160000x128xi32, #tpu.memory_space<hbm>> -> memref<40x128xi32, #tpu.memory_space<hbm>>
        %dma_start3A_161 = arith.constant 0 : i32
        %dma_start3A_162 = tpu.memref_slice %arg7[%add3A_154, %dma_start3A_161] : memref<160000x128xi32, #tpu.memory_space<hbm>> -> memref<40x128xi32, #tpu.memory_space<hbm>>
        tpu.enqueue_dma source(%arg15 : memref<40x128xi32, #tpu.memory_space<vmem>>) target(%dma_start3A_162 : memref<40x128xi32, #tpu.memory_space<hbm>>) target_semaphore(%arg23 : memref<!tpu.dma_semaphore, #tpu.memory_space<semaphore_mem>>)
        %add3A_163 = arith.constant 3 : i32
        %add3A_164 = arith.addi %add3A_118, %add3A_163 : i32
        %lt3A_165 = arith.constant 125 : i32
        %lt3A_166 = arith.cmpi slt, %add3A_164, %lt3A_165 : i32
        %convert_element_type3A_167 = arith.extui %lt3A_166 : i1 to i32
        %cond3A_168 = arith.constant 0 : i32
        %cond3A_169 = arith.cmpi ne, %convert_element_type3A_167, %cond3A_168 : i32
        scf.if %cond3A_169 {
          %dma_wait3A_170 = arith.constant 0 : i32
          %dma_wait3A_171 = tpu.memref_slice %arg6[%mul3A_2, %dma_wait3A_170] : memref<160000x128xi32, #tpu.memory_space<hbm>> -> memref<40x128xi32, #tpu.memory_space<hbm>>
          %dma_wait3A_172 = arith.constant 0 : i32
          %dma_wait3A_173 = tpu.memref_slice %arg6[%mul3A_2, %dma_wait3A_172] : memref<160000x128xi32, #tpu.memory_space<hbm>> -> memref<40x128xi32, #tpu.memory_space<hbm>>
          tpu.wait_dma2 semaphore(%arg22 : memref<!tpu.dma_semaphore, #tpu.memory_space<semaphore_mem>>) src(%arg10 : memref<40x128xi32, #tpu.memory_space<vmem>>) dst(%dma_wait3A_173 : memref<40x128xi32, #tpu.memory_space<hbm>>)
          %dma_wait3A_174 = arith.constant 0 : i32
          %dma_wait3A_175 = tpu.memref_slice %arg7[%mul3A_2, %dma_wait3A_174] : memref<160000x128xi32, #tpu.memory_space<hbm>> -> memref<40x128xi32, #tpu.memory_space<hbm>>
          %dma_wait3A_176 = arith.constant 0 : i32
          %dma_wait3A_177 = tpu.memref_slice %arg7[%mul3A_2, %dma_wait3A_176] : memref<160000x128xi32, #tpu.memory_space<hbm>> -> memref<40x128xi32, #tpu.memory_space<hbm>>
          tpu.wait_dma2 semaphore(%arg22 : memref<!tpu.dma_semaphore, #tpu.memory_space<semaphore_mem>>) src(%arg14 : memref<40x128xi32, #tpu.memory_space<vmem>>) dst(%dma_wait3A_177 : memref<40x128xi32, #tpu.memory_space<hbm>>)
          %dma_start3A_178 = arith.constant 0 : i32
          %dma_start3A_179 = tpu.memref_slice %arg8[%add3A_164, %dma_start3A_178] : memref<125x40xi32, #tpu.memory_space<vmem>> -> memref<1x40xi32, #tpu.memory_space<vmem>>
          %dma_start3A_180 = tpu.memref_squeeze %dma_start3A_179 : memref<1x40xi32, #tpu.memory_space<vmem>> -> memref<40xi32, #tpu.memory_space<vmem>>
          %dma_start3A_181 = arith.constant 0 : i32
          %dma_start3A_182 = arith.constant 0 : i32
          %dma_start3A_183 = tpu.memref_slice %arg2[%dma_start3A_181, %dma_start3A_182] : memref<10000x128xi32, #tpu.memory_space<hbm>> -> memref<10000x128xi32, #tpu.memory_space<hbm>>
          tpu.enqueue_indirect_dma source(%dma_start3A_183 : memref<10000x128xi32, #tpu.memory_space<hbm>>) target(%arg10 : memref<40x128xi32, #tpu.memory_space<vmem>>) offsets(%dma_start3A_180 : memref<40xi32, #tpu.memory_space<vmem>>) semaphore(%arg18 : memref<!tpu.dma_semaphore, #tpu.memory_space<semaphore_mem>>)
          %dma_start3A_184 = arith.constant 0 : i32
          %dma_start3A_185 = tpu.memref_slice %arg9[%add3A_164, %dma_start3A_184] : memref<125x40xi32, #tpu.memory_space<vmem>> -> memref<1x40xi32, #tpu.memory_space<vmem>>
          %dma_start3A_186 = tpu.memref_squeeze %dma_start3A_185 : memref<1x40xi32, #tpu.memory_space<vmem>> -> memref<40xi32, #tpu.memory_space<vmem>>
          %dma_start3A_187 = arith.constant 0 : i32
          %dma_start3A_188 = arith.constant 0 : i32
          %dma_start3A_189 = tpu.memref_slice %arg3[%dma_start3A_187, %dma_start3A_188] : memref<10000x128xi32, #tpu.memory_space<hbm>> -> memref<10000x128xi32, #tpu.memory_space<hbm>>
          tpu.enqueue_indirect_dma source(%dma_start3A_189 : memref<10000x128xi32, #tpu.memory_space<hbm>>) target(%arg14 : memref<40x128xi32, #tpu.memory_space<vmem>>) offsets(%dma_start3A_186 : memref<40xi32, #tpu.memory_space<vmem>>) semaphore(%arg18 : memref<!tpu.dma_semaphore, #tpu.memory_space<semaphore_mem>>)
        } else {
        }
      } else {
      }
      %add3A_124 = arith.constant 2 : i32
      %add3A_125 = arith.addi %mul3A_85, %add3A_124 : i32
      %lt3A_126 = arith.constant 125 : i32
      %lt3A_127 = arith.cmpi slt, %add3A_125, %lt3A_126 : i32
      %convert_element_type3A_128 = arith.extui %lt3A_127 : i1 to i32
      %cond3A_129 = arith.constant 0 : i32
      %cond3A_130 = arith.cmpi ne, %convert_element_type3A_128, %cond3A_129 : i32
      scf.if %cond3A_130 {
        %dma_wait3A_138 = arith.constant 0 : i32
        %dma_wait3A_139 = arith.constant 0 : i32
        %dma_wait3A_140 = tpu.memref_slice %arg8[%dma_wait3A_138, %dma_wait3A_139] : memref<125x40xi32, #tpu.memory_space<vmem>> -> memref<1x40xi32, #tpu.memory_space<vmem>>
        %dma_wait3A_141 = tpu.memref_squeeze %dma_wait3A_140 : memref<1x40xi32, #tpu.memory_space<vmem>> -> memref<40xi32, #tpu.memory_space<vmem>>
        %dma_wait3A_142 = arith.constant 0 : i32
        %dma_wait3A_143 = arith.constant 0 : i32
        %dma_wait3A_144 = tpu.memref_slice %arg2[%dma_wait3A_142, %dma_wait3A_143] : memref<10000x128xi32, #tpu.memory_space<hbm>> -> memref<10000x128xi32, #tpu.memory_space<hbm>>
        tpu.wait_indirect_dma semaphore(%arg20 : memref<!tpu.dma_semaphore, #tpu.memory_space<semaphore_mem>>) src(%dma_wait3A_144 : memref<10000x128xi32, #tpu.memory_space<hbm>>) dst(%arg12 : memref<40x128xi32, #tpu.memory_space<vmem>>)
        %dma_wait3A_145 = arith.constant 0 : i32
        %dma_wait3A_146 = arith.constant 0 : i32
        %dma_wait3A_147 = tpu.memref_slice %arg9[%dma_wait3A_145, %dma_wait3A_146] : memref<125x40xi32, #tpu.memory_space<vmem>> -> memref<1x40xi32, #tpu.memory_space<vmem>>
        %dma_wait3A_148 = tpu.memref_squeeze %dma_wait3A_147 : memref<1x40xi32, #tpu.memory_space<vmem>> -> memref<40xi32, #tpu.memory_space<vmem>>
        %dma_wait3A_149 = arith.constant 0 : i32
        %dma_wait3A_150 = arith.constant 0 : i32
        %dma_wait3A_151 = tpu.memref_slice %arg3[%dma_wait3A_149, %dma_wait3A_150] : memref<10000x128xi32, #tpu.memory_space<hbm>> -> memref<10000x128xi32, #tpu.memory_space<hbm>>
        tpu.wait_indirect_dma semaphore(%arg20 : memref<!tpu.dma_semaphore, #tpu.memory_space<semaphore_mem>>) src(%dma_wait3A_151 : memref<10000x128xi32, #tpu.memory_space<hbm>>) dst(%arg16 : memref<40x128xi32, #tpu.memory_space<vmem>>)
        %mul3A_152 = arith.constant 40 : i32
        %mul3A_153 = arith.muli %add3A_125, %mul3A_152 : i32
        %add3A_154 = arith.addi %mul3A_2, %mul3A_153 : i32
        %dma_start3A_155 = arith.constant 0 : i32
        %dma_start3A_156 = tpu.memref_slice %arg6[%add3A_154, %dma_start3A_155] : memref<160000x128xi32, #tpu.memory_space<hbm>> -> memref<40x128xi32, #tpu.memory_space<hbm>>
        %dma_start3A_157 = arith.constant 0 : i32
        %dma_start3A_158 = tpu.memref_slice %arg6[%add3A_154, %dma_start3A_157] : memref<160000x128xi32, #tpu.memory_space<hbm>> -> memref<40x128xi32, #tpu.memory_space<hbm>>
        tpu.enqueue_dma source(%arg12 : memref<40x128xi32, #tpu.memory_space<vmem>>) target(%dma_start3A_158 : memref<40x128xi32, #tpu.memory_space<hbm>>) target_semaphore(%arg24 : memref<!tpu.dma_semaphore, #tpu.memory_space<semaphore_mem>>)
        %dma_start3A_159 = arith.constant 0 : i32
        %dma_start3A_160 = tpu.memref_slice %arg7[%add3A_154, %dma_start3A_159] : memref<160000x128xi32, #tpu.memory_space<hbm>> -> memref<40x128xi32, #tpu.memory_space<hbm>>
        %dma_start3A_161 = arith.constant 0 : i32
        %dma_start3A_162 = tpu.memref_slice %arg7[%add3A_154, %dma_start3A_161] : memref<160000x128xi32, #tpu.memory_space<hbm>> -> memref<40x128xi32, #tpu.memory_space<hbm>>
        tpu.enqueue_dma source(%arg16 : memref<40x128xi32, #tpu.memory_space<vmem>>) target(%dma_start3A_162 : memref<40x128xi32, #tpu.memory_space<hbm>>) target_semaphore(%arg24 : memref<!tpu.dma_semaphore, #tpu.memory_space<semaphore_mem>>)
        %add3A_163 = arith.constant 3 : i32
        %add3A_164 = arith.addi %add3A_125, %add3A_163 : i32
        %lt3A_165 = arith.constant 125 : i32
        %lt3A_166 = arith.cmpi slt, %add3A_164, %lt3A_165 : i32
        %convert_element_type3A_167 = arith.extui %lt3A_166 : i1 to i32
        %cond3A_168 = arith.constant 0 : i32
        %cond3A_169 = arith.cmpi ne, %convert_element_type3A_167, %cond3A_168 : i32
        scf.if %cond3A_169 {
          %dma_wait3A_170 = arith.constant 0 : i32
          %dma_wait3A_171 = tpu.memref_slice %arg6[%mul3A_2, %dma_wait3A_170] : memref<160000x128xi32, #tpu.memory_space<hbm>> -> memref<40x128xi32, #tpu.memory_space<hbm>>
          %dma_wait3A_172 = arith.constant 0 : i32
          %dma_wait3A_173 = tpu.memref_slice %arg6[%mul3A_2, %dma_wait3A_172] : memref<160000x128xi32, #tpu.memory_space<hbm>> -> memref<40x128xi32, #tpu.memory_space<hbm>>
          tpu.wait_dma2 semaphore(%arg23 : memref<!tpu.dma_semaphore, #tpu.memory_space<semaphore_mem>>) src(%arg11 : memref<40x128xi32, #tpu.memory_space<vmem>>) dst(%dma_wait3A_173 : memref<40x128xi32, #tpu.memory_space<hbm>>)
          %dma_wait3A_174 = arith.constant 0 : i32
          %dma_wait3A_175 = tpu.memref_slice %arg7[%mul3A_2, %dma_wait3A_174] : memref<160000x128xi32, #tpu.memory_space<hbm>> -> memref<40x128xi32, #tpu.memory_space<hbm>>
          %dma_wait3A_176 = arith.constant 0 : i32
          %dma_wait3A_177 = tpu.memref_slice %arg7[%mul3A_2, %dma_wait3A_176] : memref<160000x128xi32, #tpu.memory_space<hbm>> -> memref<40x128xi32, #tpu.memory_space<hbm>>
          tpu.wait_dma2 semaphore(%arg23 : memref<!tpu.dma_semaphore, #tpu.memory_space<semaphore_mem>>) src(%arg15 : memref<40x128xi32, #tpu.memory_space<vmem>>) dst(%dma_wait3A_177 : memref<40x128xi32, #tpu.memory_space<hbm>>)
          %dma_start3A_178 = arith.constant 0 : i32
          %dma_start3A_179 = tpu.memref_slice %arg8[%add3A_164, %dma_start3A_178] : memref<125x40xi32, #tpu.memory_space<vmem>> -> memref<1x40xi32, #tpu.memory_space<vmem>>
          %dma_start3A_180 = tpu.memref_squeeze %dma_start3A_179 : memref<1x40xi32, #tpu.memory_space<vmem>> -> memref<40xi32, #tpu.memory_space<vmem>>
          %dma_start3A_181 = arith.constant 0 : i32
          %dma_start3A_182 = arith.constant 0 : i32
          %dma_start3A_183 = tpu.memref_slice %arg2[%dma_start3A_181, %dma_start3A_182] : memref<10000x128xi32, #tpu.memory_space<hbm>> -> memref<10000x128xi32, #tpu.memory_space<hbm>>
          tpu.enqueue_indirect_dma source(%dma_start3A_183 : memref<10000x128xi32, #tpu.memory_space<hbm>>) target(%arg11 : memref<40x128xi32, #tpu.memory_space<vmem>>) offsets(%dma_start3A_180 : memref<40xi32, #tpu.memory_space<vmem>>) semaphore(%arg19 : memref<!tpu.dma_semaphore, #tpu.memory_space<semaphore_mem>>)
          %dma_start3A_184 = arith.constant 0 : i32
          %dma_start3A_185 = tpu.memref_slice %arg9[%add3A_164, %dma_start3A_184] : memref<125x40xi32, #tpu.memory_space<vmem>> -> memref<1x40xi32, #tpu.memory_space<vmem>>
          %dma_start3A_186 = tpu.memref_squeeze %dma_start3A_185 : memref<1x40xi32, #tpu.memory_space<vmem>> -> memref<40xi32, #tpu.memory_space<vmem>>
          %dma_start3A_187 = arith.constant 0 : i32
          %dma_start3A_188 = arith.constant 0 : i32
          %dma_start3A_189 = tpu.memref_slice %arg3[%dma_start3A_187, %dma_start3A_188] : memref<10000x128xi32, #tpu.memory_space<hbm>> -> memref<10000x128xi32, #tpu.memory_space<hbm>>
          tpu.enqueue_indirect_dma source(%dma_start3A_189 : memref<10000x128xi32, #tpu.memory_space<hbm>>) target(%arg15 : memref<40x128xi32, #tpu.memory_space<vmem>>) offsets(%dma_start3A_186 : memref<40xi32, #tpu.memory_space<vmem>>) semaphore(%arg19 : memref<!tpu.dma_semaphore, #tpu.memory_space<semaphore_mem>>)
        } else {
        }
      } else {
      }
      %add3A_131 = arith.constant 3 : i32
      %add3A_132 = arith.addi %mul3A_85, %add3A_131 : i32
      %lt3A_133 = arith.constant 125 : i32
      %lt3A_134 = arith.cmpi slt, %add3A_132, %lt3A_133 : i32
      %convert_element_type3A_135 = arith.extui %lt3A_134 : i1 to i32
      %cond3A_136 = arith.constant 0 : i32
      %cond3A_137 = arith.cmpi ne, %convert_element_type3A_135, %cond3A_136 : i32
      scf.if %cond3A_137 {
        %dma_wait3A_138 = arith.constant 0 : i32
        %dma_wait3A_139 = arith.constant 0 : i32
        %dma_wait3A_140 = tpu.memref_slice %arg8[%dma_wait3A_138, %dma_wait3A_139] : memref<125x40xi32, #tpu.memory_space<vmem>> -> memref<1x40xi32, #tpu.memory_space<vmem>>
        %dma_wait3A_141 = tpu.memref_squeeze %dma_wait3A_140 : memref<1x40xi32, #tpu.memory_space<vmem>> -> memref<40xi32, #tpu.memory_space<vmem>>
        %dma_wait3A_142 = arith.constant 0 : i32
        %dma_wait3A_143 = arith.constant 0 : i32
        %dma_wait3A_144 = tpu.memref_slice %arg2[%dma_wait3A_142, %dma_wait3A_143] : memref<10000x128xi32, #tpu.memory_space<hbm>> -> memref<10000x128xi32, #tpu.memory_space<hbm>>
        tpu.wait_indirect_dma semaphore(%arg21 : memref<!tpu.dma_semaphore, #tpu.memory_space<semaphore_mem>>) src(%dma_wait3A_144 : memref<10000x128xi32, #tpu.memory_space<hbm>>) dst(%arg13 : memref<40x128xi32, #tpu.memory_space<vmem>>)
        %dma_wait3A_145 = arith.constant 0 : i32
        %dma_wait3A_146 = arith.constant 0 : i32
        %dma_wait3A_147 = tpu.memref_slice %arg9[%dma_wait3A_145, %dma_wait3A_146] : memref<125x40xi32, #tpu.memory_space<vmem>> -> memref<1x40xi32, #tpu.memory_space<vmem>>
        %dma_wait3A_148 = tpu.memref_squeeze %dma_wait3A_147 : memref<1x40xi32, #tpu.memory_space<vmem>> -> memref<40xi32, #tpu.memory_space<vmem>>
        %dma_wait3A_149 = arith.constant 0 : i32
        %dma_wait3A_150 = arith.constant 0 : i32
        %dma_wait3A_151 = tpu.memref_slice %arg3[%dma_wait3A_149, %dma_wait3A_150] : memref<10000x128xi32, #tpu.memory_space<hbm>> -> memref<10000x128xi32, #tpu.memory_space<hbm>>
        tpu.wait_indirect_dma semaphore(%arg21 : memref<!tpu.dma_semaphore, #tpu.memory_space<semaphore_mem>>) src(%dma_wait3A_151 : memref<10000x128xi32, #tpu.memory_space<hbm>>) dst(%arg17 : memref<40x128xi32, #tpu.memory_space<vmem>>)
        %mul3A_152 = arith.constant 40 : i32
        %mul3A_153 = arith.muli %add3A_132, %mul3A_152 : i32
        %add3A_154 = arith.addi %mul3A_2, %mul3A_153 : i32
        %dma_start3A_155 = arith.constant 0 : i32
        %dma_start3A_156 = tpu.memref_slice %arg6[%add3A_154, %dma_start3A_155] : memref<160000x128xi32, #tpu.memory_space<hbm>> -> memref<40x128xi32, #tpu.memory_space<hbm>>
        %dma_start3A_157 = arith.constant 0 : i32
        %dma_start3A_158 = tpu.memref_slice %arg6[%add3A_154, %dma_start3A_157] : memref<160000x128xi32, #tpu.memory_space<hbm>> -> memref<40x128xi32, #tpu.memory_space<hbm>>
        tpu.enqueue_dma source(%arg13 : memref<40x128xi32, #tpu.memory_space<vmem>>) target(%dma_start3A_158 : memref<40x128xi32, #tpu.memory_space<hbm>>) target_semaphore(%arg25 : memref<!tpu.dma_semaphore, #tpu.memory_space<semaphore_mem>>)
        %dma_start3A_159 = arith.constant 0 : i32
        %dma_start3A_160 = tpu.memref_slice %arg7[%add3A_154, %dma_start3A_159] : memref<160000x128xi32, #tpu.memory_space<hbm>> -> memref<40x128xi32, #tpu.memory_space<hbm>>
        %dma_start3A_161 = arith.constant 0 : i32
        %dma_start3A_162 = tpu.memref_slice %arg7[%add3A_154, %dma_start3A_161] : memref<160000x128xi32, #tpu.memory_space<hbm>> -> memref<40x128xi32, #tpu.memory_space<hbm>>
        tpu.enqueue_dma source(%arg17 : memref<40x128xi32, #tpu.memory_space<vmem>>) target(%dma_start3A_162 : memref<40x128xi32, #tpu.memory_space<hbm>>) target_semaphore(%arg25 : memref<!tpu.dma_semaphore, #tpu.memory_space<semaphore_mem>>)
        %add3A_163 = arith.constant 3 : i32
        %add3A_164 = arith.addi %add3A_132, %add3A_163 : i32
        %lt3A_165 = arith.constant 125 : i32
        %lt3A_166 = arith.cmpi slt, %add3A_164, %lt3A_165 : i32
        %convert_element_type3A_167 = arith.extui %lt3A_166 : i1 to i32
        %cond3A_168 = arith.constant 0 : i32
        %cond3A_169 = arith.cmpi ne, %convert_element_type3A_167, %cond3A_168 : i32
        scf.if %cond3A_169 {
          %dma_wait3A_170 = arith.constant 0 : i32
          %dma_wait3A_171 = tpu.memref_slice %arg6[%mul3A_2, %dma_wait3A_170] : memref<160000x128xi32, #tpu.memory_space<hbm>> -> memref<40x128xi32, #tpu.memory_space<hbm>>
          %dma_wait3A_172 = arith.constant 0 : i32
          %dma_wait3A_173 = tpu.memref_slice %arg6[%mul3A_2, %dma_wait3A_172] : memref<160000x128xi32, #tpu.memory_space<hbm>> -> memref<40x128xi32, #tpu.memory_space<hbm>>
          tpu.wait_dma2 semaphore(%arg24 : memref<!tpu.dma_semaphore, #tpu.memory_space<semaphore_mem>>) src(%arg12 : memref<40x128xi32, #tpu.memory_space<vmem>>) dst(%dma_wait3A_173 : memref<40x128xi32, #tpu.memory_space<hbm>>)
          %dma_wait3A_174 = arith.constant 0 : i32
          %dma_wait3A_175 = tpu.memref_slice %arg7[%mul3A_2, %dma_wait3A_174] : memref<160000x128xi32, #tpu.memory_space<hbm>> -> memref<40x128xi32, #tpu.memory_space<hbm>>
          %dma_wait3A_176 = arith.constant 0 : i32
          %dma_wait3A_177 = tpu.memref_slice %arg7[%mul3A_2, %dma_wait3A_176] : memref<160000x128xi32, #tpu.memory_space<hbm>> -> memref<40x128xi32, #tpu.memory_space<hbm>>
          tpu.wait_dma2 semaphore(%arg24 : memref<!tpu.dma_semaphore, #tpu.memory_space<semaphore_mem>>) src(%arg16 : memref<40x128xi32, #tpu.memory_space<vmem>>) dst(%dma_wait3A_177 : memref<40x128xi32, #tpu.memory_space<hbm>>)
          %dma_start3A_178 = arith.constant 0 : i32
          %dma_start3A_179 = tpu.memref_slice %arg8[%add3A_164, %dma_start3A_178] : memref<125x40xi32, #tpu.memory_space<vmem>> -> memref<1x40xi32, #tpu.memory_space<vmem>>
          %dma_start3A_180 = tpu.memref_squeeze %dma_start3A_179 : memref<1x40xi32, #tpu.memory_space<vmem>> -> memref<40xi32, #tpu.memory_space<vmem>>
          %dma_start3A_181 = arith.constant 0 : i32
          %dma_start3A_182 = arith.constant 0 : i32
          %dma_start3A_183 = tpu.memref_slice %arg2[%dma_start3A_181, %dma_start3A_182] : memref<10000x128xi32, #tpu.memory_space<hbm>> -> memref<10000x128xi32, #tpu.memory_space<hbm>>
          tpu.enqueue_indirect_dma source(%dma_start3A_183 : memref<10000x128xi32, #tpu.memory_space<hbm>>) target(%arg12 : memref<40x128xi32, #tpu.memory_space<vmem>>) offsets(%dma_start3A_180 : memref<40xi32, #tpu.memory_space<vmem>>) semaphore(%arg20 : memref<!tpu.dma_semaphore, #tpu.memory_space<semaphore_mem>>)
          %dma_start3A_184 = arith.constant 0 : i32
          %dma_start3A_185 = tpu.memref_slice %arg9[%add3A_164, %dma_start3A_184] : memref<125x40xi32, #tpu.memory_space<vmem>> -> memref<1x40xi32, #tpu.memory_space<vmem>>
          %dma_start3A_186 = tpu.memref_squeeze %dma_start3A_185 : memref<1x40xi32, #tpu.memory_space<vmem>> -> memref<40xi32, #tpu.memory_space<vmem>>
          %dma_start3A_187 = arith.constant 0 : i32
          %dma_start3A_188 = arith.constant 0 : i32
          %dma_start3A_189 = tpu.memref_slice %arg3[%dma_start3A_187, %dma_start3A_188] : memref<10000x128xi32, #tpu.memory_space<hbm>> -> memref<10000x128xi32, #tpu.memory_space<hbm>>
          tpu.enqueue_indirect_dma source(%dma_start3A_189 : memref<10000x128xi32, #tpu.memory_space<hbm>>) target(%arg16 : memref<40x128xi32, #tpu.memory_space<vmem>>) offsets(%dma_start3A_186 : memref<40xi32, #tpu.memory_space<vmem>>) semaphore(%arg20 : memref<!tpu.dma_semaphore, #tpu.memory_space<semaphore_mem>>)
        } else {
        }
      } else {
      }
    }
    %scan3A_47 = arith.constant 32 : i32
    %dma_wait3A = arith.constant 0 : i32
    %dma_wait3A_48 = tpu.memref_slice %arg6[%mul3A_2, %dma_wait3A] : memref<160000x128xi32, #tpu.memory_space<hbm>> -> memref<40x128xi32, #tpu.memory_space<hbm>>
    %dma_wait3A_49 = arith.constant 0 : i32
    %dma_wait3A_50 = tpu.memref_slice %arg6[%mul3A_2, %dma_wait3A_49] : memref<160000x128xi32, #tpu.memory_space<hbm>> -> memref<40x128xi32, #tpu.memory_space<hbm>>
    tpu.wait_dma2 semaphore(%arg22 : memref<!tpu.dma_semaphore, #tpu.memory_space<semaphore_mem>>) src(%arg10 : memref<40x128xi32, #tpu.memory_space<vmem>>) dst(%dma_wait3A_50 : memref<40x128xi32, #tpu.memory_space<hbm>>)
    %dma_wait3A_51 = arith.constant 0 : i32
    %dma_wait3A_52 = tpu.memref_slice %arg7[%mul3A_2, %dma_wait3A_51] : memref<160000x128xi32, #tpu.memory_space<hbm>> -> memref<40x128xi32, #tpu.memory_space<hbm>>
    %dma_wait3A_53 = arith.constant 0 : i32
    %dma_wait3A_54 = tpu.memref_slice %arg7[%mul3A_2, %dma_wait3A_53] : memref<160000x128xi32, #tpu.memory_space<hbm>> -> memref<40x128xi32, #tpu.memory_space<hbm>>
    tpu.wait_dma2 semaphore(%arg22 : memref<!tpu.dma_semaphore, #tpu.memory_space<semaphore_mem>>) src(%arg14 : memref<40x128xi32, #tpu.memory_space<vmem>>) dst(%dma_wait3A_54 : memref<40x128xi32, #tpu.memory_space<hbm>>)
    %dma_wait3A_55 = arith.constant 0 : i32
    %dma_wait3A_56 = tpu.memref_slice %arg6[%mul3A_2, %dma_wait3A_55] : memref<160000x128xi32, #tpu.memory_space<hbm>> -> memref<40x128xi32, #tpu.memory_space<hbm>>
    %dma_wait3A_57 = arith.constant 0 : i32
    %dma_wait3A_58 = tpu.memref_slice %arg6[%mul3A_2, %dma_wait3A_57] : memref<160000x128xi32, #tpu.memory_space<hbm>> -> memref<40x128xi32, #tpu.memory_space<hbm>>
    tpu.wait_dma2 semaphore(%arg23 : memref<!tpu.dma_semaphore, #tpu.memory_space<semaphore_mem>>) src(%arg11 : memref<40x128xi32, #tpu.memory_space<vmem>>) dst(%dma_wait3A_58 : memref<40x128xi32, #tpu.memory_space<hbm>>)
    %dma_wait3A_59 = arith.constant 0 : i32
    %dma_wait3A_60 = tpu.memref_slice %arg7[%mul3A_2, %dma_wait3A_59] : memref<160000x128xi32, #tpu.memory_space<hbm>> -> memref<40x128xi32, #tpu.memory_space<hbm>>
    %dma_wait3A_61 = arith.constant 0 : i32
    %dma_wait3A_62 = tpu.memref_slice %arg7[%mul3A_2, %dma_wait3A_61] : memref<160000x128xi32, #tpu.memory_space<hbm>> -> memref<40x128xi32, #tpu.memory_space<hbm>>
    tpu.wait_dma2 semaphore(%arg23 : memref<!tpu.dma_semaphore, #tpu.memory_space<semaphore_mem>>) src(%arg15 : memref<40x128xi32, #tpu.memory_space<vmem>>) dst(%dma_wait3A_62 : memref<40x128xi32, #tpu.memory_space<hbm>>)
    %dma_wait3A_63 = arith.constant 0 : i32
    %dma_wait3A_64 = tpu.memref_slice %arg6[%mul3A_2, %dma_wait3A_63] : memref<160000x128xi32, #tpu.memory_space<hbm>> -> memref<40x128xi32, #tpu.memory_space<hbm>>
    %dma_wait3A_65 = arith.constant 0 : i32
    %dma_wait3A_66 = tpu.memref_slice %arg6[%mul3A_2, %dma_wait3A_65] : memref<160000x128xi32, #tpu.memory_space<hbm>> -> memref<40x128xi32, #tpu.memory_space<hbm>>
    tpu.wait_dma2 semaphore(%arg24 : memref<!tpu.dma_semaphore, #tpu.memory_space<semaphore_mem>>) src(%arg12 : memref<40x128xi32, #tpu.memory_space<vmem>>) dst(%dma_wait3A_66 : memref<40x128xi32, #tpu.memory_space<hbm>>)
    %dma_wait3A_67 = arith.constant 0 : i32
    %dma_wait3A_68 = tpu.memref_slice %arg7[%mul3A_2, %dma_wait3A_67] : memref<160000x128xi32, #tpu.memory_space<hbm>> -> memref<40x128xi32, #tpu.memory_space<hbm>>
    %dma_wait3A_69 = arith.constant 0 : i32
    %dma_wait3A_70 = tpu.memref_slice %arg7[%mul3A_2, %dma_wait3A_69] : memref<160000x128xi32, #tpu.memory_space<hbm>> -> memref<40x128xi32, #tpu.memory_space<hbm>>
    tpu.wait_dma2 semaphore(%arg24 : memref<!tpu.dma_semaphore, #tpu.memory_space<semaphore_mem>>) src(%arg16 : memref<40x128xi32, #tpu.memory_space<vmem>>) dst(%dma_wait3A_70 : memref<40x128xi32, #tpu.memory_space<hbm>>)
    %dma_wait3A_71 = arith.constant 0 : i32
    %dma_wait3A_72 = tpu.memref_slice %arg6[%mul3A_2, %dma_wait3A_71] : memref<160000x128xi32, #tpu.memory_space<hbm>> -> memref<40x128xi32, #tpu.memory_space<hbm>>
    %dma_wait3A_73 = arith.constant 0 : i32
    %dma_wait3A_74 = tpu.memref_slice %arg6[%mul3A_2, %dma_wait3A_73] : memref<160000x128xi32, #tpu.memory_space<hbm>> -> memref<40x128xi32, #tpu.memory_space<hbm>>
    tpu.wait_dma2 semaphore(%arg25 : memref<!tpu.dma_semaphore, #tpu.memory_space<semaphore_mem>>) src(%arg13 : memref<40x128xi32, #tpu.memory_space<vmem>>) dst(%dma_wait3A_74 : memref<40x128xi32, #tpu.memory_space<hbm>>)
    %dma_wait3A_75 = arith.constant 0 : i32
    %dma_wait3A_76 = tpu.memref_slice %arg7[%mul3A_2, %dma_wait3A_75] : memref<160000x128xi32, #tpu.memory_space<hbm>> -> memref<40x128xi32, #tpu.memory_space<hbm>>
    %dma_wait3A_77 = arith.constant 0 : i32
    %dma_wait3A_78 = tpu.memref_slice %arg7[%mul3A_2, %dma_wait3A_77] : memref<160000x128xi32, #tpu.memory_space<hbm>> -> memref<40x128xi32, #tpu.memory_space<hbm>>
    tpu.wait_dma2 semaphore(%arg25 : memref<!tpu.dma_semaphore, #tpu.memory_space<semaphore_mem>>) src(%arg17 : memref<40x128xi32, #tpu.memory_space<vmem>>) dst(%dma_wait3A_78 : memref<40x128xi32, #tpu.memory_space<hbm>>)
    return
  }
}

#map = affine_map<(d0, d1) -> (0, 0)>
#map1 = affine_map<(d0, d1) -> (0, 0, 0)>
module attributes {stable_mosaic.version = 14 : i64} {
  func.func @scatter_m(%arg0: i32, %arg1: i32, %arg2: memref<160000x128xf32, #tpu.memory_space<hbm>>, %arg3: memref<32x125x40xi32, #tpu.memory_space<hbm>>, %arg4: memref<10000x128xf32, #tpu.memory_space<hbm>>, %arg5: memref<2x10000x128xf32, #tpu.memory_space<hbm>>, %arg6: memref<125x40xi32, #tpu.memory_space<vmem>>, %arg7: memref<40x128xf32, #tpu.memory_space<vmem>>, %arg8: memref<40x128xf32, #tpu.memory_space<vmem>>, %arg9: memref<10000x128xf32, #tpu.memory_space<vmem_shared>>, %arg10: memref<!tpu.dma_semaphore, #tpu.memory_space<semaphore_mem>>, %arg11: memref<!tpu.dma_semaphore, #tpu.memory_space<semaphore_mem>>) attributes {dimension_semantics = [#tpu.dimension_semantics<core_parallel>, #tpu.dimension_semantics<subcore_parallel>], iteration_bounds = array<i64: 2, 16>, scalar_prefetch = 0 : i64, scratch_operands = 6 : i64, tpu.core_type = #tpu.core_type<sc_vector_subcore>, window_params = [{transform_indices = #map}, {transform_indices = #map1}, {transform_indices = #map}, {transform_indices = #map1}]} {
    %mul3A = arith.constant 2 : i32
    %mul3A_0 = arith.muli %arg1, %mul3A : i32
    %add3A = arith.addi %mul3A_0, %arg0 : i32
    "tpu.region"() ({
      %run_scoped3A = tpu.sem_alloc : memref<!tpu.dma_semaphore, #tpu.memory_space<semaphore_mem>>
      %dma_start3A_31 = arith.constant 0 : i32
      %dma_start3A_32 = arith.constant 0 : i32
      %dma_start3A_33 = tpu.memref_slice %arg3[%add3A, %dma_start3A_31, %dma_start3A_32] : memref<32x125x40xi32, #tpu.memory_space<hbm>> -> memref<1x125x40xi32, #tpu.memory_space<hbm>>
      %dma_start3A_34 = tpu.memref_squeeze %dma_start3A_33 : memref<1x125x40xi32, #tpu.memory_space<hbm>> -> memref<125x40xi32, #tpu.memory_space<hbm>>
      %dma_start3A_35 = arith.constant 0 : i32
      %dma_start3A_36 = arith.constant 0 : i32
      %dma_start3A_37 = tpu.memref_slice %arg3[%add3A, %dma_start3A_35, %dma_start3A_36] : memref<32x125x40xi32, #tpu.memory_space<hbm>> -> memref<1x125x40xi32, #tpu.memory_space<hbm>>
      %dma_start3A_38 = tpu.memref_squeeze %dma_start3A_37 : memref<1x125x40xi32, #tpu.memory_space<hbm>> -> memref<125x40xi32, #tpu.memory_space<hbm>>
      tpu.enqueue_dma source(%dma_start3A_38 : memref<125x40xi32, #tpu.memory_space<hbm>>) target(%arg6 : memref<125x40xi32, #tpu.memory_space<vmem>>) target_semaphore(%run_scoped3A : memref<!tpu.dma_semaphore, #tpu.memory_space<semaphore_mem>>)
      %dma_wait3A = arith.constant 0 : i32
      %dma_wait3A_39 = arith.constant 0 : i32
      %dma_wait3A_40 = tpu.memref_slice %arg3[%add3A, %dma_wait3A, %dma_wait3A_39] : memref<32x125x40xi32, #tpu.memory_space<hbm>> -> memref<1x125x40xi32, #tpu.memory_space<hbm>>
      %dma_wait3A_41 = tpu.memref_squeeze %dma_wait3A_40 : memref<1x125x40xi32, #tpu.memory_space<hbm>> -> memref<125x40xi32, #tpu.memory_space<hbm>>
      %dma_wait3A_42 = arith.constant 0 : i32
      %dma_wait3A_43 = arith.constant 0 : i32
      %dma_wait3A_44 = tpu.memref_slice %arg3[%add3A, %dma_wait3A_42, %dma_wait3A_43] : memref<32x125x40xi32, #tpu.memory_space<hbm>> -> memref<1x125x40xi32, #tpu.memory_space<hbm>>
      %dma_wait3A_45 = tpu.memref_squeeze %dma_wait3A_44 : memref<1x125x40xi32, #tpu.memory_space<hbm>> -> memref<125x40xi32, #tpu.memory_space<hbm>>
      tpu.wait_dma2 semaphore(%run_scoped3A : memref<!tpu.dma_semaphore, #tpu.memory_space<semaphore_mem>>) src(%dma_wait3A_45 : memref<125x40xi32, #tpu.memory_space<hbm>>) dst(%arg6 : memref<125x40xi32, #tpu.memory_space<vmem>>)
      tpu.yield
    }) : () -> ()
    %mul3A_1 = arith.constant 624 : i32
    %mul3A_2 = arith.muli %arg1, %mul3A_1 : i32
    %lt3A = arith.constant 15 : i32
    %lt3A_3 = arith.cmpi slt, %arg1, %lt3A : i32
    %convert_element_type3A = arith.extui %lt3A_3 : i1 to i32
    %cond3A = arith.constant 0 : i32
    %cond3A_4 = arith.cmpi ne, %convert_element_type3A, %cond3A : i32
    scf.if %cond3A_4 {
      "tpu.region"() ({
        %run_scoped3A = tpu.sem_alloc : memref<!tpu.dma_semaphore, #tpu.memory_space<semaphore_mem>>
        %dma_start3A_31 = arith.constant 0 : i32
        %dma_start3A_32 = tpu.memref_slice %arg9[%mul3A_2, %dma_start3A_31] : memref<10000x128xf32, #tpu.memory_space<vmem_shared>> -> memref<624x128xf32, #tpu.memory_space<vmem_shared>>
        %dma_start3A_33 = arith.constant 0 : i32
        %dma_start3A_34 = tpu.memref_slice %arg4[%mul3A_2, %dma_start3A_33] : memref<10000x128xf32, #tpu.memory_space<hbm>> -> memref<624x128xf32, #tpu.memory_space<hbm>>
        tpu.enqueue_dma source(%dma_start3A_34 : memref<624x128xf32, #tpu.memory_space<hbm>>) target(%dma_start3A_32 : memref<624x128xf32, #tpu.memory_space<vmem_shared>>) target_semaphore(%run_scoped3A : memref<!tpu.dma_semaphore, #tpu.memory_space<semaphore_mem>>)
        %dma_wait3A = arith.constant 0 : i32
        %dma_wait3A_35 = tpu.memref_slice %arg9[%mul3A_2, %dma_wait3A] : memref<10000x128xf32, #tpu.memory_space<vmem_shared>> -> memref<624x128xf32, #tpu.memory_space<vmem_shared>>
        %dma_wait3A_36 = arith.constant 0 : i32
        %dma_wait3A_37 = tpu.memref_slice %arg4[%mul3A_2, %dma_wait3A_36] : memref<10000x128xf32, #tpu.memory_space<hbm>> -> memref<624x128xf32, #tpu.memory_space<hbm>>
        tpu.wait_dma2 semaphore(%run_scoped3A : memref<!tpu.dma_semaphore, #tpu.memory_space<semaphore_mem>>) src(%dma_wait3A_37 : memref<624x128xf32, #tpu.memory_space<hbm>>) dst(%dma_wait3A_35 : memref<624x128xf32, #tpu.memory_space<vmem_shared>>)
        tpu.yield
      }) : () -> ()
    } else {
    }
    %eq3A = arith.constant 15 : i32
    %eq3A_5 = arith.cmpi eq, %arg1, %eq3A : i32
    %convert_element_type3A_6 = arith.extui %eq3A_5 : i1 to i32
    %cond3A_7 = arith.constant 0 : i32
    %cond3A_8 = arith.cmpi ne, %convert_element_type3A_6, %cond3A_7 : i32
    scf.if %cond3A_8 {
      "tpu.region"() ({
        %run_scoped3A = tpu.sem_alloc : memref<!tpu.dma_semaphore, #tpu.memory_space<semaphore_mem>>
        %dma_start3A_31 = arith.constant 0 : i32
        %dma_start3A_32 = tpu.memref_slice %arg9[%mul3A_2, %dma_start3A_31] : memref<10000x128xf32, #tpu.memory_space<vmem_shared>> -> memref<640x128xf32, #tpu.memory_space<vmem_shared>>
        %dma_start3A_33 = arith.constant 0 : i32
        %dma_start3A_34 = tpu.memref_slice %arg4[%mul3A_2, %dma_start3A_33] : memref<10000x128xf32, #tpu.memory_space<hbm>> -> memref<640x128xf32, #tpu.memory_space<hbm>>
        tpu.enqueue_dma source(%dma_start3A_34 : memref<640x128xf32, #tpu.memory_space<hbm>>) target(%dma_start3A_32 : memref<640x128xf32, #tpu.memory_space<vmem_shared>>) target_semaphore(%run_scoped3A : memref<!tpu.dma_semaphore, #tpu.memory_space<semaphore_mem>>)
        %dma_wait3A = arith.constant 0 : i32
        %dma_wait3A_35 = tpu.memref_slice %arg9[%mul3A_2, %dma_wait3A] : memref<10000x128xf32, #tpu.memory_space<vmem_shared>> -> memref<640x128xf32, #tpu.memory_space<vmem_shared>>
        %dma_wait3A_36 = arith.constant 0 : i32
        %dma_wait3A_37 = tpu.memref_slice %arg4[%mul3A_2, %dma_wait3A_36] : memref<10000x128xf32, #tpu.memory_space<hbm>> -> memref<640x128xf32, #tpu.memory_space<hbm>>
        tpu.wait_dma2 semaphore(%run_scoped3A : memref<!tpu.dma_semaphore, #tpu.memory_space<semaphore_mem>>) src(%dma_wait3A_37 : memref<640x128xf32, #tpu.memory_space<hbm>>) dst(%dma_wait3A_35 : memref<640x128xf32, #tpu.memory_space<vmem_shared>>)
        tpu.yield
      }) : () -> ()
    } else {
    }
    %barrier3A = arith.constant 0 : index
    tpu.barrier barrier_id(%barrier3A)
    %mul3A_9 = arith.constant 5000 : i32
    %mul3A_10 = arith.muli %add3A, %mul3A_9 : i32
    %add3A_11 = arith.constant 0 : i32
    %add3A_12 = arith.addi %mul3A_10, %add3A_11 : i32
    %dma_start3A = arith.constant 0 : i32
    %dma_start3A_13 = tpu.memref_slice %arg2[%add3A_12, %dma_start3A] : memref<160000x128xf32, #tpu.memory_space<hbm>> -> memref<40x128xf32, #tpu.memory_space<hbm>>
    %dma_start3A_14 = arith.constant 0 : i32
    %dma_start3A_15 = tpu.memref_slice %arg2[%add3A_12, %dma_start3A_14] : memref<160000x128xf32, #tpu.memory_space<hbm>> -> memref<40x128xf32, #tpu.memory_space<hbm>>
    tpu.enqueue_dma source(%dma_start3A_15 : memref<40x128xf32, #tpu.memory_space<hbm>>) target(%arg7 : memref<40x128xf32, #tpu.memory_space<vmem>>) target_semaphore(%arg10 : memref<!tpu.dma_semaphore, #tpu.memory_space<semaphore_mem>>)
    %scan3A = arith.constant 0 : i32
    %scan3A_16 = arith.constant 63 : i32
    %scan3A_17 = arith.addi %scan3A, %scan3A_16 : i32
    %scan3A_18 = arith.constant 1 : i32
    scf.for %scan3A_31 = %scan3A to %scan3A_17 step %scan3A_18  : i32 {
      %mul3A_32 = arith.constant 1 : i32
      %mul3A_33 = arith.muli %scan3A_31, %mul3A_32 : i32
      %add3A_34 = arith.constant 0 : i32
      %add3A_35 = arith.addi %add3A_34, %mul3A_33 : i32
      %mul3A_36 = arith.constant 2 : i32
      %mul3A_37 = arith.muli %add3A_35, %mul3A_36 : i32
      %add3A_38 = arith.constant 0 : i32
      %add3A_39 = arith.addi %mul3A_37, %add3A_38 : i32
      %add3A_40 = arith.constant 1 : i32
      %add3A_41 = arith.addi %add3A_39, %add3A_40 : i32
      %lt3A_42 = arith.constant 125 : i32
      %lt3A_43 = arith.cmpi slt, %add3A_41, %lt3A_42 : i32
      %convert_element_type3A_44 = arith.extui %lt3A_43 : i1 to i32
      %cond3A_45 = arith.constant 0 : i32
      %cond3A_46 = arith.cmpi ne, %convert_element_type3A_44, %cond3A_45 : i32
      scf.if %cond3A_46 {
        %add3A_57 = arith.constant 1 : i32
        %add3A_58 = arith.addi %add3A_39, %add3A_57 : i32
        %mul3A_59 = arith.constant 40 : i32
        %mul3A_60 = arith.muli %add3A_58, %mul3A_59 : i32
        %add3A_61 = arith.addi %mul3A_10, %mul3A_60 : i32
        %dma_start3A_62 = arith.constant 0 : i32
        %dma_start3A_63 = tpu.memref_slice %arg2[%add3A_61, %dma_start3A_62] : memref<160000x128xf32, #tpu.memory_space<hbm>> -> memref<40x128xf32, #tpu.memory_space<hbm>>
        %dma_start3A_64 = arith.constant 0 : i32
        %dma_start3A_65 = tpu.memref_slice %arg2[%add3A_61, %dma_start3A_64] : memref<160000x128xf32, #tpu.memory_space<hbm>> -> memref<40x128xf32, #tpu.memory_space<hbm>>
        tpu.enqueue_dma source(%dma_start3A_65 : memref<40x128xf32, #tpu.memory_space<hbm>>) target(%arg8 : memref<40x128xf32, #tpu.memory_space<vmem>>) target_semaphore(%arg11 : memref<!tpu.dma_semaphore, #tpu.memory_space<semaphore_mem>>)
      } else {
      }
      %dma_wait3A = arith.constant 0 : i32
      %dma_wait3A_47 = tpu.memref_slice %arg2[%mul3A_10, %dma_wait3A] : memref<160000x128xf32, #tpu.memory_space<hbm>> -> memref<40x128xf32, #tpu.memory_space<hbm>>
      %dma_wait3A_48 = arith.constant 0 : i32
      %dma_wait3A_49 = tpu.memref_slice %arg2[%mul3A_10, %dma_wait3A_48] : memref<160000x128xf32, #tpu.memory_space<hbm>> -> memref<40x128xf32, #tpu.memory_space<hbm>>
      tpu.wait_dma2 semaphore(%arg10 : memref<!tpu.dma_semaphore, #tpu.memory_space<semaphore_mem>>) src(%dma_wait3A_49 : memref<40x128xf32, #tpu.memory_space<hbm>>) dst(%arg7 : memref<40x128xf32, #tpu.memory_space<vmem>>)
      "tpu.region"() ({
        %run_scoped3A = tpu.sem_alloc : memref<!tpu.dma_semaphore, #tpu.memory_space<semaphore_mem>>
        %dma_start3A_57 = arith.constant 0 : i32
        %dma_start3A_58 = tpu.memref_slice %arg6[%add3A_39, %dma_start3A_57] : memref<125x40xi32, #tpu.memory_space<vmem>> -> memref<1x40xi32, #tpu.memory_space<vmem>>
        %dma_start3A_59 = tpu.memref_squeeze %dma_start3A_58 : memref<1x40xi32, #tpu.memory_space<vmem>> -> memref<40xi32, #tpu.memory_space<vmem>>
        %dma_start3A_60 = arith.constant 0 : i32
        %dma_start3A_61 = arith.constant 0 : i32
        %dma_start3A_62 = tpu.memref_slice %arg9[%dma_start3A_60, %dma_start3A_61] : memref<10000x128xf32, #tpu.memory_space<vmem_shared>> -> memref<10000x128xf32, #tpu.memory_space<vmem_shared>>
        tpu.enqueue_indirect_dma source(%arg7 : memref<40x128xf32, #tpu.memory_space<vmem>>) target(%dma_start3A_62 : memref<10000x128xf32, #tpu.memory_space<vmem_shared>>) offsets(%dma_start3A_59 : memref<40xi32, #tpu.memory_space<vmem>>) semaphore(%run_scoped3A : memref<!tpu.dma_semaphore, #tpu.memory_space<semaphore_mem>>) {add = true}
        %dma_wait3A_63 = arith.constant 0 : i32
        %dma_wait3A_64 = tpu.memref_slice %arg6[%add3A_39, %dma_wait3A_63] : memref<125x40xi32, #tpu.memory_space<vmem>> -> memref<1x40xi32, #tpu.memory_space<vmem>>
        %dma_wait3A_65 = tpu.memref_squeeze %dma_wait3A_64 : memref<1x40xi32, #tpu.memory_space<vmem>> -> memref<40xi32, #tpu.memory_space<vmem>>
        %dma_wait3A_66 = arith.constant 0 : i32
        %dma_wait3A_67 = arith.constant 0 : i32
        %dma_wait3A_68 = tpu.memref_slice %arg9[%dma_wait3A_66, %dma_wait3A_67] : memref<10000x128xf32, #tpu.memory_space<vmem_shared>> -> memref<10000x128xf32, #tpu.memory_space<vmem_shared>>
        tpu.wait_indirect_dma semaphore(%run_scoped3A : memref<!tpu.dma_semaphore, #tpu.memory_space<semaphore_mem>>) src(%arg7 : memref<40x128xf32, #tpu.memory_space<vmem>>) dst(%dma_wait3A_68 : memref<10000x128xf32, #tpu.memory_space<vmem_shared>>)
        tpu.yield
      }) : () -> ()
      %add3A_50 = arith.constant 1 : i32
      %add3A_51 = arith.addi %mul3A_37, %add3A_50 : i32
      %lt3A_52 = arith.constant 125 : i32
      %lt3A_53 = arith.cmpi slt, %add3A_51, %lt3A_52 : i32
      %convert_element_type3A_54 = arith.extui %lt3A_53 : i1 to i32
      %cond3A_55 = arith.constant 0 : i32
      %cond3A_56 = arith.cmpi ne, %convert_element_type3A_54, %cond3A_55 : i32
      scf.if %cond3A_56 {
        %add3A_57 = arith.constant 1 : i32
        %add3A_58 = arith.addi %add3A_51, %add3A_57 : i32
        %lt3A_59 = arith.constant 125 : i32
        %lt3A_60 = arith.cmpi slt, %add3A_58, %lt3A_59 : i32
        %convert_element_type3A_61 = arith.extui %lt3A_60 : i1 to i32
        %cond3A_62 = arith.constant 0 : i32
        %cond3A_63 = arith.cmpi ne, %convert_element_type3A_61, %cond3A_62 : i32
        scf.if %cond3A_63 {
          %add3A_68 = arith.constant 1 : i32
          %add3A_69 = arith.addi %add3A_51, %add3A_68 : i32
          %mul3A_70 = arith.constant 40 : i32
          %mul3A_71 = arith.muli %add3A_69, %mul3A_70 : i32
          %add3A_72 = arith.addi %mul3A_10, %mul3A_71 : i32
          %dma_start3A_73 = arith.constant 0 : i32
          %dma_start3A_74 = tpu.memref_slice %arg2[%add3A_72, %dma_start3A_73] : memref<160000x128xf32, #tpu.memory_space<hbm>> -> memref<40x128xf32, #tpu.memory_space<hbm>>
          %dma_start3A_75 = arith.constant 0 : i32
          %dma_start3A_76 = tpu.memref_slice %arg2[%add3A_72, %dma_start3A_75] : memref<160000x128xf32, #tpu.memory_space<hbm>> -> memref<40x128xf32, #tpu.memory_space<hbm>>
          tpu.enqueue_dma source(%dma_start3A_76 : memref<40x128xf32, #tpu.memory_space<hbm>>) target(%arg7 : memref<40x128xf32, #tpu.memory_space<vmem>>) target_semaphore(%arg10 : memref<!tpu.dma_semaphore, #tpu.memory_space<semaphore_mem>>)
        } else {
        }
        %dma_wait3A_64 = arith.constant 0 : i32
        %dma_wait3A_65 = tpu.memref_slice %arg2[%mul3A_10, %dma_wait3A_64] : memref<160000x128xf32, #tpu.memory_space<hbm>> -> memref<40x128xf32, #tpu.memory_space<hbm>>
        %dma_wait3A_66 = arith.constant 0 : i32
        %dma_wait3A_67 = tpu.memref_slice %arg2[%mul3A_10, %dma_wait3A_66] : memref<160000x128xf32, #tpu.memory_space<hbm>> -> memref<40x128xf32, #tpu.memory_space<hbm>>
        tpu.wait_dma2 semaphore(%arg11 : memref<!tpu.dma_semaphore, #tpu.memory_space<semaphore_mem>>) src(%dma_wait3A_67 : memref<40x128xf32, #tpu.memory_space<hbm>>) dst(%arg8 : memref<40x128xf32, #tpu.memory_space<vmem>>)
        "tpu.region"() ({
          %run_scoped3A = tpu.sem_alloc : memref<!tpu.dma_semaphore, #tpu.memory_space<semaphore_mem>>
          %dma_start3A_68 = arith.constant 0 : i32
          %dma_start3A_69 = tpu.memref_slice %arg6[%add3A_51, %dma_start3A_68] : memref<125x40xi32, #tpu.memory_space<vmem>> -> memref<1x40xi32, #tpu.memory_space<vmem>>
          %dma_start3A_70 = tpu.memref_squeeze %dma_start3A_69 : memref<1x40xi32, #tpu.memory_space<vmem>> -> memref<40xi32, #tpu.memory_space<vmem>>
          %dma_start3A_71 = arith.constant 0 : i32
          %dma_start3A_72 = arith.constant 0 : i32
          %dma_start3A_73 = tpu.memref_slice %arg9[%dma_start3A_71, %dma_start3A_72] : memref<10000x128xf32, #tpu.memory_space<vmem_shared>> -> memref<10000x128xf32, #tpu.memory_space<vmem_shared>>
          tpu.enqueue_indirect_dma source(%arg8 : memref<40x128xf32, #tpu.memory_space<vmem>>) target(%dma_start3A_73 : memref<10000x128xf32, #tpu.memory_space<vmem_shared>>) offsets(%dma_start3A_70 : memref<40xi32, #tpu.memory_space<vmem>>) semaphore(%run_scoped3A : memref<!tpu.dma_semaphore, #tpu.memory_space<semaphore_mem>>) {add = true}
          %dma_wait3A_74 = arith.constant 0 : i32
          %dma_wait3A_75 = tpu.memref_slice %arg6[%add3A_51, %dma_wait3A_74] : memref<125x40xi32, #tpu.memory_space<vmem>> -> memref<1x40xi32, #tpu.memory_space<vmem>>
          %dma_wait3A_76 = tpu.memref_squeeze %dma_wait3A_75 : memref<1x40xi32, #tpu.memory_space<vmem>> -> memref<40xi32, #tpu.memory_space<vmem>>
          %dma_wait3A_77 = arith.constant 0 : i32
          %dma_wait3A_78 = arith.constant 0 : i32
          %dma_wait3A_79 = tpu.memref_slice %arg9[%dma_wait3A_77, %dma_wait3A_78] : memref<10000x128xf32, #tpu.memory_space<vmem_shared>> -> memref<10000x128xf32, #tpu.memory_space<vmem_shared>>
          tpu.wait_indirect_dma semaphore(%run_scoped3A : memref<!tpu.dma_semaphore, #tpu.memory_space<semaphore_mem>>) src(%arg8 : memref<40x128xf32, #tpu.memory_space<vmem>>) dst(%dma_wait3A_79 : memref<10000x128xf32, #tpu.memory_space<vmem_shared>>)
          tpu.yield
        }) : () -> ()
      } else {
      }
    }
    %scan3A_19 = arith.constant 63 : i32
    %barrier3A_20 = arith.constant 0 : index
    tpu.barrier barrier_id(%barrier3A_20)
    %lt3A_21 = arith.constant 15 : i32
    %lt3A_22 = arith.cmpi slt, %arg1, %lt3A_21 : i32
    %convert_element_type3A_23 = arith.extui %lt3A_22 : i1 to i32
    %cond3A_24 = arith.constant 0 : i32
    %cond3A_25 = arith.cmpi ne, %convert_element_type3A_23, %cond3A_24 : i32
    scf.if %cond3A_25 {
      "tpu.region"() ({
        %run_scoped3A = tpu.sem_alloc : memref<!tpu.dma_semaphore, #tpu.memory_space<semaphore_mem>>
        %dma_start3A_31 = arith.constant 0 : i32
        %dma_start3A_32 = tpu.memref_slice %arg5[%arg0, %mul3A_2, %dma_start3A_31] : memref<2x10000x128xf32, #tpu.memory_space<hbm>> -> memref<1x624x128xf32, #tpu.memory_space<hbm>>
        %dma_start3A_33 = tpu.memref_squeeze %dma_start3A_32 : memref<1x624x128xf32, #tpu.memory_space<hbm>> -> memref<624x128xf32, #tpu.memory_space<hbm>>
        %dma_start3A_34 = arith.constant 0 : i32
        %dma_start3A_35 = tpu.memref_slice %arg9[%mul3A_2, %dma_start3A_34] : memref<10000x128xf32, #tpu.memory_space<vmem_shared>> -> memref<624x128xf32, #tpu.memory_space<vmem_shared>>
        tpu.enqueue_dma source(%dma_start3A_35 : memref<624x128xf32, #tpu.memory_space<vmem_shared>>) target(%dma_start3A_33 : memref<624x128xf32, #tpu.memory_space<hbm>>) target_semaphore(%run_scoped3A : memref<!tpu.dma_semaphore, #tpu.memory_space<semaphore_mem>>)
        %dma_wait3A = arith.constant 0 : i32
        %dma_wait3A_36 = tpu.memref_slice %arg5[%arg0, %mul3A_2, %dma_wait3A] : memref<2x10000x128xf32, #tpu.memory_space<hbm>> -> memref<1x624x128xf32, #tpu.memory_space<hbm>>
        %dma_wait3A_37 = tpu.memref_squeeze %dma_wait3A_36 : memref<1x624x128xf32, #tpu.memory_space<hbm>> -> memref<624x128xf32, #tpu.memory_space<hbm>>
        %dma_wait3A_38 = arith.constant 0 : i32
        %dma_wait3A_39 = tpu.memref_slice %arg9[%mul3A_2, %dma_wait3A_38] : memref<10000x128xf32, #tpu.memory_space<vmem_shared>> -> memref<624x128xf32, #tpu.memory_space<vmem_shared>>
        tpu.wait_dma2 semaphore(%run_scoped3A : memref<!tpu.dma_semaphore, #tpu.memory_space<semaphore_mem>>) src(%dma_wait3A_39 : memref<624x128xf32, #tpu.memory_space<vmem_shared>>) dst(%dma_wait3A_37 : memref<624x128xf32, #tpu.memory_space<hbm>>)
        tpu.yield
      }) : () -> ()
    } else {
    }
    %eq3A_26 = arith.constant 15 : i32
    %eq3A_27 = arith.cmpi eq, %arg1, %eq3A_26 : i32
    %convert_element_type3A_28 = arith.extui %eq3A_27 : i1 to i32
    %cond3A_29 = arith.constant 0 : i32
    %cond3A_30 = arith.cmpi ne, %convert_element_type3A_28, %cond3A_29 : i32
    scf.if %cond3A_30 {
      "tpu.region"() ({
        %run_scoped3A = tpu.sem_alloc : memref<!tpu.dma_semaphore, #tpu.memory_space<semaphore_mem>>
        %dma_start3A_31 = arith.constant 0 : i32
        %dma_start3A_32 = tpu.memref_slice %arg5[%arg0, %mul3A_2, %dma_start3A_31] : memref<2x10000x128xf32, #tpu.memory_space<hbm>> -> memref<1x640x128xf32, #tpu.memory_space<hbm>>
        %dma_start3A_33 = tpu.memref_squeeze %dma_start3A_32 : memref<1x640x128xf32, #tpu.memory_space<hbm>> -> memref<640x128xf32, #tpu.memory_space<hbm>>
        %dma_start3A_34 = arith.constant 0 : i32
        %dma_start3A_35 = tpu.memref_slice %arg9[%mul3A_2, %dma_start3A_34] : memref<10000x128xf32, #tpu.memory_space<vmem_shared>> -> memref<640x128xf32, #tpu.memory_space<vmem_shared>>
        tpu.enqueue_dma source(%dma_start3A_35 : memref<640x128xf32, #tpu.memory_space<vmem_shared>>) target(%dma_start3A_33 : memref<640x128xf32, #tpu.memory_space<hbm>>) target_semaphore(%run_scoped3A : memref<!tpu.dma_semaphore, #tpu.memory_space<semaphore_mem>>)
        %dma_wait3A = arith.constant 0 : i32
        %dma_wait3A_36 = tpu.memref_slice %arg5[%arg0, %mul3A_2, %dma_wait3A] : memref<2x10000x128xf32, #tpu.memory_space<hbm>> -> memref<1x640x128xf32, #tpu.memory_space<hbm>>
        %dma_wait3A_37 = tpu.memref_squeeze %dma_wait3A_36 : memref<1x640x128xf32, #tpu.memory_space<hbm>> -> memref<640x128xf32, #tpu.memory_space<hbm>>
        %dma_wait3A_38 = arith.constant 0 : i32
        %dma_wait3A_39 = tpu.memref_slice %arg9[%mul3A_2, %dma_wait3A_38] : memref<10000x128xf32, #tpu.memory_space<vmem_shared>> -> memref<640x128xf32, #tpu.memory_space<vmem_shared>>
        tpu.wait_dma2 semaphore(%run_scoped3A : memref<!tpu.dma_semaphore, #tpu.memory_space<semaphore_mem>>) src(%dma_wait3A_39 : memref<640x128xf32, #tpu.memory_space<vmem_shared>>) dst(%dma_wait3A_37 : memref<640x128xf32, #tpu.memory_space<hbm>>)
        tpu.yield
      }) : () -> ()
    } else {
    }
    return
  }
}

module attributes {stable_mosaic.version = 14 : i64} {
  func.func @_precompute_body(%arg0: memref<10000x128xf32, #tpu.memory_space<vmem>>, %arg1: memref<128x256xf32, #tpu.memory_space<vmem>>, %arg2: memref<128x256xf32, #tpu.memory_space<vmem>>, %arg3: memref<10000x128xi32, #tpu.memory_space<vmem>>, %arg4: memref<10000x128xi32, #tpu.memory_space<vmem>>) attributes {dimension_semantics = [], scalar_prefetch = 0 : i64, scratch_operands = 0 : i64, tpu.core_type = #tpu.core_type<tc>} {
    %get3A = arith.constant 0 : index
    %get3A_0 = arith.constant 0 : index
    %get3A_1 = vector.load %arg0[%get3A, %get3A_0] : memref<10000x128xf32, #tpu.memory_space<vmem>>, vector<10000x128xf32>
    %get3A_2 = arith.constant 0 : index
    %get3A_3 = arith.constant 0 : index
    %get3A_4 = vector.load %arg1[%get3A_2, %get3A_3] : memref<128x256xf32, #tpu.memory_space<vmem>>, vector<128x256xf32>
    %dot_general3A = arith.constant dense<0.000000e+00> : vector<10000x256xf32>
    %dot_general3A_5 = tpu.matmul %get3A_1, %get3A_4, %dot_general3A {dimension_numbers = #tpu.dot_dimension_numbers<[1], [0], [0], [1], [0, 0, 1, 1], [], []>, transpose_lhs_hint = false} : vector<10000x128xf32>, vector<128x256xf32>, vector<10000x256xf32> -> vector<10000x256xf32>
    %slice3A = vector.extract_strided_slice %dot_general3A_5 {offsets = [0, 0], sizes = [10000, 128], strides = [1, 1]} : vector<10000x256xf32> to vector<10000x128xf32>
    %convert_element_type3A = arith.truncf %slice3A : vector<10000x128xf32> to vector<10000x128xbf16>
    %bitcast_convert_type3A = tpu.bitcast %convert_element_type3A : vector<10000x128xbf16> -> vector<10000x128xi16>
    %slice3A_6 = vector.extract_strided_slice %dot_general3A_5 {offsets = [0, 128], sizes = [10000, 128], strides = [1, 1]} : vector<10000x256xf32> to vector<10000x128xf32>
    %convert_element_type3A_7 = arith.truncf %slice3A_6 : vector<10000x128xf32> to vector<10000x128xbf16>
    %bitcast_convert_type3A_8 = tpu.bitcast %convert_element_type3A_7 : vector<10000x128xbf16> -> vector<10000x128xi16>
    %convert_element_type3A_9 = arith.extui %bitcast_convert_type3A : vector<10000x128xi16> to vector<10000x128xi32>
    %convert_element_type3A_10 = arith.extui %bitcast_convert_type3A_8 : vector<10000x128xi16> to vector<10000x128xi32>
    %shift_left3A = arith.constant 16 : i32
    %shift_left3A_11 = vector.broadcast %shift_left3A : i32 to vector<10000x128xi32>
    %shift_left3A_12 = arith.shli %convert_element_type3A_10, %shift_left3A_11 : vector<10000x128xi32>
    %or3A = arith.ori %convert_element_type3A_9, %shift_left3A_12 : vector<10000x128xi32>
    %bitcast_convert_type3A_13 = tpu.bitcast %or3A : vector<10000x128xi32> -> vector<10000x128xi32>
    %swap3A = arith.constant 0 : index
    %swap3A_14 = arith.constant 0 : index
    %swap3A_15 = vector.load %arg3[%swap3A, %swap3A_14] : memref<10000x128xi32, #tpu.memory_space<vmem>>, vector<10000x128xi32>
    tpu.vector_store %arg3[%swap3A, %swap3A_14], %bitcast_convert_type3A_13 {strides = array<i32>} : memref<10000x128xi32, #tpu.memory_space<vmem>>, vector<10000x128xi32>,
    %get3A_16 = arith.constant 0 : index
    %get3A_17 = arith.constant 0 : index
    %get3A_18 = vector.load %arg2[%get3A_16, %get3A_17] : memref<128x256xf32, #tpu.memory_space<vmem>>, vector<128x256xf32>
    %dot_general3A_19 = arith.constant dense<0.000000e+00> : vector<10000x256xf32>
    %dot_general3A_20 = tpu.matmul %get3A_1, %get3A_18, %dot_general3A_19 {dimension_numbers = #tpu.dot_dimension_numbers<[1], [0], [0], [1], [0, 0, 1, 1], [], []>, transpose_lhs_hint = false} : vector<10000x128xf32>, vector<128x256xf32>, vector<10000x256xf32> -> vector<10000x256xf32>
    %slice3A_21 = vector.extract_strided_slice %dot_general3A_20 {offsets = [0, 0], sizes = [10000, 128], strides = [1, 1]} : vector<10000x256xf32> to vector<10000x128xf32>
    %convert_element_type3A_22 = arith.truncf %slice3A_21 : vector<10000x128xf32> to vector<10000x128xbf16>
    %bitcast_convert_type3A_23 = tpu.bitcast %convert_element_type3A_22 : vector<10000x128xbf16> -> vector<10000x128xi16>
    %slice3A_24 = vector.extract_strided_slice %dot_general3A_20 {offsets = [0, 128], sizes = [10000, 128], strides = [1, 1]} : vector<10000x256xf32> to vector<10000x128xf32>
    %convert_element_type3A_25 = arith.truncf %slice3A_24 : vector<10000x128xf32> to vector<10000x128xbf16>
    %bitcast_convert_type3A_26 = tpu.bitcast %convert_element_type3A_25 : vector<10000x128xbf16> -> vector<10000x128xi16>
    %convert_element_type3A_27 = arith.extui %bitcast_convert_type3A_23 : vector<10000x128xi16> to vector<10000x128xi32>
    %convert_element_type3A_28 = arith.extui %bitcast_convert_type3A_26 : vector<10000x128xi16> to vector<10000x128xi32>
    %shift_left3A_29 = arith.constant 16 : i32
    %shift_left3A_30 = vector.broadcast %shift_left3A_29 : i32 to vector<10000x128xi32>
    %shift_left3A_31 = arith.shli %convert_element_type3A_28, %shift_left3A_30 : vector<10000x128xi32>
    %or3A_32 = arith.ori %convert_element_type3A_27, %shift_left3A_31 : vector<10000x128xi32>
    %bitcast_convert_type3A_33 = tpu.bitcast %or3A_32 : vector<10000x128xi32> -> vector<10000x128xi32>
    %swap3A_34 = arith.constant 0 : index
    %swap3A_35 = arith.constant 0 : index
    %swap3A_36 = vector.load %arg4[%swap3A_34, %swap3A_35] : memref<10000x128xi32, #tpu.memory_space<vmem>>, vector<10000x128xi32>
    tpu.vector_store %arg4[%swap3A_34, %swap3A_35], %bitcast_convert_type3A_33 {strides = array<i32>} : memref<10000x128xi32, #tpu.memory_space<vmem>>, vector<10000x128xi32>,
    return
  }
}

module attributes {stable_mosaic.version = 14 : i64} {
  func.func @_stats_body(%arg0: i32, %arg1: memref<6400x128xi32, #tpu.memory_space<vmem>>, %arg2: memref<6400x128xi32, #tpu.memory_space<vmem>>, %arg3: memref<800x128xbf16, #tpu.memory_space<vmem>>, %arg4: memref<128x2048xbf16, #tpu.memory_space<vmem>>, %arg5: memref<8x256xf32, #tpu.memory_space<vmem>>) attributes {dimension_semantics = [#tpu.dimension_semantics<arbitrary>], iteration_bounds = array<i64: 25>, scalar_prefetch = 0 : i64, scratch_operands = 0 : i64, tpu.core_type = #tpu.core_type<tc>, window_params = [{transform_indices = @transform_0, window_bounds = array<i64: 6400, 128>}, {transform_indices = @transform_1, window_bounds = array<i64: 6400, 128>}, {transform_indices = @transform_2, window_bounds = array<i64: 800, 128>}, {pipeline_mode = #tpu.pipeline_mode<synchronous>, transform_indices = @transform_3, window_bounds = array<i64: 128, 2048>}, {pipeline_mode = #tpu.pipeline_mode<synchronous>, transform_indices = @transform_4, window_bounds = array<i64: 8, 256>}]} {
    %get3A = arith.constant 0 : index
    %get3A_0 = arith.constant 0 : index
    %get3A_1 = vector.load %arg1[%get3A, %get3A_0] : memref<6400x128xi32, #tpu.memory_space<vmem>>, vector<6400x128xi32>
    %shift_left3A = arith.constant 16 : i32
    %shift_left3A_2 = vector.broadcast %shift_left3A : i32 to vector<6400x128xi32>
    %shift_left3A_3 = arith.shli %get3A_1, %shift_left3A_2 : vector<6400x128xi32>
    %bitcast_convert_type3A = tpu.bitcast %shift_left3A_3 : vector<6400x128xi32> -> vector<6400x128xf32>
    %and3A = arith.constant -65536 : i32
    %and3A_4 = vector.broadcast %and3A : i32 to vector<6400x128xi32>
    %and3A_5 = arith.andi %get3A_1, %and3A_4 : vector<6400x128xi32>
    %bitcast_convert_type3A_6 = tpu.bitcast %and3A_5 : vector<6400x128xi32> -> vector<6400x128xf32>
    %get3A_7 = arith.constant 0 : index
    %get3A_8 = arith.constant 0 : index
    %get3A_9 = vector.load %arg2[%get3A_7, %get3A_8] : memref<6400x128xi32, #tpu.memory_space<vmem>>, vector<6400x128xi32>
    %shift_left3A_10 = arith.constant 16 : i32
    %shift_left3A_11 = vector.broadcast %shift_left3A_10 : i32 to vector<6400x128xi32>
    %shift_left3A_12 = arith.shli %get3A_9, %shift_left3A_11 : vector<6400x128xi32>
    %bitcast_convert_type3A_13 = tpu.bitcast %shift_left3A_12 : vector<6400x128xi32> -> vector<6400x128xf32>
    %and3A_14 = arith.constant -65536 : i32
    %and3A_15 = vector.broadcast %and3A_14 : i32 to vector<6400x128xi32>
    %and3A_16 = arith.andi %get3A_9, %and3A_15 : vector<6400x128xi32>
    %bitcast_convert_type3A_17 = tpu.bitcast %and3A_16 : vector<6400x128xi32> -> vector<6400x128xf32>
    %get3A_18 = arith.constant 0 : index
    %get3A_19 = arith.constant 0 : index
    %get3A_20 = vector.load %arg3[%get3A_18, %get3A_19] : memref<800x128xbf16, #tpu.memory_space<vmem>>, vector<800x128xbf16>
    %get3A_21 = arith.constant 0 : index
    %get3A_22 = arith.constant 0 : index
    %get3A_23 = vector.load %arg4[%get3A_21, %get3A_22] : memref<128x2048xbf16, #tpu.memory_space<vmem>>, vector<128x2048xbf16>
    %dot_general3A = arith.constant dense<0.000000e+00> : vector<800x2048xf32>
    %dot_general3A_24 = tpu.matmul %get3A_20, %get3A_23, %dot_general3A {dimension_numbers = #tpu.dot_dimension_numbers<[1], [0], [0], [1], [0, 0, 1, 1], [], []>, transpose_lhs_hint = false} : vector<800x128xbf16>, vector<128x2048xbf16>, vector<800x2048xf32> -> vector<800x2048xf32>
    %reshape3A = vector.shape_cast %dot_general3A_24 : vector<800x2048xf32> to vector<6400x256xf32>
    %add3A = arith.addf %bitcast_convert_type3A, %bitcast_convert_type3A_13 : vector<6400x128xf32>
    %slice3A = vector.extract_strided_slice %reshape3A {offsets = [0, 0], sizes = [6400, 128], strides = [1, 1]} : vector<6400x256xf32> to vector<6400x128xf32>
    %add3A_25 = arith.addf %add3A, %slice3A : vector<6400x128xf32>
    %add3A_26 = arith.addf %bitcast_convert_type3A_6, %bitcast_convert_type3A_17 : vector<6400x128xf32>
    %slice3A_27 = vector.extract_strided_slice %reshape3A {offsets = [0, 128], sizes = [6400, 128], strides = [1, 1]} : vector<6400x256xf32> to vector<6400x128xf32>
    %add3A_28 = arith.addf %add3A_26, %slice3A_27 : vector<6400x128xf32>
    %eq3A = arith.constant 0 : i32
    %eq3A_29 = arith.cmpi eq, %arg0, %eq3A : i32
    %convert_element_type3A = arith.extui %eq3A_29 : i1 to i32
    %cond3A = arith.constant 0 : i32
    %cond3A_30 = arith.cmpi ne, %convert_element_type3A, %cond3A : i32
    scf.if %cond3A_30 {
      %broadcast_in_dim3A_52 = arith.constant 0.000000e+00 : f32
      %broadcast_in_dim3A_53 = vector.broadcast %broadcast_in_dim3A_52 : f32 to vector<8x256xf32>
      %swap3A_54 = arith.constant 0 : index
      %swap3A_55 = arith.constant 0 : index
      %swap3A_56 = vector.load %arg5[%swap3A_54, %swap3A_55] : memref<8x256xf32, #tpu.memory_space<vmem>>, vector<8x256xf32>
      tpu.vector_store %arg5[%swap3A_54, %swap3A_55], %broadcast_in_dim3A_53 {strides = array<i32>} : memref<8x256xf32, #tpu.memory_space<vmem>>, vector<8x256xf32>,
    } else {
    }
    %reduce_sum3A = arith.constant dense<0.000000e+00> : vector<128xf32>
    %reduce_sum3A_31 = vector.multi_reduction <add>, %add3A_25, %reduce_sum3A [0] : vector<6400x128xf32> to vector<128xf32>
    %broadcast_in_dim3A = vector.shape_cast %reduce_sum3A_31 : vector<128xf32> to vector<1x128xf32>
    %reduce_sum3A_32 = arith.constant dense<0.000000e+00> : vector<128xf32>
    %reduce_sum3A_33 = vector.multi_reduction <add>, %add3A_28, %reduce_sum3A_32 [0] : vector<6400x128xf32> to vector<128xf32>
    %broadcast_in_dim3A_34 = vector.shape_cast %reduce_sum3A_33 : vector<128xf32> to vector<1x128xf32>
    %concatenate3A = tpu.concatenate %broadcast_in_dim3A, %broadcast_in_dim3A_34 in 1 : vector<1x128xf32>, vector<1x128xf32> -> vector<1x256xf32>
    %mul3A = arith.mulf %add3A_25, %add3A_25 : vector<6400x128xf32>
    %reduce_sum3A_35 = arith.constant dense<0.000000e+00> : vector<128xf32>
    %reduce_sum3A_36 = vector.multi_reduction <add>, %mul3A, %reduce_sum3A_35 [0] : vector<6400x128xf32> to vector<128xf32>
    %broadcast_in_dim3A_37 = vector.shape_cast %reduce_sum3A_36 : vector<128xf32> to vector<1x128xf32>
    %mul3A_38 = arith.mulf %add3A_28, %add3A_28 : vector<6400x128xf32>
    %reduce_sum3A_39 = arith.constant dense<0.000000e+00> : vector<128xf32>
    %reduce_sum3A_40 = vector.multi_reduction <add>, %mul3A_38, %reduce_sum3A_39 [0] : vector<6400x128xf32> to vector<128xf32>
    %broadcast_in_dim3A_41 = vector.shape_cast %reduce_sum3A_40 : vector<128xf32> to vector<1x128xf32>
    %concatenate3A_42 = tpu.concatenate %broadcast_in_dim3A_37, %broadcast_in_dim3A_41 in 1 : vector<1x128xf32>, vector<1x128xf32> -> vector<1x256xf32>
    %get3A_43 = arith.constant 0 : index
    %get3A_44 = arith.constant 0 : index
    %get3A_45 = vector.load %arg5[%get3A_43, %get3A_44] : memref<8x256xf32, #tpu.memory_space<vmem>>, vector<8x256xf32>
    %broadcast_in_dim3A_46 = arith.constant 0.000000e+00 : f32
    %broadcast_in_dim3A_47 = vector.broadcast %broadcast_in_dim3A_46 : f32 to vector<6x256xf32>
    %concatenate3A_48 = tpu.concatenate %concatenate3A, %concatenate3A_42, %broadcast_in_dim3A_47 in 0 : vector<1x256xf32>, vector<1x256xf32>, vector<6x256xf32> -> vector<8x256xf32>
    %add3A_49 = arith.addf %get3A_45, %concatenate3A_48 : vector<8x256xf32>
    %swap3A = arith.constant 0 : index
    %swap3A_50 = arith.constant 0 : index
    %swap3A_51 = vector.load %arg5[%swap3A, %swap3A_50] : memref<8x256xf32, #tpu.memory_space<vmem>>, vector<8x256xf32>
    tpu.vector_store %arg5[%swap3A, %swap3A_50], %add3A_49 {strides = array<i32>} : memref<8x256xf32, #tpu.memory_space<vmem>>, vector<8x256xf32>,
    return
  }
  func.func @transform_0(%arg0: i32) -> (i32, i32) {
    %c0_i32 = arith.constant 0 : i32
    %c0_i32_0 = arith.constant 0 : i32
    return %arg0, %c0_i32 : i32, i32
  }
  func.func @transform_1(%arg0: i32) -> (i32, i32) {
    %c0_i32 = arith.constant 0 : i32
    %c0_i32_0 = arith.constant 0 : i32
    return %arg0, %c0_i32 : i32, i32
  }
  func.func @transform_2(%arg0: i32) -> (i32, i32) {
    %add3A = arith.constant 25 : i32
    %add3A_0 = arith.addi %arg0, %add3A : i32
    %c0_i32 = arith.constant 0 : i32
    %c0_i32_1 = arith.constant 0 : i32
    return %add3A_0, %c0_i32 : i32, i32
  }
  func.func @transform_3(%arg0: i32) -> (i32, i32) {
    %c0_i32 = arith.constant 0 : i32
    %c0_i32_0 = arith.constant 0 : i32
    %c0_i32_1 = arith.constant 0 : i32
    return %c0_i32, %c0_i32_0 : i32, i32
  }
  func.func @transform_4(%arg0: i32) -> (i32, i32) {
    %c0_i32 = arith.constant 0 : i32
    %c0_i32_0 = arith.constant 0 : i32
    %c0_i32_1 = arith.constant 0 : i32
    return %c0_i32, %c0_i32_0 : i32, i32
  }
}

module attributes {stable_mosaic.version = 14 : i64} {
  func.func @_stats_body(%arg0: i32, %arg1: memref<6400x128xi32, #tpu.memory_space<vmem>>, %arg2: memref<6400x128xi32, #tpu.memory_space<vmem>>, %arg3: memref<800x128xbf16, #tpu.memory_space<vmem>>, %arg4: memref<128x2048xbf16, #tpu.memory_space<vmem>>, %arg5: memref<8x256xf32, #tpu.memory_space<vmem>>) attributes {dimension_semantics = [#tpu.dimension_semantics<arbitrary>], iteration_bounds = array<i64: 25>, scalar_prefetch = 0 : i64, scratch_operands = 0 : i64, tpu.core_type = #tpu.core_type<tc>, window_params = [{transform_indices = @transform_0, window_bounds = array<i64: 6400, 128>}, {transform_indices = @transform_1, window_bounds = array<i64: 6400, 128>}, {transform_indices = @transform_2, window_bounds = array<i64: 800, 128>}, {pipeline_mode = #tpu.pipeline_mode<synchronous>, transform_indices = @transform_3, window_bounds = array<i64: 128, 2048>}, {pipeline_mode = #tpu.pipeline_mode<synchronous>, transform_indices = @transform_4, window_bounds = array<i64: 8, 256>}]} {
    %get3A = arith.constant 0 : index
    %get3A_0 = arith.constant 0 : index
    %get3A_1 = vector.load %arg1[%get3A, %get3A_0] : memref<6400x128xi32, #tpu.memory_space<vmem>>, vector<6400x128xi32>
    %shift_left3A = arith.constant 16 : i32
    %shift_left3A_2 = vector.broadcast %shift_left3A : i32 to vector<6400x128xi32>
    %shift_left3A_3 = arith.shli %get3A_1, %shift_left3A_2 : vector<6400x128xi32>
    %bitcast_convert_type3A = tpu.bitcast %shift_left3A_3 : vector<6400x128xi32> -> vector<6400x128xf32>
    %and3A = arith.constant -65536 : i32
    %and3A_4 = vector.broadcast %and3A : i32 to vector<6400x128xi32>
    %and3A_5 = arith.andi %get3A_1, %and3A_4 : vector<6400x128xi32>
    %bitcast_convert_type3A_6 = tpu.bitcast %and3A_5 : vector<6400x128xi32> -> vector<6400x128xf32>
    %get3A_7 = arith.constant 0 : index
    %get3A_8 = arith.constant 0 : index
    %get3A_9 = vector.load %arg2[%get3A_7, %get3A_8] : memref<6400x128xi32, #tpu.memory_space<vmem>>, vector<6400x128xi32>
    %shift_left3A_10 = arith.constant 16 : i32
    %shift_left3A_11 = vector.broadcast %shift_left3A_10 : i32 to vector<6400x128xi32>
    %shift_left3A_12 = arith.shli %get3A_9, %shift_left3A_11 : vector<6400x128xi32>
    %bitcast_convert_type3A_13 = tpu.bitcast %shift_left3A_12 : vector<6400x128xi32> -> vector<6400x128xf32>
    %and3A_14 = arith.constant -65536 : i32
    %and3A_15 = vector.broadcast %and3A_14 : i32 to vector<6400x128xi32>
    %and3A_16 = arith.andi %get3A_9, %and3A_15 : vector<6400x128xi32>
    %bitcast_convert_type3A_17 = tpu.bitcast %and3A_16 : vector<6400x128xi32> -> vector<6400x128xf32>
    %get3A_18 = arith.constant 0 : index
    %get3A_19 = arith.constant 0 : index
    %get3A_20 = vector.load %arg3[%get3A_18, %get3A_19] : memref<800x128xbf16, #tpu.memory_space<vmem>>, vector<800x128xbf16>
    %get3A_21 = arith.constant 0 : index
    %get3A_22 = arith.constant 0 : index
    %get3A_23 = vector.load %arg4[%get3A_21, %get3A_22] : memref<128x2048xbf16, #tpu.memory_space<vmem>>, vector<128x2048xbf16>
    %dot_general3A = arith.constant dense<0.000000e+00> : vector<800x2048xf32>
    %dot_general3A_24 = tpu.matmul %get3A_20, %get3A_23, %dot_general3A {dimension_numbers = #tpu.dot_dimension_numbers<[1], [0], [0], [1], [0, 0, 1, 1], [], []>, transpose_lhs_hint = false} : vector<800x128xbf16>, vector<128x2048xbf16>, vector<800x2048xf32> -> vector<800x2048xf32>
    %reshape3A = vector.shape_cast %dot_general3A_24 : vector<800x2048xf32> to vector<6400x256xf32>
    %add3A = arith.addf %bitcast_convert_type3A, %bitcast_convert_type3A_13 : vector<6400x128xf32>
    %slice3A = vector.extract_strided_slice %reshape3A {offsets = [0, 0], sizes = [6400, 128], strides = [1, 1]} : vector<6400x256xf32> to vector<6400x128xf32>
    %add3A_25 = arith.addf %add3A, %slice3A : vector<6400x128xf32>
    %add3A_26 = arith.addf %bitcast_convert_type3A_6, %bitcast_convert_type3A_17 : vector<6400x128xf32>
    %slice3A_27 = vector.extract_strided_slice %reshape3A {offsets = [0, 128], sizes = [6400, 128], strides = [1, 1]} : vector<6400x256xf32> to vector<6400x128xf32>
    %add3A_28 = arith.addf %add3A_26, %slice3A_27 : vector<6400x128xf32>
    %eq3A = arith.constant 0 : i32
    %eq3A_29 = arith.cmpi eq, %arg0, %eq3A : i32
    %convert_element_type3A = arith.extui %eq3A_29 : i1 to i32
    %cond3A = arith.constant 0 : i32
    %cond3A_30 = arith.cmpi ne, %convert_element_type3A, %cond3A : i32
    scf.if %cond3A_30 {
      %broadcast_in_dim3A_52 = arith.constant 0.000000e+00 : f32
      %broadcast_in_dim3A_53 = vector.broadcast %broadcast_in_dim3A_52 : f32 to vector<8x256xf32>
      %swap3A_54 = arith.constant 0 : index
      %swap3A_55 = arith.constant 0 : index
      %swap3A_56 = vector.load %arg5[%swap3A_54, %swap3A_55] : memref<8x256xf32, #tpu.memory_space<vmem>>, vector<8x256xf32>
      tpu.vector_store %arg5[%swap3A_54, %swap3A_55], %broadcast_in_dim3A_53 {strides = array<i32>} : memref<8x256xf32, #tpu.memory_space<vmem>>, vector<8x256xf32>,
    } else {
    }
    %reduce_sum3A = arith.constant dense<0.000000e+00> : vector<128xf32>
    %reduce_sum3A_31 = vector.multi_reduction <add>, %add3A_25, %reduce_sum3A [0] : vector<6400x128xf32> to vector<128xf32>
    %broadcast_in_dim3A = vector.shape_cast %reduce_sum3A_31 : vector<128xf32> to vector<1x128xf32>
    %reduce_sum3A_32 = arith.constant dense<0.000000e+00> : vector<128xf32>
    %reduce_sum3A_33 = vector.multi_reduction <add>, %add3A_28, %reduce_sum3A_32 [0] : vector<6400x128xf32> to vector<128xf32>
    %broadcast_in_dim3A_34 = vector.shape_cast %reduce_sum3A_33 : vector<128xf32> to vector<1x128xf32>
    %concatenate3A = tpu.concatenate %broadcast_in_dim3A, %broadcast_in_dim3A_34 in 1 : vector<1x128xf32>, vector<1x128xf32> -> vector<1x256xf32>
    %mul3A = arith.mulf %add3A_25, %add3A_25 : vector<6400x128xf32>
    %reduce_sum3A_35 = arith.constant dense<0.000000e+00> : vector<128xf32>
    %reduce_sum3A_36 = vector.multi_reduction <add>, %mul3A, %reduce_sum3A_35 [0] : vector<6400x128xf32> to vector<128xf32>
    %broadcast_in_dim3A_37 = vector.shape_cast %reduce_sum3A_36 : vector<128xf32> to vector<1x128xf32>
    %mul3A_38 = arith.mulf %add3A_28, %add3A_28 : vector<6400x128xf32>
    %reduce_sum3A_39 = arith.constant dense<0.000000e+00> : vector<128xf32>
    %reduce_sum3A_40 = vector.multi_reduction <add>, %mul3A_38, %reduce_sum3A_39 [0] : vector<6400x128xf32> to vector<128xf32>
    %broadcast_in_dim3A_41 = vector.shape_cast %reduce_sum3A_40 : vector<128xf32> to vector<1x128xf32>
    %concatenate3A_42 = tpu.concatenate %broadcast_in_dim3A_37, %broadcast_in_dim3A_41 in 1 : vector<1x128xf32>, vector<1x128xf32> -> vector<1x256xf32>
    %get3A_43 = arith.constant 0 : index
    %get3A_44 = arith.constant 0 : index
    %get3A_45 = vector.load %arg5[%get3A_43, %get3A_44] : memref<8x256xf32, #tpu.memory_space<vmem>>, vector<8x256xf32>
    %broadcast_in_dim3A_46 = arith.constant 0.000000e+00 : f32
    %broadcast_in_dim3A_47 = vector.broadcast %broadcast_in_dim3A_46 : f32 to vector<6x256xf32>
    %concatenate3A_48 = tpu.concatenate %concatenate3A, %concatenate3A_42, %broadcast_in_dim3A_47 in 0 : vector<1x256xf32>, vector<1x256xf32>, vector<6x256xf32> -> vector<8x256xf32>
    %add3A_49 = arith.addf %get3A_45, %concatenate3A_48 : vector<8x256xf32>
    %swap3A = arith.constant 0 : index
    %swap3A_50 = arith.constant 0 : index
    %swap3A_51 = vector.load %arg5[%swap3A, %swap3A_50] : memref<8x256xf32, #tpu.memory_space<vmem>>, vector<8x256xf32>
    tpu.vector_store %arg5[%swap3A, %swap3A_50], %add3A_49 {strides = array<i32>} : memref<8x256xf32, #tpu.memory_space<vmem>>, vector<8x256xf32>,
    return
  }
  func.func @transform_0(%arg0: i32) -> (i32, i32) {
    %c0_i32 = arith.constant 0 : i32
    %c0_i32_0 = arith.constant 0 : i32
    return %arg0, %c0_i32 : i32, i32
  }
  func.func @transform_1(%arg0: i32) -> (i32, i32) {
    %c0_i32 = arith.constant 0 : i32
    %c0_i32_0 = arith.constant 0 : i32
    return %arg0, %c0_i32 : i32, i32
  }
  func.func @transform_2(%arg0: i32) -> (i32, i32) {
    %add3A = arith.constant 0 : i32
    %add3A_0 = arith.addi %arg0, %add3A : i32
    %c0_i32 = arith.constant 0 : i32
    %c0_i32_1 = arith.constant 0 : i32
    return %add3A_0, %c0_i32 : i32, i32
  }
  func.func @transform_3(%arg0: i32) -> (i32, i32) {
    %c0_i32 = arith.constant 0 : i32
    %c0_i32_0 = arith.constant 0 : i32
    %c0_i32_1 = arith.constant 0 : i32
    return %c0_i32, %c0_i32_0 : i32, i32
  }
  func.func @transform_4(%arg0: i32) -> (i32, i32) {
    %c0_i32 = arith.constant 0 : i32
    %c0_i32_0 = arith.constant 0 : i32
    %c0_i32_1 = arith.constant 0 : i32
    return %c0_i32, %c0_i32_0 : i32, i32
  }
}

module attributes {stable_mosaic.version = 14 : i64} {
  func.func @_act_body(%arg0: i32, %arg1: memref<6400x128xi32, #tpu.memory_space<vmem>>, %arg2: memref<6400x128xi32, #tpu.memory_space<vmem>>, %arg3: memref<800x128xbf16, #tpu.memory_space<vmem>>, %arg4: memref<128x2048xbf16, #tpu.memory_space<vmem>>, %arg5: memref<8x256xf32, #tpu.memory_space<vmem>>, %arg6: memref<6400x128xf32, #tpu.memory_space<vmem>>) attributes {dimension_semantics = [#tpu.dimension_semantics<arbitrary>], iteration_bounds = array<i64: 25>, scalar_prefetch = 0 : i64, scratch_operands = 0 : i64, tpu.core_type = #tpu.core_type<tc>, window_params = [{transform_indices = @transform_0, window_bounds = array<i64: 6400, 128>}, {transform_indices = @transform_1, window_bounds = array<i64: 6400, 128>}, {transform_indices = @transform_2, window_bounds = array<i64: 800, 128>}, {pipeline_mode = #tpu.pipeline_mode<synchronous>, transform_indices = @transform_3, window_bounds = array<i64: 128, 2048>}, {pipeline_mode = #tpu.pipeline_mode<synchronous>, transform_indices = @transform_4, window_bounds = array<i64: 8, 256>}, {transform_indices = @transform_5, window_bounds = array<i64: 6400, 128>}]} {
    %get3A = arith.constant 0 : index
    %get3A_0 = arith.constant 0 : index
    %get3A_1 = vector.load %arg1[%get3A, %get3A_0] : memref<6400x128xi32, #tpu.memory_space<vmem>>, vector<6400x128xi32>
    %shift_left3A = arith.constant 16 : i32
    %shift_left3A_2 = vector.broadcast %shift_left3A : i32 to vector<6400x128xi32>
    %shift_left3A_3 = arith.shli %get3A_1, %shift_left3A_2 : vector<6400x128xi32>
    %bitcast_convert_type3A = tpu.bitcast %shift_left3A_3 : vector<6400x128xi32> -> vector<6400x128xf32>
    %and3A = arith.constant -65536 : i32
    %and3A_4 = vector.broadcast %and3A : i32 to vector<6400x128xi32>
    %and3A_5 = arith.andi %get3A_1, %and3A_4 : vector<6400x128xi32>
    %bitcast_convert_type3A_6 = tpu.bitcast %and3A_5 : vector<6400x128xi32> -> vector<6400x128xf32>
    %get3A_7 = arith.constant 0 : index
    %get3A_8 = arith.constant 0 : index
    %get3A_9 = vector.load %arg2[%get3A_7, %get3A_8] : memref<6400x128xi32, #tpu.memory_space<vmem>>, vector<6400x128xi32>
    %shift_left3A_10 = arith.constant 16 : i32
    %shift_left3A_11 = vector.broadcast %shift_left3A_10 : i32 to vector<6400x128xi32>
    %shift_left3A_12 = arith.shli %get3A_9, %shift_left3A_11 : vector<6400x128xi32>
    %bitcast_convert_type3A_13 = tpu.bitcast %shift_left3A_12 : vector<6400x128xi32> -> vector<6400x128xf32>
    %and3A_14 = arith.constant -65536 : i32
    %and3A_15 = vector.broadcast %and3A_14 : i32 to vector<6400x128xi32>
    %and3A_16 = arith.andi %get3A_9, %and3A_15 : vector<6400x128xi32>
    %bitcast_convert_type3A_17 = tpu.bitcast %and3A_16 : vector<6400x128xi32> -> vector<6400x128xf32>
    %get3A_18 = arith.constant 0 : index
    %get3A_19 = arith.constant 0 : index
    %get3A_20 = vector.load %arg3[%get3A_18, %get3A_19] : memref<800x128xbf16, #tpu.memory_space<vmem>>, vector<800x128xbf16>
    %get3A_21 = arith.constant 0 : index
    %get3A_22 = arith.constant 0 : index
    %get3A_23 = vector.load %arg4[%get3A_21, %get3A_22] : memref<128x2048xbf16, #tpu.memory_space<vmem>>, vector<128x2048xbf16>
    %dot_general3A = arith.constant dense<0.000000e+00> : vector<800x2048xf32>
    %dot_general3A_24 = tpu.matmul %get3A_20, %get3A_23, %dot_general3A {dimension_numbers = #tpu.dot_dimension_numbers<[1], [0], [0], [1], [0, 0, 1, 1], [], []>, transpose_lhs_hint = false} : vector<800x128xbf16>, vector<128x2048xbf16>, vector<800x2048xf32> -> vector<800x2048xf32>
    %reshape3A = vector.shape_cast %dot_general3A_24 : vector<800x2048xf32> to vector<6400x256xf32>
    %add3A = arith.addf %bitcast_convert_type3A, %bitcast_convert_type3A_13 : vector<6400x128xf32>
    %slice3A = vector.extract_strided_slice %reshape3A {offsets = [0, 0], sizes = [6400, 128], strides = [1, 1]} : vector<6400x256xf32> to vector<6400x128xf32>
    %add3A_25 = arith.addf %add3A, %slice3A : vector<6400x128xf32>
    %add3A_26 = arith.addf %bitcast_convert_type3A_6, %bitcast_convert_type3A_17 : vector<6400x128xf32>
    %slice3A_27 = vector.extract_strided_slice %reshape3A {offsets = [0, 128], sizes = [6400, 128], strides = [1, 1]} : vector<6400x256xf32> to vector<6400x128xf32>
    %add3A_28 = arith.addf %add3A_26, %slice3A_27 : vector<6400x128xf32>
    %get3A_29 = arith.constant 0 : index
    %get3A_30 = arith.constant 0 : index
    %get3A_31 = vector.load %arg5[%get3A_29, %get3A_30] : memref<8x256xf32, #tpu.memory_space<vmem>>, vector<1x128xf32>
    %mul3A = vector.broadcast %get3A_31 : vector<1x128xf32> to vector<6400x128xf32>
    %mul3A_32 = arith.mulf %add3A_25, %mul3A : vector<6400x128xf32>
    %get3A_33 = arith.constant 1 : index
    %get3A_34 = arith.constant 0 : index
    %get3A_35 = vector.load %arg5[%get3A_33, %get3A_34] : memref<8x256xf32, #tpu.memory_space<vmem>>, vector<1x128xf32>
    %add3A_36 = vector.broadcast %get3A_35 : vector<1x128xf32> to vector<6400x128xf32>
    %add3A_37 = arith.addf %mul3A_32, %add3A_36 : vector<6400x128xf32>
    %get3A_38 = arith.constant 0 : index
    %get3A_39 = arith.constant 128 : index
    %get3A_40 = vector.load %arg5[%get3A_38, %get3A_39] : memref<8x256xf32, #tpu.memory_space<vmem>>, vector<1x128xf32>
    %mul3A_41 = vector.broadcast %get3A_40 : vector<1x128xf32> to vector<6400x128xf32>
    %mul3A_42 = arith.mulf %add3A_28, %mul3A_41 : vector<6400x128xf32>
    %get3A_43 = arith.constant 1 : index
    %get3A_44 = arith.constant 128 : index
    %get3A_45 = vector.load %arg5[%get3A_43, %get3A_44] : memref<8x256xf32, #tpu.memory_space<vmem>>, vector<1x128xf32>
    %add3A_46 = vector.broadcast %get3A_45 : vector<1x128xf32> to vector<6400x128xf32>
    %add3A_47 = arith.addf %mul3A_42, %add3A_46 : vector<6400x128xf32>
    %logistic3A = arith.negf %add3A_37 : vector<6400x128xf32>
    %logistic3A_48 = math.exp %logistic3A : vector<6400x128xf32>
    %logistic3A_49 = arith.constant 1.000000e+00 : f32
    %logistic3A_50 = vector.broadcast %logistic3A_49 : f32 to vector<6400x128xf32>
    %logistic3A_51 = arith.addf %logistic3A_50, %logistic3A_48 : vector<6400x128xf32>
    %logistic3A_52 = arith.divf %logistic3A_50, %logistic3A_51 : vector<6400x128xf32>
    %custom_jvp_call3A = arith.constant 0.000000e+00 : f32
    %max3A = vector.broadcast %custom_jvp_call3A : f32 to vector<6400x128xf32>
    %max3A_53 = arith.maximumf %add3A_47, %max3A : vector<6400x128xf32>
    %sub3A = vector.broadcast %custom_jvp_call3A : f32 to vector<6400x128xf32>
    %sub3A_54 = arith.subf %add3A_47, %sub3A : vector<6400x128xf32>
    %ne3A = arith.cmpf one, %sub3A_54, %sub3A_54 : vector<6400x128xf32>
    %add3A_55 = vector.broadcast %custom_jvp_call3A : f32 to vector<6400x128xf32>
    %add3A_56 = arith.addf %add3A_47, %add3A_55 : vector<6400x128xf32>
    %abs3A = math.absf %sub3A_54 : vector<6400x128xf32>
    %neg3A = arith.constant 0.000000e+00 : f32
    %neg3A_57 = vector.broadcast %neg3A : f32 to vector<6400x128xf32>
    %neg3A_58 = arith.subf %neg3A_57, %abs3A : vector<6400x128xf32>
    %exp3A = math.exp %neg3A_58 : vector<6400x128xf32>
    %log1p3A = math.log1p %exp3A : vector<6400x128xf32>
    %add3A_59 = arith.addf %max3A_53, %log1p3A : vector<6400x128xf32>
    %select_n3A = arith.select %ne3A, %add3A_56, %add3A_59 : vector<6400x128xi1>, vector<6400x128xf32>
    %mul3A_60 = arith.mulf %logistic3A_52, %select_n3A : vector<6400x128xf32>
    %swap3A = arith.constant 0 : index
    %swap3A_61 = arith.constant 0 : index
    %swap3A_62 = vector.load %arg6[%swap3A, %swap3A_61] : memref<6400x128xf32, #tpu.memory_space<vmem>>, vector<6400x128xf32>
    tpu.vector_store %arg6[%swap3A, %swap3A_61], %mul3A_60 {strides = array<i32>} : memref<6400x128xf32, #tpu.memory_space<vmem>>, vector<6400x128xf32>,
    return
  }
  func.func @transform_0(%arg0: i32) -> (i32, i32) {
    %c0_i32 = arith.constant 0 : i32
    %c0_i32_0 = arith.constant 0 : i32
    return %arg0, %c0_i32 : i32, i32
  }
  func.func @transform_1(%arg0: i32) -> (i32, i32) {
    %c0_i32 = arith.constant 0 : i32
    %c0_i32_0 = arith.constant 0 : i32
    return %arg0, %c0_i32 : i32, i32
  }
  func.func @transform_2(%arg0: i32) -> (i32, i32) {
    %add3A = arith.constant 25 : i32
    %add3A_0 = arith.addi %arg0, %add3A : i32
    %c0_i32 = arith.constant 0 : i32
    %c0_i32_1 = arith.constant 0 : i32
    return %add3A_0, %c0_i32 : i32, i32
  }
  func.func @transform_3(%arg0: i32) -> (i32, i32) {
    %c0_i32 = arith.constant 0 : i32
    %c0_i32_0 = arith.constant 0 : i32
    %c0_i32_1 = arith.constant 0 : i32
    return %c0_i32, %c0_i32_0 : i32, i32
  }
  func.func @transform_4(%arg0: i32) -> (i32, i32) {
    %c0_i32 = arith.constant 0 : i32
    %c0_i32_0 = arith.constant 0 : i32
    %c0_i32_1 = arith.constant 0 : i32
    return %c0_i32, %c0_i32_0 : i32, i32
  }
  func.func @transform_5(%arg0: i32) -> (i32, i32) {
    %c0_i32 = arith.constant 0 : i32
    %c0_i32_0 = arith.constant 0 : i32
    return %arg0, %c0_i32 : i32, i32
  }
}

module attributes {stable_mosaic.version = 14 : i64} {
  func.func @_act_body(%arg0: i32, %arg1: memref<6400x128xi32, #tpu.memory_space<vmem>>, %arg2: memref<6400x128xi32, #tpu.memory_space<vmem>>, %arg3: memref<800x128xbf16, #tpu.memory_space<vmem>>, %arg4: memref<128x2048xbf16, #tpu.memory_space<vmem>>, %arg5: memref<8x256xf32, #tpu.memory_space<vmem>>, %arg6: memref<6400x128xf32, #tpu.memory_space<vmem>>) attributes {dimension_semantics = [#tpu.dimension_semantics<arbitrary>], iteration_bounds = array<i64: 25>, scalar_prefetch = 0 : i64, scratch_operands = 0 : i64, tpu.core_type = #tpu.core_type<tc>, window_params = [{transform_indices = @transform_0, window_bounds = array<i64: 6400, 128>}, {transform_indices = @transform_1, window_bounds = array<i64: 6400, 128>}, {transform_indices = @transform_2, window_bounds = array<i64: 800, 128>}, {pipeline_mode = #tpu.pipeline_mode<synchronous>, transform_indices = @transform_3, window_bounds = array<i64: 128, 2048>}, {pipeline_mode = #tpu.pipeline_mode<synchronous>, transform_indices = @transform_4, window_bounds = array<i64: 8, 256>}, {transform_indices = @transform_5, window_bounds = array<i64: 6400, 128>}]} {
    %get3A = arith.constant 0 : index
    %get3A_0 = arith.constant 0 : index
    %get3A_1 = vector.load %arg1[%get3A, %get3A_0] : memref<6400x128xi32, #tpu.memory_space<vmem>>, vector<6400x128xi32>
    %shift_left3A = arith.constant 16 : i32
    %shift_left3A_2 = vector.broadcast %shift_left3A : i32 to vector<6400x128xi32>
    %shift_left3A_3 = arith.shli %get3A_1, %shift_left3A_2 : vector<6400x128xi32>
    %bitcast_convert_type3A = tpu.bitcast %shift_left3A_3 : vector<6400x128xi32> -> vector<6400x128xf32>
    %and3A = arith.constant -65536 : i32
    %and3A_4 = vector.broadcast %and3A : i32 to vector<6400x128xi32>
    %and3A_5 = arith.andi %get3A_1, %and3A_4 : vector<6400x128xi32>
    %bitcast_convert_type3A_6 = tpu.bitcast %and3A_5 : vector<6400x128xi32> -> vector<6400x128xf32>
    %get3A_7 = arith.constant 0 : index
    %get3A_8 = arith.constant 0 : index
    %get3A_9 = vector.load %arg2[%get3A_7, %get3A_8] : memref<6400x128xi32, #tpu.memory_space<vmem>>, vector<6400x128xi32>
    %shift_left3A_10 = arith.constant 16 : i32
    %shift_left3A_11 = vector.broadcast %shift_left3A_10 : i32 to vector<6400x128xi32>
    %shift_left3A_12 = arith.shli %get3A_9, %shift_left3A_11 : vector<6400x128xi32>
    %bitcast_convert_type3A_13 = tpu.bitcast %shift_left3A_12 : vector<6400x128xi32> -> vector<6400x128xf32>
    %and3A_14 = arith.constant -65536 : i32
    %and3A_15 = vector.broadcast %and3A_14 : i32 to vector<6400x128xi32>
    %and3A_16 = arith.andi %get3A_9, %and3A_15 : vector<6400x128xi32>
    %bitcast_convert_type3A_17 = tpu.bitcast %and3A_16 : vector<6400x128xi32> -> vector<6400x128xf32>
    %get3A_18 = arith.constant 0 : index
    %get3A_19 = arith.constant 0 : index
    %get3A_20 = vector.load %arg3[%get3A_18, %get3A_19] : memref<800x128xbf16, #tpu.memory_space<vmem>>, vector<800x128xbf16>
    %get3A_21 = arith.constant 0 : index
    %get3A_22 = arith.constant 0 : index
    %get3A_23 = vector.load %arg4[%get3A_21, %get3A_22] : memref<128x2048xbf16, #tpu.memory_space<vmem>>, vector<128x2048xbf16>
    %dot_general3A = arith.constant dense<0.000000e+00> : vector<800x2048xf32>
    %dot_general3A_24 = tpu.matmul %get3A_20, %get3A_23, %dot_general3A {dimension_numbers = #tpu.dot_dimension_numbers<[1], [0], [0], [1], [0, 0, 1, 1], [], []>, transpose_lhs_hint = false} : vector<800x128xbf16>, vector<128x2048xbf16>, vector<800x2048xf32> -> vector<800x2048xf32>
    %reshape3A = vector.shape_cast %dot_general3A_24 : vector<800x2048xf32> to vector<6400x256xf32>
    %add3A = arith.addf %bitcast_convert_type3A, %bitcast_convert_type3A_13 : vector<6400x128xf32>
    %slice3A = vector.extract_strided_slice %reshape3A {offsets = [0, 0], sizes = [6400, 128], strides = [1, 1]} : vector<6400x256xf32> to vector<6400x128xf32>
    %add3A_25 = arith.addf %add3A, %slice3A : vector<6400x128xf32>
    %add3A_26 = arith.addf %bitcast_convert_type3A_6, %bitcast_convert_type3A_17 : vector<6400x128xf32>
    %slice3A_27 = vector.extract_strided_slice %reshape3A {offsets = [0, 128], sizes = [6400, 128], strides = [1, 1]} : vector<6400x256xf32> to vector<6400x128xf32>
    %add3A_28 = arith.addf %add3A_26, %slice3A_27 : vector<6400x128xf32>
    %get3A_29 = arith.constant 0 : index
    %get3A_30 = arith.constant 0 : index
    %get3A_31 = vector.load %arg5[%get3A_29, %get3A_30] : memref<8x256xf32, #tpu.memory_space<vmem>>, vector<1x128xf32>
    %mul3A = vector.broadcast %get3A_31 : vector<1x128xf32> to vector<6400x128xf32>
    %mul3A_32 = arith.mulf %add3A_25, %mul3A : vector<6400x128xf32>
    %get3A_33 = arith.constant 1 : index
    %get3A_34 = arith.constant 0 : index
    %get3A_35 = vector.load %arg5[%get3A_33, %get3A_34] : memref<8x256xf32, #tpu.memory_space<vmem>>, vector<1x128xf32>
    %add3A_36 = vector.broadcast %get3A_35 : vector<1x128xf32> to vector<6400x128xf32>
    %add3A_37 = arith.addf %mul3A_32, %add3A_36 : vector<6400x128xf32>
    %get3A_38 = arith.constant 0 : index
    %get3A_39 = arith.constant 128 : index
    %get3A_40 = vector.load %arg5[%get3A_38, %get3A_39] : memref<8x256xf32, #tpu.memory_space<vmem>>, vector<1x128xf32>
    %mul3A_41 = vector.broadcast %get3A_40 : vector<1x128xf32> to vector<6400x128xf32>
    %mul3A_42 = arith.mulf %add3A_28, %mul3A_41 : vector<6400x128xf32>
    %get3A_43 = arith.constant 1 : index
    %get3A_44 = arith.constant 128 : index
    %get3A_45 = vector.load %arg5[%get3A_43, %get3A_44] : memref<8x256xf32, #tpu.memory_space<vmem>>, vector<1x128xf32>
    %add3A_46 = vector.broadcast %get3A_45 : vector<1x128xf32> to vector<6400x128xf32>
    %add3A_47 = arith.addf %mul3A_42, %add3A_46 : vector<6400x128xf32>
    %logistic3A = arith.negf %add3A_37 : vector<6400x128xf32>
    %logistic3A_48 = math.exp %logistic3A : vector<6400x128xf32>
    %logistic3A_49 = arith.constant 1.000000e+00 : f32
    %logistic3A_50 = vector.broadcast %logistic3A_49 : f32 to vector<6400x128xf32>
    %logistic3A_51 = arith.addf %logistic3A_50, %logistic3A_48 : vector<6400x128xf32>
    %logistic3A_52 = arith.divf %logistic3A_50, %logistic3A_51 : vector<6400x128xf32>
    %custom_jvp_call3A = arith.constant 0.000000e+00 : f32
    %max3A = vector.broadcast %custom_jvp_call3A : f32 to vector<6400x128xf32>
    %max3A_53 = arith.maximumf %add3A_47, %max3A : vector<6400x128xf32>
    %sub3A = vector.broadcast %custom_jvp_call3A : f32 to vector<6400x128xf32>
    %sub3A_54 = arith.subf %add3A_47, %sub3A : vector<6400x128xf32>
    %ne3A = arith.cmpf one, %sub3A_54, %sub3A_54 : vector<6400x128xf32>
    %add3A_55 = vector.broadcast %custom_jvp_call3A : f32 to vector<6400x128xf32>
    %add3A_56 = arith.addf %add3A_47, %add3A_55 : vector<6400x128xf32>
    %abs3A = math.absf %sub3A_54 : vector<6400x128xf32>
    %neg3A = arith.constant 0.000000e+00 : f32
    %neg3A_57 = vector.broadcast %neg3A : f32 to vector<6400x128xf32>
    %neg3A_58 = arith.subf %neg3A_57, %abs3A : vector<6400x128xf32>
    %exp3A = math.exp %neg3A_58 : vector<6400x128xf32>
    %log1p3A = math.log1p %exp3A : vector<6400x128xf32>
    %add3A_59 = arith.addf %max3A_53, %log1p3A : vector<6400x128xf32>
    %select_n3A = arith.select %ne3A, %add3A_56, %add3A_59 : vector<6400x128xi1>, vector<6400x128xf32>
    %mul3A_60 = arith.mulf %logistic3A_52, %select_n3A : vector<6400x128xf32>
    %swap3A = arith.constant 0 : index
    %swap3A_61 = arith.constant 0 : index
    %swap3A_62 = vector.load %arg6[%swap3A, %swap3A_61] : memref<6400x128xf32, #tpu.memory_space<vmem>>, vector<6400x128xf32>
    tpu.vector_store %arg6[%swap3A, %swap3A_61], %mul3A_60 {strides = array<i32>} : memref<6400x128xf32, #tpu.memory_space<vmem>>, vector<6400x128xf32>,
    return
  }
  func.func @transform_0(%arg0: i32) -> (i32, i32) {
    %c0_i32 = arith.constant 0 : i32
    %c0_i32_0 = arith.constant 0 : i32
    return %arg0, %c0_i32 : i32, i32
  }
  func.func @transform_1(%arg0: i32) -> (i32, i32) {
    %c0_i32 = arith.constant 0 : i32
    %c0_i32_0 = arith.constant 0 : i32
    return %arg0, %c0_i32 : i32, i32
  }
  func.func @transform_2(%arg0: i32) -> (i32, i32) {
    %add3A = arith.constant 0 : i32
    %add3A_0 = arith.addi %arg0, %add3A : i32
    %c0_i32 = arith.constant 0 : i32
    %c0_i32_1 = arith.constant 0 : i32
    return %add3A_0, %c0_i32 : i32, i32
  }
  func.func @transform_3(%arg0: i32) -> (i32, i32) {
    %c0_i32 = arith.constant 0 : i32
    %c0_i32_0 = arith.constant 0 : i32
    %c0_i32_1 = arith.constant 0 : i32
    return %c0_i32, %c0_i32_0 : i32, i32
  }
  func.func @transform_4(%arg0: i32) -> (i32, i32) {
    %c0_i32 = arith.constant 0 : i32
    %c0_i32_0 = arith.constant 0 : i32
    %c0_i32_1 = arith.constant 0 : i32
    return %c0_i32, %c0_i32_0 : i32, i32
  }
  func.func @transform_5(%arg0: i32) -> (i32, i32) {
    %c0_i32 = arith.constant 0 : i32
    %c0_i32_0 = arith.constant 0 : i32
    return %arg0, %c0_i32 : i32, i32
  }
}

module attributes {stable_mosaic.version = 14 : i64} {
  func.func @_final_body(%arg0: memref<2x10000x128xf32, #tpu.memory_space<vmem>>, %arg1: memref<2x10000x128xf32, #tpu.memory_space<vmem>>, %arg2: memref<10000x128xf32, #tpu.memory_space<vmem>>, %arg3: memref<1x128xf32, #tpu.memory_space<vmem>>, %arg4: memref<1x128xf32, #tpu.memory_space<vmem>>, %arg5: memref<10000x128xf32, #tpu.memory_space<vmem>>) attributes {dimension_semantics = [], scalar_prefetch = 0 : i64, scratch_operands = 0 : i64, tpu.core_type = #tpu.core_type<tc>} {
    %get3A = arith.constant 0 : index
    %get3A_0 = arith.constant 0 : index
    %get3A_1 = arith.constant 0 : index
    %get3A_2 = vector.load %arg0[%get3A, %get3A_0, %get3A_1] : memref<2x10000x128xf32, #tpu.memory_space<vmem>>, vector<1x10000x128xf32>
    %get3A_3 = vector.shape_cast %get3A_2 : vector<1x10000x128xf32> to vector<10000x128xf32>
    %get3A_4 = arith.constant 1 : index
    %get3A_5 = arith.constant 0 : index
    %get3A_6 = arith.constant 0 : index
    %get3A_7 = vector.load %arg0[%get3A_4, %get3A_5, %get3A_6] : memref<2x10000x128xf32, #tpu.memory_space<vmem>>, vector<1x10000x128xf32>
    %get3A_8 = vector.shape_cast %get3A_7 : vector<1x10000x128xf32> to vector<10000x128xf32>
    %add3A = arith.addf %get3A_3, %get3A_8 : vector<10000x128xf32>
    %get3A_9 = arith.constant 0 : index
    %get3A_10 = arith.constant 0 : index
    %get3A_11 = arith.constant 0 : index
    %get3A_12 = vector.load %arg1[%get3A_9, %get3A_10, %get3A_11] : memref<2x10000x128xf32, #tpu.memory_space<vmem>>, vector<1x10000x128xf32>
    %get3A_13 = vector.shape_cast %get3A_12 : vector<1x10000x128xf32> to vector<10000x128xf32>
    %add3A_14 = arith.addf %add3A, %get3A_13 : vector<10000x128xf32>
    %get3A_15 = arith.constant 1 : index
    %get3A_16 = arith.constant 0 : index
    %get3A_17 = arith.constant 0 : index
    %get3A_18 = vector.load %arg1[%get3A_15, %get3A_16, %get3A_17] : memref<2x10000x128xf32, #tpu.memory_space<vmem>>, vector<1x10000x128xf32>
    %get3A_19 = vector.shape_cast %get3A_18 : vector<1x10000x128xf32> to vector<10000x128xf32>
    %add3A_20 = arith.addf %add3A_14, %get3A_19 : vector<10000x128xf32>
    %reduce_sum3A = arith.constant dense<0.000000e+00> : vector<128xf32>
    %reduce_sum3A_21 = vector.multi_reduction <add>, %add3A_20, %reduce_sum3A [0] : vector<10000x128xf32> to vector<128xf32>
    %broadcast_in_dim3A = vector.shape_cast %reduce_sum3A_21 : vector<128xf32> to vector<1x128xf32>
    %div3A = arith.constant 1.000000e+04 : f32
    %div3A_22 = vector.broadcast %div3A : f32 to vector<1x128xf32>
    %div3A_23 = arith.divf %broadcast_in_dim3A, %div3A_22 : vector<1x128xf32>
    %sub3A = vector.broadcast %div3A_23 : vector<1x128xf32> to vector<10000x128xf32>
    %sub3A_24 = arith.subf %add3A_20, %sub3A : vector<10000x128xf32>
    %mul3A = arith.mulf %sub3A_24, %sub3A_24 : vector<10000x128xf32>
    %reduce_sum3A_25 = arith.constant dense<0.000000e+00> : vector<128xf32>
    %reduce_sum3A_26 = vector.multi_reduction <add>, %mul3A, %reduce_sum3A_25 [0] : vector<10000x128xf32> to vector<128xf32>
    %broadcast_in_dim3A_27 = vector.shape_cast %reduce_sum3A_26 : vector<128xf32> to vector<1x128xf32>
    %div3A_28 = arith.constant 1.000000e+04 : f32
    %div3A_29 = vector.broadcast %div3A_28 : f32 to vector<1x128xf32>
    %div3A_30 = arith.divf %broadcast_in_dim3A_27, %div3A_29 : vector<1x128xf32>
    %add3A_31 = arith.constant 9.99999974E-6 : f32
    %add3A_32 = vector.broadcast %add3A_31 : f32 to vector<1x128xf32>
    %add3A_33 = arith.addf %div3A_30, %add3A_32 : vector<1x128xf32>
    %rsqrt3A = math.rsqrt %add3A_33 : vector<1x128xf32>
    %mul3A_34 = vector.broadcast %rsqrt3A : vector<1x128xf32> to vector<10000x128xf32>
    %mul3A_35 = arith.mulf %sub3A_24, %mul3A_34 : vector<10000x128xf32>
    %get3A_36 = arith.constant 0 : index
    %get3A_37 = arith.constant 0 : index
    %get3A_38 = vector.load %arg3[%get3A_36, %get3A_37] : memref<1x128xf32, #tpu.memory_space<vmem>>, vector<1x128xf32>
    %mul3A_39 = vector.broadcast %get3A_38 : vector<1x128xf32> to vector<10000x128xf32>
    %mul3A_40 = arith.mulf %mul3A_35, %mul3A_39 : vector<10000x128xf32>
    %get3A_41 = arith.constant 0 : index
    %get3A_42 = arith.constant 0 : index
    %get3A_43 = vector.load %arg4[%get3A_41, %get3A_42] : memref<1x128xf32, #tpu.memory_space<vmem>>, vector<1x128xf32>
    %add3A_44 = vector.broadcast %get3A_43 : vector<1x128xf32> to vector<10000x128xf32>
    %add3A_45 = arith.addf %mul3A_40, %add3A_44 : vector<10000x128xf32>
    %get3A_46 = arith.constant 0 : index
    %get3A_47 = arith.constant 0 : index
    %get3A_48 = vector.load %arg2[%get3A_46, %get3A_47] : memref<10000x128xf32, #tpu.memory_space<vmem>>, vector<10000x128xf32>
    %add3A_49 = arith.addf %get3A_48, %add3A_45 : vector<10000x128xf32>
    %custom_jvp_call3A = arith.constant 0.000000e+00 : f32
    %max3A = vector.broadcast %custom_jvp_call3A : f32 to vector<10000x128xf32>
    %max3A_50 = arith.maximumf %add3A_49, %max3A : vector<10000x128xf32>
    %sub3A_51 = vector.broadcast %custom_jvp_call3A : f32 to vector<10000x128xf32>
    %sub3A_52 = arith.subf %add3A_49, %sub3A_51 : vector<10000x128xf32>
    %ne3A = arith.cmpf one, %sub3A_52, %sub3A_52 : vector<10000x128xf32>
    %add3A_53 = vector.broadcast %custom_jvp_call3A : f32 to vector<10000x128xf32>
    %add3A_54 = arith.addf %add3A_49, %add3A_53 : vector<10000x128xf32>
    %abs3A = math.absf %sub3A_52 : vector<10000x128xf32>
    %neg3A = arith.constant 0.000000e+00 : f32
    %neg3A_55 = vector.broadcast %neg3A : f32 to vector<10000x128xf32>
    %neg3A_56 = arith.subf %neg3A_55, %abs3A : vector<10000x128xf32>
    %exp3A = math.exp %neg3A_56 : vector<10000x128xf32>
    %log1p3A = math.log1p %exp3A : vector<10000x128xf32>
    %add3A_57 = arith.addf %max3A_50, %log1p3A : vector<10000x128xf32>
    %select_n3A = arith.select %ne3A, %add3A_54, %add3A_57 : vector<10000x128xi1>, vector<10000x128xf32>
    %swap3A = arith.constant 0 : index
    %swap3A_58 = arith.constant 0 : index
    %swap3A_59 = vector.load %arg5[%swap3A, %swap3A_58] : memref<10000x128xf32, #tpu.memory_space<vmem>>, vector<10000x128xf32>
    tpu.vector_store %arg5[%swap3A, %swap3A_58], %select_n3A {strides = array<i32>} : memref<10000x128xf32, #tpu.memory_space<vmem>>, vector<10000x128xf32>,
    return
  }
}

</mosaic_0001>

<sc_bundles>
// kernel: kernel.12.cloned.1.call-start
scs
__scs_entry_jumppad:
0x0: {  	(pc) =	sbr.rel $0x88, $3  }
0x1: {  	(tag) =	ssettag $0x0;
	lr =	simm.s32 $0x1  }
0x2: {  	[smem:$0x3F98] =	sst lr;
	_ =	strace $0xD0000000  }
0x3: {  	_ = 	snop  }
0x4: {  	_ = 	snop  }
0x5: {  	_ = 	snop  }
0x6: {  	_ = 	snop  }
0x7: {  	_ = 	snop  }
__scs_overlays_trampoline_lowered:
0x8: {  	[smem:$0x3FA7] =	sst s0  }
0x9: {  	[smem:$0x3FA8] =	sst s1  }
0xa: {  	[smem:$0x3FA9] =	sst s2  }
0xb: {  	[smem:$0x3FAA] =	sst s3  }
0xc: {  	[smem:$0x3FAB] =	sst s4  }
0xd: {  	[smem:$0x3FAC] =	sst s5  }
0xe: {  	[smem:$0x3FAD] =	sst s6  }
0xf: {  	[smem:$0x3FAE] =	sst s7  }
0x10: {  	[smem:$0x3FAF] =	sst s8  }
0x11: {  	[smem:$0x3FB0] =	sst s9;
	s0 =	simm.s32 @!p0 $0x0  }
0x12: {  	s1 =	sld [smem:$0x3F96];
	s0 =	simm.s32 @p0 $0x1  }
0x13: {  	[smem:$0x3FB1] =	sst s0;
	s0 =	simm.s32 @!p1 $0x0  }
0x14: {  	s2 =	sld [smem:$0x3F95];
	s0 =	simm.s32 @p1 $0x1  }
0x15: {  	[smem:$0x3FB2] =	sst s0;
	s0 =	simm.s32 @!p2 $0x0  }
0x16: {  	s3 =	sld [smem:$0x3FDB];
	s0 =	simm.s32 @p2 $0x1  }
0x17: {  	s4 =	simm.s32 $0x1BF5;
	[smem:$0x3FB4] =	sst s0  }
0x18: {  	s0 =	sld [smem:$0x3F97];
	_ =	swait.ge [sflag:s4], $0x0  }
0x19: {  	s7 =	sld [smem:$0x3F98]  }
0x1a: {  	s8 =	sadd.s32 $0xFFFFE003, lr  }
0x1b: {  	s9 =	sadd.s32 $0xFFFFFEF7, lr;
	s5 =	simm.s32 $0xFFFFFFFF;
	p2 =	slt.u32 s8, $0xFFFFF086  }
0x1c: {  	p1 =	slt.u32 s9, $0xF7A;
	s5 =	simm.s32 @!p2 $0x0  }
0x1d: {  	s5 =	simm.s32 @p1 $0x1;
	p0 =	seq.s32 s7, s2  }
0x1e: {  	s7 =	smul.u32 @!p0 $0xF7A, s2;
	p2 =	seq.s32 @!p0 s5, $0x0  }
0x1f: {  	s9 =	smul.u32 $0xF7A, s1;
	s8 =	simm.s32 @!p0 $0x1BF5;
	p2 =	por !p2, p0  }
0x20: {  	[sflag:s8] =	ssyncset.s32 @!p0 $0xFFFFF086;
	s6 =	sadd.s32 @!p0 s3, s7;
	s7 =	simm.s32 @!p0 $0x108  }
0x21: {  	s3 =	sadd.s32 s3, s9;
	s6 =	sadd.s32 @!p0 $0x88, s6;
	s7 =	simm.s32 @p2 $0x1082  }
0x22: {  	[simem:s7], [sflag:s8] =	dma.local @!p0 [hbm:s6], $0xF7A  }
0x23: {  	s9 =	sor.u32 $0xD0000000, s2;
	s6 =	simm.s32 $0x108;
	_ =	swait.ge @!p0 [sflag:s8], $0x0  }
0x24: {  	s3 =	sadd.s32 $0x88, s3;
	s6 =	simm.s32 @!p1 $0x1082;
	[sflag:s4] =	ssyncset.s32 $0xFFFFF086  }
0x25: {  	[simem:s6], [sflag:s4] =	dma.local [hbm:s3], $0xF7A  }
0x26: {  	[smem:$0x3F98] =	sst s1;
	(tag) =	ssettag s2;
	_ =	strace s9  }
0x27: {  	s1 =	sld [smem:$0x3FA8]  }
0x28: {  	s2 =	sld [smem:$0x3FA9]  }
0x29: {  	s4 =	sld [smem:$0x3FAB]  }
0x2a: {  	p0 =	seq.s32 s5, $0x0;
	s5 =	sld [smem:$0x3FAC]  }
0x2b: {  	s6 =	sld [smem:$0x3FAD]  }
0x2c: {  	s7 =	sld [smem:$0x3FAE]  }
0x2d: {  	s3 =	simm.s32 $0x108;
	s8 =	sld [smem:$0x3FAF]  }
0x2e: {  	s3 =	simm.s32 @!p0 $0x1082;
	s9 =	sld [smem:$0x3FB0]  }
0x2f: {  	lr =	sadd.s32 s0, s3;
	s0 =	sld [smem:$0x3FA7]  }
0x30: {  	s3 =	sld [smem:$0x3FAA]  }
0x31: {  	[smem:$0x3FB3] =	sst s10  }
0x32: {  	s10 =	sld [smem:$0x3FB1];
	_ =	sdelay $0x3  }
0x33: {  	p0 =	seq.s32 s10, $0x1;
	s10 =	sld [smem:$0x3FB3];
	_ =	sdelay $0x3  }
0x34: {  	[smem:$0x3FB3] =	sst s10  }
0x35: {  	s10 =	sld [smem:$0x3FB2];
	_ =	sdelay $0x3  }
0x36: {  	p1 =	seq.s32 s10, $0x1;
	s10 =	sld [smem:$0x3FB3];
	_ =	sdelay $0x3  }
0x37: {  	[smem:$0x3FB3] =	sst s10  }
0x38: {  	s10 =	sld [smem:$0x3FB4]  }
0x39: {  	_ = 	snop;
	(pc) =	sbr.ind lr, $3  }
0x3a: {  	_ = 	snop  }
0x3b: {  	_ = 	snop  }
0x3c: {  	p2 =	seq.s32 s10, $0x1;
	s10 =	sld [smem:$0x3FB3]  }
0x3d: {  	_ =	shalt  }
0x3e: {  	_ =	shalt  }
0x3f: {  	_ =	shalt  }
0x40: {  	_ =	shalt  }
0x41: {  	_ =	shalt  }
0x42: {  	_ =	shalt  }
0x43: {  	_ =	shalt  }
0x44: {  	_ =	shalt  }
0x45: {  	_ =	shalt  }
0x46: {  	_ =	shalt  }
0x47: {  	_ =	shalt  }
0x48: {  	_ =	shalt  }
0x49: {  	_ =	shalt  }
0x4a: {  	_ =	shalt  }
0x4b: {  	_ =	shalt  }
0x4c: {  	_ =	shalt  }
0x4d: {  	_ =	shalt  }
0x4e: {  	_ =	shalt  }
0x4f: {  	_ =	shalt  }
0x50: {  	_ =	shalt  }
0x51: {  	_ =	shalt  }
0x52: {  	_ =	shalt  }
0x53: {  	_ =	shalt  }
0x54: {  	_ =	shalt  }
0x55: {  	_ =	shalt  }
0x56: {  	_ =	shalt  }
0x57: {  	_ =	shalt  }
0x58: {  	_ =	shalt  }
0x59: {  	_ =	shalt  }
0x5a: {  	_ =	shalt  }
0x5b: {  	_ =	shalt  }
0x5c: {  	_ =	shalt  }
0x5d: {  	_ =	shalt  }
0x5e: {  	_ =	shalt  }
0x5f: {  	_ =	shalt  }
0x60: {  	_ =	shalt  }
0x61: {  	_ =	shalt  }
0x62: {  	_ =	shalt  }
0x63: {  	_ =	shalt  }
0x64: {  	_ =	shalt  }
0x65: {  	_ =	shalt  }
0x66: {  	_ =	shalt  }
0x67: {  	_ =	shalt  }
0x68: {  	_ =	shalt  }
0x69: {  	_ =	shalt  }
0x6a: {  	_ =	shalt  }
0x6b: {  	_ =	shalt  }
0x6c: {  	_ =	shalt  }
0x6d: {  	_ =	shalt  }
0x6e: {  	_ =	shalt  }
0x6f: {  	_ =	shalt  }
0x70: {  	_ =	shalt  }
0x71: {  	_ =	shalt  }
0x72: {  	_ =	shalt  }
0x73: {  	_ =	shalt  }
0x74: {  	_ =	shalt  }
0x75: {  	_ =	shalt  }
0x76: {  	_ =	shalt  }
0x77: {  	_ =	shalt  }
0x78: {  	_ =	shalt  }
0x79: {  	_ =	shalt  }
0x7a: {  	_ =	shalt  }
0x7b: {  	_ =	shalt  }
0x7c: {  	_ =	shalt  }
0x7d: {  	_ =	shalt  }
0x7e: {  	_ =	shalt  }
0x7f: {  	_ =	shalt  }
0x80: {  	_ =	shalt  }
0x81: {  	_ =	shalt  }
0x82: {  	_ =	shalt  }
0x83: {  	_ =	shalt  }
0x84: {  	_ =	shalt  }
0x85: {  	_ =	shalt  }
0x86: {  	_ =	shalt  }
0x87: {  	_ =	shalt  }
.Lfunc_end0:
.L_simem_size_0:
called_computation_lowered:
.L_overlay_start_0:
0x88: {  	s2 =	sld [smem:$0x3FD9]  }
0x89: {  	s3 =	sld [smem:$0x3FFE];
	_ =	sdelay $0x1  }
0x8a: {  	s1 =	srdreg.scid  }
0x8b: {  	s0 =	sand.u32 $0x1, s1  }
0x8c: {  	s17 =	sshll.u32 s0, $0xA;
	s2 =	sadd.s32 s3, s2  }
0x8d: {  	s2 =	sadd.s32 s2, s17  }
0x8e: {  	[smem:$0x3FBF] =	sst s2  }
0x8f: {  	_ = 	snop  }
0x90: {  	s18 =	sld [smem:$0x3FD0];
	(tm) =	ssettm $0x1  }
0x91: {  	s19 =	sld [smem:$0x3FFB];
	_ =	sdelay $0x3  }
0x92: {  	_ =	strace s19  }
0x93: {  	s2 =	sld [smem:$0x3FFC];
	_ =	sdelay $0x3  }
0x94: {  	_ =	strace s2  }
0x95: {  	s2 =	sld [smem:$0x3FFD];
	_ =	sdelay $0x3  }
0x96: {  	_ =	strace s2  }
0x97: {  	_ =	strace $0x8FFFFFFF  }
0x98: {  	s20 =	sld [smem:$0x3FDB];
	_ =	sdelay $0x1  }
0x99: {  	s4 =	simm.s32 $_scs_section_size  }
0x9a: {  	s5 =	simm.s32 $_size__tile_overlayer_lowered;
	s6 =	simm.s32 $_tile_overlayer_lowered  }
0x9b: {  	s7 =	simm.s32 $0x1BFF;
	s21 =	sshll.u32 s6, $0x1;
	s4 =	sadd.s32 s4, s20  }
0x9c: {  	s22 =	simm.s32 $0x0;
	s5 =	sshll.u32 s5, $0x1;
	s6 =	sadd.s32 s21, s4  }
0x9d: {  	[timem:s22], [sflag:s7] =	dma.local [hbm:s6], s5  }
0x9e: {  	_ =	swait.ge [sflag:s7], s5  }
0x9f: {  	s5 =	ssub.s32 $0x0, s5;
	[sflag:s7] =	ssyncset.done $0x0  }
0xa0: {  	[sflag:s7] =	ssyncadd.s32 s5;
	_ =	sdelay $0x1  }
0xa1: {  	s23 =	simm.s32 $0x1B8B  }
0xa2: {  	_ =	swait.ge [sflag:s23], $0x1  }
0xa3: {  	[sflag:s23] =	ssyncset.done $0x0  }
0xa4: {  	[sflag:s23] =	ssyncadd.s32 $0xFFFFFFFF  }
0xa5: {  	s5 =	sld [smem:$0x0]  }
0xa6: {  	s6 =	sand.u32 $0xFFFFFFFE, s1  }
0xa7: {  	p0 =	sne.s32 s1, s6  }
0xa8: {  	s6 =	sshll.u32 @p0 s6, $0xE  }
0xa9: {  	s6 =	sadd.s32 @p0 $0x11B8D, s6;
	s7 =	sshll.u32 @p0 s5, $0x11  }
0xaa: {  	s6 =	sor.u32 @p0 s7, s6  }
0xab: {  	[sflag:s6] =	ssyncadd.remote.s32 @p0 $0x1;
	_ =	sdelay $0x1  }
0xac: {  	s6 =	simm.s32 @p0 $0x1B8D  }
0xad: {  	_ =	swait.eq @p0 [sflag:s6], $0x1  }
0xae: {  	[sflag:s6] =	ssyncadd.s32 @p0 $0xFFFFFFFF  }
0xaf: {  	s7 =	sshll.u32 @!p0 s1, $0xE  }
0xb0: {  	s7 =	sor.u32 @!p0 $0x4000, s7;
	s6 =	simm.s32 @!p0 $0x1B8D  }
0xb1: {  	s5 =	sshll.u32 @!p0 s5, $0x11;
	s7 =	sadd.s32 @!p0 $0x11B8D, s7;
	_ =	swait.eq @!p0 [sflag:s6], $0x1  }
0xb2: {  	s5 =	sor.u32 @!p0 s5, s7;
	[sflag:s6] =	ssyncadd.s32 @!p0 $0xFFFFFFFF  }
0xb3: {  	s25 =	simm.s32 $0x1B8E;
	s24 =	sld [smem:$0x3FFE];
	[sflag:s5] =	ssyncadd.remote.s32 @!p0 $0x1  }
0xb4: {  	s26 =	simm.s32 $execute0_lowered;
	[smem:$0x3FD2] =	sst s25  }
0xb5: {  	s6 =	sshll.u32 s26, $0x1;
	_ =	strace $0x80000049;
	[dreg:$0x1] =	wrdreg $0xFFFFFFFF  }
0xb6: {  	s28 =	simm.s32 $_size_execute0_lowered;
	s4 =	sadd.s32 s4, s6;
	[dreg:$0x0] =	wrdreg $0x0  }
0xb7: {  	s6 =	sshll.u32 s28, $0x1;
	[dreg:$0x2] =	wrdreg s4  }
0xb8: {  	[dreg:$0x3] =	wrdreg s6  }
0xb9: {  	[dreg:$0x4] =	wrdreg $0xC0  }
0xba: {  	_ =	task [dreg:s22], $0x5FFFF  }
0xbb: {  	[dreg:$0x1] =	wrdreg $0xFFFFFFFF  }
0xbc: {  	[dreg:$0x0] =	wrdreg $0x60  }
0xbd: {  	[dreg:$0x2] =	wrdreg s18  }
0xbe: {  	[dreg:$0x3] =	wrdreg s24  }
0xbf: {  	[dreg:$0x4] =	wrdreg $0x9  }
0xc0: {  	_ =	task.clear_ibuf [dreg:s22], $0x5FFFF;
	_ =	strace $0x90000049  }
0xc1: {  	s29 =	simm.s32 $0x9;
	_ =	strace $0x8000004B  }
0xc2: {  	_ =	swait.ge [sflag:s29], $0x1  }
0xc3: {  	[sflag:s29] =	ssyncadd.s32 $0xFFFFFFFF  }
0xc4: {  	_ =	strace $0x9000004B  }
0xc5: {  	_ =	sfence  }
0xc6: {  	s30 =	sld [smem:$0x0];
	_ =	sdelay $0x2  }
0xc7: {  	s31 =	sshll.u32 s1, $0xD;
	s1 =	sshrl.u32 s1, $0x2  }
0xc8: {  	s4 =	sand.u32 $0x4000, s31;
	s1 =	sadd.s32 s1, s30  }
0xc9: {  	s0 =	sor.u32 s4, s0;
	s1 =	sshll.u32 s1, $0x11  }
0xca: {  	s0 =	sor.u32 s1, s0  }
0xcb: {  	s0 =	sadd.s32 $0x8F2B, s0  }
0xcc: {  	[sflag:s0] =	ssyncadd.remote.s32 $0x1  }
0xcd: {  	_ =	sfence.sel $0xFFFF  }
0xce: {  	[dreg:$0x0] =	wrdreg $0xFFFFFFFF;
	(pc) =	sbr.abs _section_cstart, $3  }
0xcf: {  	[dreg:$0x1] =	wrdreg $0xFFFFFFFF  }
0xd0: {  	_ =	task.clear_ibuf [dreg:s22], $0x2FFFF;
	_ =	strace $0x9FFFFFFF  }
0xd1: {  	(tm) =	ssettm $0x7FFFFFFF  }
tec
execute0_lowered:
.L_overlay_start_1:
0x0: {  	(tag) =	ssettag $0x1  }
0x1: {  	s1 =	rddreg [dreg:$0x0]  }
0x2: {  	s0 =	rddreg [dreg:$0x1];
	s3 =	simm.s32 $0x0  }
0x3: {  	s2 =	srdreg.scid;
	s6 =	stileid.u32;
	s14 =	simm.s32 $0x8000  }
0x4: {  	s15 =	simm.s32 $0xD000;
	s28 =	simm.s32 $0x7;
	s29 =	simm.s32 $0x8  }
0x5: {  	s30 =	simm.s32 $0x0;
	[smem:$0x7FF] =	sst s3;
	s2 =	sand.u32 $0x1, s2  }
0x6: {  	s4 =	sshll.u32 s6, $0xC;
	s6 =	smul.u32 $0x27100, s6;
	s5 =	sshll.u32 s2, $0xB  }
0x7: {  	_ =	strace $0x8000004A;
	s7 =	ssub.s32 $0x2, s2;
	s5 =	sor.u32 s5, s4  }
0x8: {  	s9 =	smul.u32 $0x13880, s2;
	s4 =	sadd.s32 $0x24200, s0;
	s8 =	sadd.s32 s5, s0  }
0x9: {  	s24 =	sshrl.u32 s7, $0x1;
	s0 =	sadd.s32 s6, s0;
	s25 =	sadd.s32 $0x52D400, s8  }
0xa: {  	s7 =	ssub.s32 s7, s24;
	s26 =	sadd.s32 $0x53D400, s8;
	[dreg:$0x3] =	wrdreg s25  }
0xb: {  	s24 =	simm.s32 $0x1;
	s31 =	smax.u32 s7, $0x1;
	[dreg:$0x4] =	wrdreg s26  }
0xc: {  	s8 =	sadd.s32 $0x54D400, s0;
	s10 =	sadd.s32 $0x7BE400, s0;
	[dreg:$0x5] =	wrdreg s31  }
.LBB2_1:
0xd: {  	s0 =	rddreg [dreg:$0x3];
	s2 =	simm.s32 $0x9  }
0xe: {  	[tilespmem:s3], [sflag:$0x9] =	stream.linear.gather [hbm4b:s0+s3], $0x3E80, $0x38;
	[tilespmem:$0x12000] =	vst v63  }
0xf: {  	_ =	swait.ge [sflag:s2], $0x3E80  }
0x10: {  	[sflag:s2] =	ssyncset.done $0x0  }
0x11: {  	s5 =	simm.s32 $0x4000;
	s12 =	rddreg [dreg:$0x4];
	[sflag:s2] =	ssyncadd.s32 $0xFFFFC180  }
0x12: {  	[tilespmem:s5], [sflag:$0x9] =	stream.linear.gather [hbm4b:s12+s3], $0x3E80, $0x38;
	[tilespmem:$0x12000] =	vst v63  }
0x13: {  	_ =	swait.ge [sflag:s2], $0x3E80  }
0x14: {  	[sflag:s2] =	ssyncset.done $0x0  }
0x15: {  	s13 =	simm.s32 $0x28;
	[sflag:s2] =	ssyncadd.s32 $0xFFFFC180  }
0x16: {  	[tilespmem:s14], [sflag:$0x1] =	stream.indirect.gather [hbm4b:s1+s13], $0x80, s3, s13, $0xb8;
	[tilespmem:$0x12000] =	vst v63  }
0x17: {  	_ = 	snop  }
0x18: {  	[tilespmem:s15], [sflag:$0x1] =	stream.indirect.gather [hbm4b:s4+s13], $0x80, s5, s13, $0xb8;
	[tilespmem:$0x12000] =	vst v63  }
0x19: {  	s16 =	simm.s32 $0x80;
	s17 =	simm.s32 $0x9400  }
0x1a: {  	[tilespmem:s17], [sflag:$0x2] =	stream.indirect.gather [hbm4b:s1+s13], $0x80, s16, s13, $0xb8;
	[tilespmem:$0x12000] =	vst v63  }
0x1b: {  	s18 =	simm.s32 $0x4080;
	s19 =	simm.s32 $0xE400  }
0x1c: {  	[tilespmem:s19], [sflag:$0x2] =	stream.indirect.gather [hbm4b:s4+s13], $0x80, s18, s13, $0xb8;
	[tilespmem:$0x12000] =	vst v63  }
0x1d: {  	s20 =	simm.s32 $0x100;
	s21 =	simm.s32 $0xA800  }
0x1e: {  	[tilespmem:s21], [sflag:$0x3] =	stream.indirect.gather [hbm4b:s1+s13], $0x80, s20, s13, $0xb8;
	[tilespmem:$0x12000] =	vst v63  }
0x1f: {  	s22 =	simm.s32 $0x4100;
	s23 =	simm.s32 $0xF800  }
0x20: {  	[tilespmem:s23], [sflag:$0x3] =	stream.indirect.gather [hbm4b:s4+s13], $0x80, s22, s13, $0xb8;
	[tilespmem:$0x12000] =	vst v63  }
0x21: {  	_ =	swait.ge [sflag:s24], $0x1400  }
0x22: {  	[sflag:s24] =	ssyncset.done $0x0  }
0x23: {  	[sflag:s24] =	ssyncadd.s32 $0xFFFFEC00  }
0x24: {  	p0 =	por $0x0, $0x0;
	_ =	swait.ge [sflag:s24], $0x1400  }
0x25: {  	p1 =	por @!p0 $0x1, $0x1;
	[sflag:s24] =	ssyncset.done $0x0  }
0x26: {  	s25 =	sadd.s32 s8, s9;
	p1 =	por p1, p0;
	[sflag:s24] =	ssyncadd.s32 $0xFFFFEC00  }
0x27: {  	[hbm4b:s25+s3] =	stream.linear.scatter [tilespmem:s14], [sflag:$0x5], $0x1400, $0x38;
	[tilespmem:$0x12000] =	vst v63  }
0x28: {  	s26 =	sadd.s32 s10, s9;
	s2 =	simm.s32 @!p1 $0x8  }
0x29: {  	[hbm4b:s26+s3] =	stream.linear.scatter [tilespmem:s15], [sflag:$0x5], $0x1400, $0x38;
	[tilespmem:$0x12000] =	vst v63  }
0x2a: {  	_ =	swait.ge @!p1 [sflag:s2], $0x1400  }
0x2b: {  	[sflag:s2] =	ssyncset.done @!p1 $0x0  }
0x2c: {  	[sflag:s2] =	ssyncadd.s32 @!p1 $0xFFFFEC00  }
0x2d: {  	_ =	swait.ge @!p1 [sflag:s2], $0x1400  }
0x2e: {  	s0 =	simm.s32 @!p0 $0xBC00;
	[sflag:s2] =	ssyncset.done @!p1 $0x0  }
0x2f: {  	s16 =	simm.s32 @!p0 $0x180;
	s17 =	simm.s32 @!p0 $0x28;
	[sflag:s2] =	ssyncadd.s32 @!p1 $0xFFFFEC00  }
0x30: {  	[tilespmem:s0], [sflag:$0x4] =	stream.indirect.gather @!p0 [hbm4b:s1+s17], $0x80, s16, s17, $0xb8;
	[tilespmem:$0x12000] =	vst v63  }
0x31: {  	s2 =	simm.s32 @!p0 $0x10C00;
	p1 =	por $0x0, $0x0;
	s16 =	simm.s32 @!p0 $0x4180  }
0x32: {  	[tilespmem:s2], [sflag:$0x4] =	stream.indirect.gather @!p0 [hbm4b:s4+s17], $0x80, s16, s17, $0xb8;
	[tilespmem:$0x12000] =	vst v63  }
0x33: {  	s16 =	simm.s32 @!p1 $0x2  }
0x34: {  	_ =	swait.ge @!p1 [sflag:s16], $0x1400  }
0x35: {  	[sflag:s16] =	ssyncset.done @!p1 $0x0  }
0x36: {  	[sflag:s16] =	ssyncadd.s32 @!p1 $0xFFFFEC00  }
0x37: {  	s18 =	sadd.s32 @!p1 s10, s9;
	_ =	swait.ge @!p1 [sflag:s16], $0x1400  }
0x38: {  	s20 =	simm.s32 @!p1 $0x0;
	s17 =	sadd.s32 @!p1 s8, s9;
	[sflag:s16] =	ssyncset.done @!p1 $0x0  }
0x39: {  	s21 =	simm.s32 @!p1 $0x9400;
	s19 =	sadd.s32 @!p1 $0x280, s17;
	[sflag:s16] =	ssyncadd.s32 @!p1 $0xFFFFEC00  }
0x3a: {  	[hbm4b:s19+s20] =	stream.linear.scatter @!p1 [tilespmem:s21], [sflag:$0x6], $0x1400, $0x38;
	[tilespmem:$0x12000] =	vst v63  }
0x3b: {  	s16 =	sadd.s32 @!p1 $0x280, s18;
	s19 =	simm.s32 @!p1 $0xE400;
	s21 =	simm.s32 @!p1 $0x5  }
0x3c: {  	[hbm4b:s16+s20] =	stream.linear.scatter @!p1 [tilespmem:s19], [sflag:$0x6], $0x1400, $0x38;
	[tilespmem:$0x12000] =	vst v63  }
0x3d: {  	_ =	swait.ge @!p1 [sflag:s21], $0x1400  }
0x3e: {  	[sflag:s21] =	ssyncset.done @!p1 $0x0  }
0x3f: {  	[sflag:s21] =	ssyncadd.s32 @!p1 $0xFFFFEC00  }
0x40: {  	_ =	swait.ge @!p1 [sflag:s21], $0x1400  }
0x41: {  	s22 =	simm.s32 @!p1 $0x8000;
	[sflag:s21] =	ssyncset.done @!p1 $0x0  }
0x42: {  	s16 =	simm.s32 @!p1 $0x200;
	s19 =	simm.s32 @!p1 $0x28;
	[sflag:s21] =	ssyncadd.s32 @!p1 $0xFFFFEC00  }
0x43: {  	[tilespmem:s22], [sflag:$0x1] =	stream.indirect.gather @!p1 [hbm4b:s1+s19], $0x80, s16, s19, $0xb8;
	[tilespmem:$0x12000] =	vst v63  }
0x44: {  	s21 =	simm.s32 @!p1 $0xD000;
	s16 =	simm.s32 @!p1 $0x4200;
	s22 =	simm.s32 @!p1 $0x3  }
0x45: {  	[tilespmem:s21], [sflag:$0x1] =	stream.indirect.gather @!p1 [hbm4b:s4+s19], $0x80, s16, s19, $0xb8;
	[tilespmem:$0x12000] =	vst v63  }
0x46: {  	_ =	swait.ge @!p1 [sflag:s22], $0x1400  }
0x47: {  	[sflag:s22] =	ssyncset.done @!p1 $0x0  }
0x48: {  	[sflag:s22] =	ssyncadd.s32 @!p1 $0xFFFFEC00  }
0x49: {  	p2 =	por @!p1 $0x0, $0x0;
	_ =	swait.ge @!p1 [sflag:s22], $0x1400  }
0x4a: {  	p2 =	por p2, p1;
	[sflag:s22] =	ssyncset.done @!p1 $0x0  }
0x4b: {  	s16 =	sadd.s32 @!p1 $0x500, s17;
	s17 =	simm.s32 @!p1 $0xA800;
	[sflag:s22] =	ssyncadd.s32 @!p1 $0xFFFFEC00  }
0x4c: {  	[hbm4b:s16+s20] =	stream.linear.scatter @!p1 [tilespmem:s17], [sflag:$0x7], $0x1400, $0x38;
	[tilespmem:$0x12000] =	vst v63  }
0x4d: {  	s16 =	sadd.s32 @!p1 $0x500, s18;
	s17 =	simm.s32 @!p1 $0xF800;
	s18 =	simm.s32 @!p2 $0x6  }
0x4e: {  	[hbm4b:s16+s20] =	stream.linear.scatter @!p1 [tilespmem:s17], [sflag:$0x7], $0x1400, $0x38;
	[tilespmem:$0x12000] =	vst v63  }
0x4f: {  	_ =	swait.ge @!p2 [sflag:s18], $0x1400  }
0x50: {  	[sflag:s18] =	ssyncset.done @!p2 $0x0  }
0x51: {  	[sflag:s18] =	ssyncadd.s32 @!p2 $0xFFFFEC00  }
0x52: {  	_ =	swait.ge @!p2 [sflag:s18], $0x1400  }
0x53: {  	s19 =	simm.s32 @!p2 $0x9400;
	[sflag:s18] =	ssyncset.done @!p2 $0x0  }
0x54: {  	s16 =	simm.s32 @!p2 $0x280;
	s17 =	simm.s32 @!p2 $0x28;
	[sflag:s18] =	ssyncadd.s32 @!p2 $0xFFFFEC00  }
0x55: {  	[tilespmem:s19], [sflag:$0x2] =	stream.indirect.gather @!p2 [hbm4b:s1+s17], $0x80, s16, s17, $0xb8;
	[tilespmem:$0x12000] =	vst v63  }
0x56: {  	s18 =	simm.s32 @!p2 $0xE400;
	s16 =	simm.s32 @!p2 $0x4280;
	s19 =	simm.s32 @!p0 $0x4  }
0x57: {  	[tilespmem:s18], [sflag:$0x2] =	stream.indirect.gather @!p2 [hbm4b:s4+s17], $0x80, s16, s17, $0xb8;
	[tilespmem:$0x12000] =	vst v63  }
0x58: {  	_ =	swait.ge @!p0 [sflag:s19], $0x1400  }
0x59: {  	[sflag:s19] =	ssyncset.done @!p0 $0x0  }
0x5a: {  	[sflag:s19] =	ssyncadd.s32 @!p0 $0xFFFFEC00  }
0x5b: {  	p1 =	por @!p0 $0x0, $0x0;
	s16 =	sadd.s32 @!p0 s8, s9;
	_ =	swait.ge @!p0 [sflag:s19], $0x1400  }
0x5c: {  	s17 =	sadd.s32 @!p0 s10, s9;
	s18 =	simm.s32 @!p0 $0x0;
	[sflag:s19] =	ssyncset.done @!p0 $0x0  }
0x5d: {  	p2 =	por p1, p0;
	s16 =	sadd.s32 @!p0 $0x780, s16;
	[sflag:s19] =	ssyncadd.s32 @!p0 $0xFFFFEC00  }
0x5e: {  	[hbm4b:s16+s18] =	stream.linear.scatter @!p0 [tilespmem:s0], [sflag:$0x8], $0x1400, $0x38;
	[tilespmem:$0x12000] =	vst v63  }
0x5f: {  	s20 =	simm.s32 @!p2 $0x7;
	s0 =	sadd.s32 @!p0 $0x780, s17  }
0x60: {  	[hbm4b:s0+s18] =	stream.linear.scatter @!p0 [tilespmem:s2], [sflag:$0x8], $0x1400, $0x38;
	[tilespmem:$0x12000] =	vst v63  }
0x61: {  	s31 =	simm.s32 $0x800;
	_ =	swait.ge @!p2 [sflag:s20], $0x1400  }
0x62: {  	s21 =	simm.s32 @!p2 $0x300;
	s22 =	simm.s32 @!p2 $0x28;
	[sflag:s20] =	ssyncset.done @!p2 $0x0  }
0x63: {  	s23 =	simm.s32 @!p2 $0xA800;
	s19 =	simm.s32 @!p2 $0x4300;
	[sflag:s20] =	ssyncadd.s32 @!p2 $0xFFFFEC00  }
0x64: {  	s16 =	simm.s32 $0x1;
	s17 =	sadd.s32 $0xA00, s8;
	_ =	swait.ge @!p2 [sflag:s20], $0x1400  }
0x65: {  	s0 =	sadd.s32 $0xA00, s10;
	s2 =	simm.s32 $0x7;
	[sflag:s20] =	ssyncset.done @!p2 $0x0  }
.LBB2_2:
0x66: {  	[sflag:s20] =	ssyncadd.s32 @!p2 $0xFFFFEC00  }
0x67: {  	s20 =	simm.s32 @!p2 $0xF800;
	s18 =	smov.u32 s31;
	s31 =	sadd.s32 $0x800, s31  }
0x68: {  	[tilespmem:s23], [sflag:$0x3] =	stream.indirect.gather @!p2 [hbm4b:s1+s22], $0x80, s21, s22, $0xb8;
	[tilespmem:$0x12000] =	vst v63  }
0x69: {  	p0 =	sne.s32 s31, $0x10000  }
0x6a: {  	[tilespmem:s20], [sflag:$0x3] =	stream.indirect.gather @!p2 [hbm4b:s4+s22], $0x80, s19, s22, $0xb8;
	[tilespmem:$0x12000] =	vst v63  }
0x6b: {  	_ =	swait.ge [sflag:s24], $0x1400  }
0x6c: {  	[sflag:s24] =	ssyncset.done $0x0  }
0x6d: {  	[sflag:s24] =	ssyncadd.s32 $0xFFFFEC00  }
0x6e: {  	p1 =	sgt.u32 s2, $0x7C;
	s19 =	sadd.s32 s17, s9;
	_ =	swait.ge [sflag:s24], $0x1400  }
0x6f: {  	p2 =	seq.s32 @!p1 s18, $0x0;
	s20 =	sshra.s32 @!p1 s18, $0x2;
	[sflag:s24] =	ssyncset.done $0x0  }
0x70: {  	p3 =	por p2, p1;
	s21 =	sadd.s32 @!p1 $0x180, s20;
	[sflag:s24] =	ssyncadd.s32 $0xFFFFEC00  }
0x71: {  	[hbm4b:s19+s3] =	stream.linear.scatter [tilespmem:s14], [sflag:$0x5], $0x1400, $0x38;
	[tilespmem:$0x12000] =	vst v63  }
0x72: {  	s23 =	sadd.s32 @!p1 $0x4180, s20;
	s22 =	simm.s32 @!p3 $0x8;
	s19 =	sadd.s32 s0, s9  }
0x73: {  	[hbm4b:s19+s3] =	stream.linear.scatter [tilespmem:s15], [sflag:$0x5], $0x1400, $0x38;
	[tilespmem:$0x12000] =	vst v63  }
0x74: {  	s5 =	sadd.s32 @!p1 s0, s9;
	s19 =	sadd.s32 @!p1 s17, s9;
	_ =	swait.ge @!p3 [sflag:s22], $0x1400  }
0x75: {  	s20 =	sadd.s32 @!p1 $0x780, s19;
	s19 =	sadd.s32 @!p1 $0x780, s5;
	[sflag:s22] =	ssyncset.done @!p3 $0x0  }
0x76: {  	p2 =	sgt.u32 @!p1 s16, $0x1D;
	[sflag:s22] =	ssyncadd.s32 @!p3 $0xFFFFEC00  }
0x77: {  	_ =	swait.ge @!p3 [sflag:s22], $0x1400  }
0x78: {  	s5 =	sadd.s32 $0xFFFFFFFE, s2;
	[sflag:s22] =	ssyncset.done @!p3 $0x0  }
0x79: {  	s12 =	simm.s32 @!p1 $0x28;
	[sflag:s22] =	ssyncadd.s32 @!p3 $0xFFFFEC00;
	s22 =	simm.s32 @!p1 $0xBC00  }
0x7a: {  	[tilespmem:s22], [sflag:$0x4] =	stream.indirect.gather @!p1 [hbm4b:s1+s12], $0x80, s21, s12, $0xb8;
	[tilespmem:$0x12000] =	vst v63  }
0x7b: {  	p3 =	sgt.u32 s5, $0x7C;
	s21 =	simm.s32 @!p1 $0x10C00  }
0x7c: {  	[tilespmem:s21], [sflag:$0x4] =	stream.indirect.gather @!p1 [hbm4b:s4+s12], $0x80, s23, s12, $0xb8;
	[tilespmem:$0x12000] =	vst v63  }
0x7d: {  	s5 =	simm.s32 @!p3 $0x2;
	s12 =	sadd.s32 @!p3 s17, s9;
	s23 =	sadd.s32 @!p3 s0, s9  }
0x7e: {  	s6 =	sadd.s32 @!p3 $0x280, s12;
	s7 =	sadd.s32 @!p3 $0x280, s23;
	_ =	swait.ge @!p3 [sflag:s5], $0x1400  }
0x7f: {  	s11 =	sshra.s32 @!p3 s18, $0x2;
	s12 =	sadd.s32 @!p3 $0x500, s12;
	[sflag:s5] =	ssyncset.done @!p3 $0x0  }
0x80: {  	s13 =	sadd.s32 @!p3 $0x200, s11;
	s11 =	sadd.s32 @!p3 $0x4200, s11;
	[sflag:s5] =	ssyncadd.s32 @!p3 $0xFFFFEC00  }
0x81: {  	p4 =	sgt.u32 @!p3 s16, $0x1D;
	s23 =	sadd.s32 @!p3 $0x500, s23;
	_ =	swait.ge @!p3 [sflag:s5], $0x1400  }
0x82: {  	s25 =	simm.s32 @!p3 $0x0;
	s26 =	simm.s32 @!p3 $0x9400;
	[sflag:s5] =	ssyncset.done @!p3 $0x0  }
0x83: {  	[sflag:s5] =	ssyncadd.s32 @!p3 $0xFFFFEC00;
	s5 =	simm.s32 @!p3 $0xE400  }
0x84: {  	[hbm4b:s6+s25] =	stream.linear.scatter @!p3 [tilespmem:s26], [sflag:$0x6], $0x1400, $0x38;
	[tilespmem:$0x12000] =	vst v63  }
0x85: {  	s6 =	simm.s32 @!p3 $0x5  }
0x86: {  	[hbm4b:s7+s25] =	stream.linear.scatter @!p3 [tilespmem:s5], [sflag:$0x6], $0x1400, $0x38;
	[tilespmem:$0x12000] =	vst v63  }
0x87: {  	_ =	swait.ge @!p3 [sflag:s6], $0x1400  }
0x88: {  	[sflag:s6] =	ssyncset.done @!p3 $0x0  }
0x89: {  	[sflag:s6] =	ssyncadd.s32 @!p3 $0xFFFFEC00  }
0x8a: {  	_ =	swait.ge @!p3 [sflag:s6], $0x1400  }
0x8b: {  	s5 =	simm.s32 @!p3 $0x28;
	s7 =	simm.s32 @!p3 $0x8000;
	[sflag:s6] =	ssyncset.done @!p3 $0x0  }
0x8c: {  	[sflag:s6] =	ssyncadd.s32 @!p3 $0xFFFFEC00;
	s6 =	simm.s32 @!p3 $0xD000  }
0x8d: {  	[tilespmem:s7], [sflag:$0x1] =	stream.indirect.gather @!p3 [hbm4b:s1+s5], $0x80, s13, s5, $0xb8;
	[tilespmem:$0x12000] =	vst v63  }
0x8e: {  	s7 =	simm.s32 @!p3 $0x3  }
0x8f: {  	[tilespmem:s6], [sflag:$0x1] =	stream.indirect.gather @!p3 [hbm4b:s4+s5], $0x80, s11, s5, $0xb8;
	[tilespmem:$0x12000] =	vst v63  }
0x90: {  	_ =	swait.ge @!p3 [sflag:s7], $0x1400  }
0x91: {  	[sflag:s7] =	ssyncset.done @!p3 $0x0  }
0x92: {  	[sflag:s7] =	ssyncadd.s32 @!p3 $0xFFFFEC00  }
0x93: {  	_ =	swait.ge @!p3 [sflag:s7], $0x1400  }
0x94: {  	s5 =	simm.s32 @!p3 $0xA800;
	[sflag:s7] =	ssyncset.done @!p3 $0x0  }
0x95: {  	p4 =	por p4, p3;
	s6 =	simm.s32 @!p3 $0xF800;
	[sflag:s7] =	ssyncadd.s32 @!p3 $0xFFFFEC00  }
0x96: {  	[hbm4b:s12+s25] =	stream.linear.scatter @!p3 [tilespmem:s5], [sflag:$0x7], $0x1400, $0x38;
	[tilespmem:$0x12000] =	vst v63  }
0x97: {  	s7 =	sshra.s32 @!p4 s18, $0x2;
	s5 =	simm.s32 @!p4 $0x6  }
0x98: {  	[hbm4b:s23+s25] =	stream.linear.scatter @!p3 [tilespmem:s6], [sflag:$0x7], $0x1400, $0x38;
	[tilespmem:$0x12000] =	vst v63  }
0x99: {  	s6 =	sadd.s32 @!p4 $0x280, s7;
	s7 =	sadd.s32 @!p4 $0x4280, s7;
	_ =	swait.ge @!p4 [sflag:s5], $0x1400  }
0x9a: {  	[sflag:s5] =	ssyncset.done @!p4 $0x0  }
0x9b: {  	[sflag:s5] =	ssyncadd.s32 @!p4 $0xFFFFEC00  }
0x9c: {  	_ =	swait.ge @!p4 [sflag:s5], $0x1400  }
0x9d: {  	s11 =	simm.s32 @!p4 $0x28;
	s12 =	simm.s32 @!p4 $0x9400;
	[sflag:s5] =	ssyncset.done @!p4 $0x0  }
0x9e: {  	[sflag:s5] =	ssyncadd.s32 @!p4 $0xFFFFEC00;
	s5 =	simm.s32 @!p4 $0xE400  }
0x9f: {  	[tilespmem:s12], [sflag:$0x2] =	stream.indirect.gather @!p4 [hbm4b:s1+s11], $0x80, s6, s11, $0xb8;
	[tilespmem:$0x12000] =	vst v63  }
0xa0: {  	s6 =	simm.s32 @!p1 $0x4  }
0xa1: {  	[tilespmem:s5], [sflag:$0x2] =	stream.indirect.gather @!p4 [hbm4b:s4+s11], $0x80, s7, s11, $0xb8;
	[tilespmem:$0x12000] =	vst v63  }
0xa2: {  	_ =	swait.ge @!p1 [sflag:s6], $0x1400  }
0xa3: {  	[sflag:s6] =	ssyncset.done @!p1 $0x0  }
0xa4: {  	[sflag:s6] =	ssyncadd.s32 @!p1 $0xFFFFEC00  }
0xa5: {  	_ =	swait.ge @!p1 [sflag:s6], $0x1400  }
0xa6: {  	s5 =	simm.s32 @!p1 $0x0;
	[sflag:s6] =	ssyncset.done @!p1 $0x0  }
0xa7: {  	p2 =	por p2, p1;
	[sflag:s6] =	ssyncadd.s32 @!p1 $0xFFFFEC00  }
0xa8: {  	[hbm4b:s20+s5] =	stream.linear.scatter @!p1 [tilespmem:s22], [sflag:$0x8], $0x1400, $0x38;
	[tilespmem:$0x12000] =	vst v63  }
0xa9: {  	s6 =	sshra.s32 @!p2 s18, $0x2;
	s20 =	simm.s32 @!p2 $0x7  }
0xaa: {  	[hbm4b:s19+s5] =	stream.linear.scatter @!p1 [tilespmem:s21], [sflag:$0x8], $0x1400, $0x38;
	[tilespmem:$0x12000] =	vst v63  }
0xab: {  	s21 =	sadd.s32 @!p2 $0x300, s6  }
.Ltmp0:
0xac: {  	s19 =	sadd.s32 @!p2 $0x4300, s6;
	_ =	swait.ge @!p2 [sflag:s20], $0x1400;
	(pc) =	sbr.rel @p0 .LBB2_2-.Ltmp0, $4  }
0xad: {  	[sflag:s20] =	ssyncset.done @!p2 $0x0  }
0xae: {  	s2 =	sadd.s32 $0x4, s2;
	s0 =	sadd.s32 $0xA00, s0;
	[sflag:s20] =	ssyncadd.s32 @!p2 $0xFFFFEC00  }
0xaf: {  	s16 =	sadd.s32 $0x1, s16;
	s17 =	sadd.s32 $0xA00, s17;
	_ =	swait.ge @!p2 [sflag:s20], $0x1400  }
0xb0: {  	s23 =	simm.s32 @!p2 $0xA800;
	s22 =	simm.s32 @!p2 $0x28;
	[sflag:s20] =	ssyncset.done @!p2 $0x0  }
0xb1: {  	[sflag:s20] =	ssyncadd.s32 @!p2 $0xFFFFEC00  }
0xb2: {  	[tilespmem:s23], [sflag:$0x3] =	stream.indirect.gather @!p2 [hbm4b:s1+s22], $0x80, s21, s22, $0xb8;
	[tilespmem:$0x12000] =	vst v63  }
0xb3: {  	s0 =	simm.s32 @!p2 $0xF800;
	s25 =	simm.s32 $0x5  }
0xb4: {  	[tilespmem:s0], [sflag:$0x3] =	stream.indirect.gather @!p2 [hbm4b:s4+s22], $0x80, s19, s22, $0xb8;
	[tilespmem:$0x12000] =	vst v63  }
0xb5: {  	_ =	swait.ge [sflag:s25], $0x1400  }
0xb6: {  	[sflag:s25] =	ssyncset.done $0x0  }
0xb7: {  	[sflag:s25] =	ssyncadd.s32 $0xFFFFEC00  }
0xb8: {  	_ =	swait.ge [sflag:s25], $0x1400  }
0xb9: {  	[sflag:s25] =	ssyncset.done $0x0  }
0xba: {  	s26 =	simm.s32 $0x6;
	[sflag:s25] =	ssyncadd.s32 $0xFFFFEC00  }
0xbb: {  	_ =	swait.ge [sflag:s26], $0x1400  }
0xbc: {  	[sflag:s26] =	ssyncset.done $0x0  }
0xbd: {  	[sflag:s26] =	ssyncadd.s32 $0xFFFFEC00  }
0xbe: {  	_ =	swait.ge [sflag:s26], $0x1400  }
0xbf: {  	[sflag:s26] =	ssyncset.done $0x0  }
0xc0: {  	[sflag:s26] =	ssyncadd.s32 $0xFFFFEC00  }
0xc1: {  	_ =	swait.ge [sflag:s28], $0x1400  }
0xc2: {  	[sflag:s28] =	ssyncset.done $0x0  }
0xc3: {  	[sflag:s28] =	ssyncadd.s32 $0xFFFFEC00  }
0xc4: {  	_ =	swait.ge [sflag:s28], $0x1400  }
0xc5: {  	[sflag:s28] =	ssyncset.done $0x0  }
0xc6: {  	[sflag:s28] =	ssyncadd.s32 $0xFFFFEC00  }
0xc7: {  	_ =	swait.ge [sflag:s29], $0x1400  }
0xc8: {  	[sflag:s29] =	ssyncset.done $0x0  }
0xc9: {  	[sflag:s29] =	ssyncadd.s32 $0xFFFFEC00  }
0xca: {  	_ =	swait.ge [sflag:s29], $0x1400  }
0xcb: {  	s30 =	sadd.s32 $0x1, s30;
	s31 =	rddreg [dreg:$0x5]  }
0xcc: {  	p0 =	sne.s32 s30, s31  }
.Ltmp1:
0xcd: {  	_ = 	snop;
	(pc) =	sbr.rel @p0 .LBB2_1-.Ltmp1, $3  }
0xce: {  	_ =	sdelay $0x1  }
0xcf: {  	[sflag:s29] =	ssyncset.done $0x0  }
0xd0: {  	[sflag:s29] =	ssyncadd.s32 $0xFFFFEC00  }
0xd1: {  	_ =	sfence.sel $0x180000  }
0xd2: {  	[bflag:$0x0] =	sbarrier.arrive $0xFFFF  }
0xd3: {  	_ =	strace $0x9000004A  }
0xd4: {  	s0 =	stileid.u32;
	[bflag:$0x2] =	sbarrier.arrive $0xFFFF  }
0xd5: {  	p0 =	sne.s32 s0, $0x0;
	s0 =	rddreg [dreg:$0x2]  }
0xd6: {  	s0 =	sadd.s32 @!p0 $0x100000, s0  }
0xd7: {  	[sflag:s0] =	ssyncadd.tile.s32 @!p0 $0x1;
	_ =	shalt  }
.Lfunc_end2:
_tile_overlayer_lowered:
.L_overlay_start_2:
0xd8: {  	(tag) =	ssettag $0x2  }
0xd9: {  	s0 =	rddreg [dreg:$0x0];
	s2 =	stileid.u32  }
0xda: {  	s1 =	rddreg [dreg:$0x1];
	p0 =	sne.s32 s2, $0x0  }
0xdb: {  	s3 =	rddreg [dreg:$0x2];
	[bflag:$0x3] =	sbarrier.arrive $0xFFFF;
	s2 =	simm.s32 @!p0 $0x1C09  }
0xdc: {  	[timem:s3], [sflag:s2] =	dma.local @!p0 [hbm:s0], s1  }
0xdd: {  	s0 =	simm.s32 @!p0 $0x9  }
0xde: {  	_ =	swait.ge @!p0 [sflag:s0], s1  }
0xdf: {  	s1 =	ssub.s32 @!p0 $0x0, s1;
	[sflag:s0] =	ssyncset.done @!p0 $0x0  }
0xe0: {  	[sflag:s0] =	ssyncadd.s32 @!p0 s1  }
0xe1: {  	[bflag:$0x3] =	sbarrier.arrive $0xFFFF  }
0xe2: {  	_ =	shalt  }

// kernel: kernel.15.cloned.1.call-start
scs
__scs_entry_jumppad:
0x0: {  	(pc) =	sbr.rel $0x88, $3  }
0x1: {  	(tag) =	ssettag $0x0;
	lr =	simm.s32 $0x1  }
0x2: {  	[smem:$0x3F98] =	sst lr;
	_ =	strace $0xD0000000  }
0x3: {  	_ = 	snop  }
0x4: {  	_ = 	snop  }
0x5: {  	_ = 	snop  }
0x6: {  	_ = 	snop  }
0x7: {  	_ = 	snop  }
__scs_overlays_trampoline_lowered:
0x8: {  	[smem:$0x3FA7] =	sst s0  }
0x9: {  	[smem:$0x3FA8] =	sst s1  }
0xa: {  	[smem:$0x3FA9] =	sst s2  }
0xb: {  	[smem:$0x3FAA] =	sst s3  }
0xc: {  	[smem:$0x3FAB] =	sst s4  }
0xd: {  	[smem:$0x3FAC] =	sst s5  }
0xe: {  	[smem:$0x3FAD] =	sst s6  }
0xf: {  	[smem:$0x3FAE] =	sst s7  }
0x10: {  	[smem:$0x3FAF] =	sst s8  }
0x11: {  	[smem:$0x3FB0] =	sst s9;
	s0 =	simm.s32 @!p0 $0x0  }
0x12: {  	s1 =	sld [smem:$0x3F96];
	s0 =	simm.s32 @p0 $0x1  }
0x13: {  	[smem:$0x3FB1] =	sst s0;
	s0 =	simm.s32 @!p1 $0x0  }
0x14: {  	s2 =	sld [smem:$0x3F95];
	s0 =	simm.s32 @p1 $0x1  }
0x15: {  	[smem:$0x3FB2] =	sst s0;
	s0 =	simm.s32 @!p2 $0x0  }
0x16: {  	s3 =	sld [smem:$0x3FDB];
	s0 =	simm.s32 @p2 $0x1  }
0x17: {  	s4 =	simm.s32 $0x1BF5;
	[smem:$0x3FB4] =	sst s0  }
0x18: {  	s0 =	sld [smem:$0x3F97];
	_ =	swait.ge [sflag:s4], $0x0  }
0x19: {  	s7 =	sld [smem:$0x3F98]  }
0x1a: {  	s8 =	sadd.s32 $0xFFFFE003, lr  }
0x1b: {  	s9 =	sadd.s32 $0xFFFFFEF7, lr;
	s5 =	simm.s32 $0xFFFFFFFF;
	p2 =	slt.u32 s8, $0xFFFFF086  }
0x1c: {  	p1 =	slt.u32 s9, $0xF7A;
	s5 =	simm.s32 @!p2 $0x0  }
0x1d: {  	s5 =	simm.s32 @p1 $0x1;
	p0 =	seq.s32 s7, s2  }
0x1e: {  	s7 =	smul.u32 @!p0 $0xF7A, s2;
	p2 =	seq.s32 @!p0 s5, $0x0  }
0x1f: {  	s9 =	smul.u32 $0xF7A, s1;
	s8 =	simm.s32 @!p0 $0x1BF5;
	p2 =	por !p2, p0  }
0x20: {  	[sflag:s8] =	ssyncset.s32 @!p0 $0xFFFFF086;
	s6 =	sadd.s32 @!p0 s3, s7;
	s7 =	simm.s32 @!p0 $0x108  }
0x21: {  	s3 =	sadd.s32 s3, s9;
	s6 =	sadd.s32 @!p0 $0x88, s6;
	s7 =	simm.s32 @p2 $0x1082  }
0x22: {  	[simem:s7], [sflag:s8] =	dma.local @!p0 [hbm:s6], $0xF7A  }
0x23: {  	s9 =	sor.u32 $0xD0000000, s2;
	s6 =	simm.s32 $0x108;
	_ =	swait.ge @!p0 [sflag:s8], $0x0  }
0x24: {  	s3 =	sadd.s32 $0x88, s3;
	s6 =	simm.s32 @!p1 $0x1082;
	[sflag:s4] =	ssyncset.s32 $0xFFFFF086  }
0x25: {  	[simem:s6], [sflag:s4] =	dma.local [hbm:s3], $0xF7A  }
0x26: {  	[smem:$0x3F98] =	sst s1;
	(tag) =	ssettag s2;
	_ =	strace s9  }
0x27: {  	s1 =	sld [smem:$0x3FA8]  }
0x28: {  	s2 =	sld [smem:$0x3FA9]  }
0x29: {  	s4 =	sld [smem:$0x3FAB]  }
0x2a: {  	p0 =	seq.s32 s5, $0x0;
	s5 =	sld [smem:$0x3FAC]  }
0x2b: {  	s6 =	sld [smem:$0x3FAD]  }
0x2c: {  	s7 =	sld [smem:$0x3FAE]  }
0x2d: {  	s3 =	simm.s32 $0x108;
	s8 =	sld [smem:$0x3FAF]  }
0x2e: {  	s3 =	simm.s32 @!p0 $0x1082;
	s9 =	sld [smem:$0x3FB0]  }
0x2f: {  	lr =	sadd.s32 s0, s3;
	s0 =	sld [smem:$0x3FA7]  }
0x30: {  	s3 =	sld [smem:$0x3FAA]  }
0x31: {  	[smem:$0x3FB3] =	sst s10  }
0x32: {  	s10 =	sld [smem:$0x3FB1];
	_ =	sdelay $0x3  }
0x33: {  	p0 =	seq.s32 s10, $0x1;
	s10 =	sld [smem:$0x3FB3];
	_ =	sdelay $0x3  }
0x34: {  	[smem:$0x3FB3] =	sst s10  }
0x35: {  	s10 =	sld [smem:$0x3FB2];
	_ =	sdelay $0x3  }
0x36: {  	p1 =	seq.s32 s10, $0x1;
	s10 =	sld [smem:$0x3FB3];
	_ =	sdelay $0x3  }
0x37: {  	[smem:$0x3FB3] =	sst s10  }
0x38: {  	s10 =	sld [smem:$0x3FB4]  }
0x39: {  	_ = 	snop;
	(pc) =	sbr.ind lr, $3  }
0x3a: {  	_ = 	snop  }
0x3b: {  	_ = 	snop  }
0x3c: {  	p2 =	seq.s32 s10, $0x1;
	s10 =	sld [smem:$0x3FB3]  }
0x3d: {  	_ =	shalt  }
0x3e: {  	_ =	shalt  }
0x3f: {  	_ =	shalt  }
0x40: {  	_ =	shalt  }
0x41: {  	_ =	shalt  }
0x42: {  	_ =	shalt  }
0x43: {  	_ =	shalt  }
0x44: {  	_ =	shalt  }
0x45: {  	_ =	shalt  }
0x46: {  	_ =	shalt  }
0x47: {  	_ =	shalt  }
0x48: {  	_ =	shalt  }
0x49: {  	_ =	shalt  }
0x4a: {  	_ =	shalt  }
0x4b: {  	_ =	shalt  }
0x4c: {  	_ =	shalt  }
0x4d: {  	_ =	shalt  }
0x4e: {  	_ =	shalt  }
0x4f: {  	_ =	shalt  }
0x50: {  	_ =	shalt  }
0x51: {  	_ =	shalt  }
0x52: {  	_ =	shalt  }
0x53: {  	_ =	shalt  }
0x54: {  	_ =	shalt  }
0x55: {  	_ =	shalt  }
0x56: {  	_ =	shalt  }
0x57: {  	_ =	shalt  }
0x58: {  	_ =	shalt  }
0x59: {  	_ =	shalt  }
0x5a: {  	_ =	shalt  }
0x5b: {  	_ =	shalt  }
0x5c: {  	_ =	shalt  }
0x5d: {  	_ =	shalt  }
0x5e: {  	_ =	shalt  }
0x5f: {  	_ =	shalt  }
0x60: {  	_ =	shalt  }
0x61: {  	_ =	shalt  }
0x62: {  	_ =	shalt  }
0x63: {  	_ =	shalt  }
0x64: {  	_ =	shalt  }
0x65: {  	_ =	shalt  }
0x66: {  	_ =	shalt  }
0x67: {  	_ =	shalt  }
0x68: {  	_ =	shalt  }
0x69: {  	_ =	shalt  }
0x6a: {  	_ =	shalt  }
0x6b: {  	_ =	shalt  }
0x6c: {  	_ =	shalt  }
0x6d: {  	_ =	shalt  }
0x6e: {  	_ =	shalt  }
0x6f: {  	_ =	shalt  }
0x70: {  	_ =	shalt  }
0x71: {  	_ =	shalt  }
0x72: {  	_ =	shalt  }
0x73: {  	_ =	shalt  }
0x74: {  	_ =	shalt  }
0x75: {  	_ =	shalt  }
0x76: {  	_ =	shalt  }
0x77: {  	_ =	shalt  }
0x78: {  	_ =	shalt  }
0x79: {  	_ =	shalt  }
0x7a: {  	_ =	shalt  }
0x7b: {  	_ =	shalt  }
0x7c: {  	_ =	shalt  }
0x7d: {  	_ =	shalt  }
0x7e: {  	_ =	shalt  }
0x7f: {  	_ =	shalt  }
0x80: {  	_ =	shalt  }
0x81: {  	_ =	shalt  }
0x82: {  	_ =	shalt  }
0x83: {  	_ =	shalt  }
0x84: {  	_ =	shalt  }
0x85: {  	_ =	shalt  }
0x86: {  	_ =	shalt  }
0x87: {  	_ =	shalt  }
.Lfunc_end0:
.L_simem_size_0:
called_computation.1_lowered:
.L_overlay_start_0:
0x88: {  	s2 =	sld [smem:$0x3FD9]  }
0x89: {  	s3 =	sld [smem:$0x3FFE];
	_ =	sdelay $0x1  }
0x8a: {  	s1 =	srdreg.scid  }
0x8b: {  	s0 =	sand.u32 $0x1, s1  }
0x8c: {  	s17 =	sshll.u32 s0, $0xA;
	s2 =	sadd.s32 s3, s2  }
0x8d: {  	s2 =	sadd.s32 s2, s17  }
0x8e: {  	[smem:$0x3FBF] =	sst s2  }
0x8f: {  	_ = 	snop  }
0x90: {  	s2 =	sld [smem:$0x3FD0];
	(tm) =	ssettm $0x1  }
0x91: {  	s18 =	sld [smem:$0x3FFB];
	_ =	sdelay $0x3  }
0x92: {  	_ =	strace s18  }
0x93: {  	s3 =	sld [smem:$0x3FFC];
	_ =	sdelay $0x3  }
0x94: {  	_ =	strace s3  }
0x95: {  	s3 =	sld [smem:$0x3FFD];
	_ =	sdelay $0x3  }
0x96: {  	_ =	strace s3  }
0x97: {  	_ =	strace $0x8FFFFFFF  }
0x98: {  	s19 =	sld [smem:$0x3FDB];
	_ =	sdelay $0x1  }
0x99: {  	s4 =	simm.s32 $_scs_section_size  }
0x9a: {  	s5 =	simm.s32 $_size__tile_overlayer_lowered;
	s6 =	simm.s32 $_tile_overlayer_lowered  }
0x9b: {  	s22 =	simm.s32 $0x1BFF;
	s21 =	sshll.u32 s6, $0x1;
	s3 =	sadd.s32 s4, s19  }
0x9c: {  	s7 =	simm.s32 $0x0;
	s20 =	sshll.u32 s5, $0x1;
	s5 =	sadd.s32 s21, s3  }
0x9d: {  	[timem:s7], [sflag:s22] =	dma.local [hbm:s5], s20  }
0x9e: {  	_ =	swait.ge [sflag:s22], s20  }
0x9f: {  	s4 =	ssub.s32 $0x0, s20;
	[sflag:s22] =	ssyncset.done $0x0  }
0xa0: {  	[sflag:s22] =	ssyncadd.s32 s4;
	_ =	sdelay $0x1  }
0xa1: {  	s23 =	simm.s32 $0x1B8B  }
0xa2: {  	_ =	swait.ge [sflag:s23], $0x1  }
0xa3: {  	[sflag:s23] =	ssyncset.done $0x0  }
0xa4: {  	s25 =	simm.s32 $0x1B8E;
	s24 =	sld [smem:$0x3FFE];
	[sflag:s23] =	ssyncadd.s32 $0xFFFFFFFF  }
0xa5: {  	s26 =	simm.s32 $execute0_lowered;
	[smem:$0x3FD2] =	sst s25  }
0xa6: {  	s5 =	sshll.u32 s26, $0x1;
	_ =	strace $0x80000046;
	[dreg:$0x1] =	wrdreg $0xFFFFFFFF  }
0xa7: {  	s28 =	simm.s32 $_size_execute0_lowered;
	s3 =	sadd.s32 s3, s5;
	[dreg:$0x0] =	wrdreg $0x0  }
0xa8: {  	s5 =	sshll.u32 s28, $0x1;
	[dreg:$0x2] =	wrdreg s3  }
0xa9: {  	[dreg:$0x3] =	wrdreg s5  }
0xaa: {  	[dreg:$0x4] =	wrdreg $0xC0  }
0xab: {  	_ =	task [dreg:s7], $0x5FFFF  }
0xac: {  	[dreg:$0x1] =	wrdreg $0xFFFFFFFF  }
0xad: {  	[dreg:$0x0] =	wrdreg $0x60  }
0xae: {  	[dreg:$0x2] =	wrdreg s2  }
0xaf: {  	[dreg:$0x3] =	wrdreg s24  }
0xb0: {  	[dreg:$0x4] =	wrdreg $0xA  }
0xb1: {  	_ =	task.clear_ibuf [dreg:s7], $0x5FFFF;
	_ =	strace $0x90000046  }
0xb2: {  	s29 =	simm.s32 $0xA;
	_ =	strace $0x80000048  }
0xb3: {  	_ =	swait.ge [sflag:s29], $0x1  }
0xb4: {  	[sflag:s29] =	ssyncadd.s32 $0xFFFFFFFF  }
0xb5: {  	_ =	strace $0x90000048  }
0xb6: {  	_ =	sfence  }
0xb7: {  	s30 =	sld [smem:$0x0];
	_ =	sdelay $0x2  }
0xb8: {  	s31 =	sshll.u32 s1, $0xD;
	s1 =	sshrl.u32 s1, $0x2  }
0xb9: {  	s3 =	sand.u32 $0x4000, s31;
	s1 =	sadd.s32 s1, s30  }
0xba: {  	s0 =	sor.u32 s3, s0;
	s1 =	sshll.u32 s1, $0x11  }
0xbb: {  	s0 =	sor.u32 s1, s0  }
0xbc: {  	s0 =	sadd.s32 $0x8F2B, s0  }
0xbd: {  	[sflag:s0] =	ssyncadd.remote.s32 $0x1  }
0xbe: {  	_ =	sfence.sel $0xFFFF  }
0xbf: {  	[dreg:$0x0] =	wrdreg $0xFFFFFFFF;
	(pc) =	sbr.abs _section_cstart, $3  }
0xc0: {  	[dreg:$0x1] =	wrdreg $0xFFFFFFFF  }
0xc1: {  	_ =	task.clear_ibuf [dreg:s7], $0x2FFFF;
	_ =	strace $0x9FFFFFFF  }
0xc2: {  	(tm) =	ssettm $0x7FFFFFFF  }
0xc3: {  	_ =	shalt  }
tec
execute0_lowered:
.L_overlay_start_1:
0x0: {  	(tag) =	ssettag $0x1  }
0x1: {  	s1 =	rddreg [dreg:$0x0]  }
0x2: {  	s0 =	rddreg [dreg:$0x1];
	s3 =	simm.s32 $0x0  }
0x3: {  	s2 =	srdreg.scid;
	s6 =	stileid.u32;
	s14 =	simm.s32 $0x8000  }
0x4: {  	s15 =	simm.s32 $0xD000;
	s28 =	simm.s32 $0x7;
	s29 =	simm.s32 $0x8  }
0x5: {  	s30 =	simm.s32 $0x0;
	[smem:$0x7FF] =	sst s3;
	s2 =	sand.u32 $0x1, s2  }
0x6: {  	s4 =	sshll.u32 s6, $0xC;
	s6 =	smul.u32 $0x27100, s6;
	s5 =	sshll.u32 s2, $0xB  }
0x7: {  	_ =	strace $0x80000047;
	s7 =	ssub.s32 $0x2, s2;
	s5 =	sor.u32 s5, s4  }
0x8: {  	s4 =	sadd.s32 $0x24200, s0;
	s24 =	sshrl.u32 s7, $0x1;
	s8 =	sadd.s32 s5, s0  }
0x9: {  	s0 =	sadd.s32 s6, s0;
	s7 =	ssub.s32 s7, s24;
	s25 =	sadd.s32 $0x4200, s8  }
0xa: {  	s24 =	simm.s32 $0x1;
	s26 =	sadd.s32 $0x14200, s8;
	[dreg:$0x3] =	wrdreg s25  }
0xb: {  	s31 =	smax.u32 s7, $0x1;
	s8 =	smul.u32 $0x13880, s2;
	[dreg:$0x4] =	wrdreg s26  }
0xc: {  	s9 =	sadd.s32 $0x4B400, s0;
	s10 =	sadd.s32 $0x2BC400, s0;
	[dreg:$0x5] =	wrdreg s31  }
.LBB2_1:
0xd: {  	s0 =	rddreg [dreg:$0x3];
	s2 =	simm.s32 $0x9  }
0xe: {  	[tilespmem:s3], [sflag:$0x9] =	stream.linear.gather [hbm4b:s0+s3], $0x3E80, $0x38;
	[tilespmem:$0x12000] =	vst v63  }
0xf: {  	_ =	swait.ge [sflag:s2], $0x3E80  }
0x10: {  	[sflag:s2] =	ssyncset.done $0x0  }
0x11: {  	s5 =	simm.s32 $0x4000;
	s12 =	rddreg [dreg:$0x4];
	[sflag:s2] =	ssyncadd.s32 $0xFFFFC180  }
0x12: {  	[tilespmem:s5], [sflag:$0x9] =	stream.linear.gather [hbm4b:s12+s3], $0x3E80, $0x38;
	[tilespmem:$0x12000] =	vst v63  }
0x13: {  	_ =	swait.ge [sflag:s2], $0x3E80  }
0x14: {  	[sflag:s2] =	ssyncset.done $0x0  }
0x15: {  	s13 =	simm.s32 $0x28;
	[sflag:s2] =	ssyncadd.s32 $0xFFFFC180  }
0x16: {  	[tilespmem:s14], [sflag:$0x1] =	stream.indirect.gather [hbm4b:s1+s13], $0x80, s3, s13, $0xb8;
	[tilespmem:$0x12000] =	vst v63  }
0x17: {  	_ = 	snop  }
0x18: {  	[tilespmem:s15], [sflag:$0x1] =	stream.indirect.gather [hbm4b:s4+s13], $0x80, s5, s13, $0xb8;
	[tilespmem:$0x12000] =	vst v63  }
0x19: {  	s16 =	simm.s32 $0x80;
	s17 =	simm.s32 $0x9400  }
0x1a: {  	[tilespmem:s17], [sflag:$0x2] =	stream.indirect.gather [hbm4b:s1+s13], $0x80, s16, s13, $0xb8;
	[tilespmem:$0x12000] =	vst v63  }
0x1b: {  	s18 =	simm.s32 $0x4080;
	s19 =	simm.s32 $0xE400  }
0x1c: {  	[tilespmem:s19], [sflag:$0x2] =	stream.indirect.gather [hbm4b:s4+s13], $0x80, s18, s13, $0xb8;
	[tilespmem:$0x12000] =	vst v63  }
0x1d: {  	s20 =	simm.s32 $0x100;
	s21 =	simm.s32 $0xA800  }
0x1e: {  	[tilespmem:s21], [sflag:$0x3] =	stream.indirect.gather [hbm4b:s1+s13], $0x80, s20, s13, $0xb8;
	[tilespmem:$0x12000] =	vst v63  }
0x1f: {  	s22 =	simm.s32 $0x4100;
	s23 =	simm.s32 $0xF800  }
0x20: {  	[tilespmem:s23], [sflag:$0x3] =	stream.indirect.gather [hbm4b:s4+s13], $0x80, s22, s13, $0xb8;
	[tilespmem:$0x12000] =	vst v63  }
0x21: {  	_ =	swait.ge [sflag:s24], $0x1400  }
0x22: {  	[sflag:s24] =	ssyncset.done $0x0  }
0x23: {  	[sflag:s24] =	ssyncadd.s32 $0xFFFFEC00  }
0x24: {  	p0 =	por $0x0, $0x0;
	_ =	swait.ge [sflag:s24], $0x1400  }
0x25: {  	p1 =	por @!p0 $0x1, $0x1;
	[sflag:s24] =	ssyncset.done $0x0  }
0x26: {  	s25 =	sadd.s32 s9, s8;
	p1 =	por p1, p0;
	[sflag:s24] =	ssyncadd.s32 $0xFFFFEC00  }
0x27: {  	[hbm4b:s25+s3] =	stream.linear.scatter [tilespmem:s14], [sflag:$0x5], $0x1400, $0x38;
	[tilespmem:$0x12000] =	vst v63  }
0x28: {  	s26 =	sadd.s32 s10, s8;
	s2 =	simm.s32 @!p1 $0x8  }
0x29: {  	[hbm4b:s26+s3] =	stream.linear.scatter [tilespmem:s15], [sflag:$0x5], $0x1400, $0x38;
	[tilespmem:$0x12000] =	vst v63  }
0x2a: {  	_ =	swait.ge @!p1 [sflag:s2], $0x1400  }
0x2b: {  	[sflag:s2] =	ssyncset.done @!p1 $0x0  }
0x2c: {  	[sflag:s2] =	ssyncadd.s32 @!p1 $0xFFFFEC00  }
0x2d: {  	_ =	swait.ge @!p1 [sflag:s2], $0x1400  }
0x2e: {  	s0 =	simm.s32 @!p0 $0xBC00;
	[sflag:s2] =	ssyncset.done @!p1 $0x0  }
0x2f: {  	s16 =	simm.s32 @!p0 $0x180;
	s17 =	simm.s32 @!p0 $0x28;
	[sflag:s2] =	ssyncadd.s32 @!p1 $0xFFFFEC00  }
0x30: {  	[tilespmem:s0], [sflag:$0x4] =	stream.indirect.gather @!p0 [hbm4b:s1+s17], $0x80, s16, s17, $0xb8;
	[tilespmem:$0x12000] =	vst v63  }
0x31: {  	s2 =	simm.s32 @!p0 $0x10C00;
	p1 =	por $0x0, $0x0;
	s16 =	simm.s32 @!p0 $0x4180  }
0x32: {  	[tilespmem:s2], [sflag:$0x4] =	stream.indirect.gather @!p0 [hbm4b:s4+s17], $0x80, s16, s17, $0xb8;
	[tilespmem:$0x12000] =	vst v63  }
0x33: {  	s16 =	simm.s32 @!p1 $0x2  }
0x34: {  	_ =	swait.ge @!p1 [sflag:s16], $0x1400  }
0x35: {  	[sflag:s16] =	ssyncset.done @!p1 $0x0  }
0x36: {  	[sflag:s16] =	ssyncadd.s32 @!p1 $0xFFFFEC00  }
0x37: {  	s18 =	sadd.s32 @!p1 s10, s8;
	_ =	swait.ge @!p1 [sflag:s16], $0x1400  }
0x38: {  	s20 =	simm.s32 @!p1 $0x0;
	s17 =	sadd.s32 @!p1 s9, s8;
	[sflag:s16] =	ssyncset.done @!p1 $0x0  }
0x39: {  	s21 =	simm.s32 @!p1 $0x9400;
	s19 =	sadd.s32 @!p1 $0x280, s17;
	[sflag:s16] =	ssyncadd.s32 @!p1 $0xFFFFEC00  }
0x3a: {  	[hbm4b:s19+s20] =	stream.linear.scatter @!p1 [tilespmem:s21], [sflag:$0x6], $0x1400, $0x38;
	[tilespmem:$0x12000] =	vst v63  }
0x3b: {  	s16 =	sadd.s32 @!p1 $0x280, s18;
	s19 =	simm.s32 @!p1 $0xE400;
	s21 =	simm.s32 @!p1 $0x5  }
0x3c: {  	[hbm4b:s16+s20] =	stream.linear.scatter @!p1 [tilespmem:s19], [sflag:$0x6], $0x1400, $0x38;
	[tilespmem:$0x12000] =	vst v63  }
0x3d: {  	_ =	swait.ge @!p1 [sflag:s21], $0x1400  }
0x3e: {  	[sflag:s21] =	ssyncset.done @!p1 $0x0  }
0x3f: {  	[sflag:s21] =	ssyncadd.s32 @!p1 $0xFFFFEC00  }
0x40: {  	_ =	swait.ge @!p1 [sflag:s21], $0x1400  }
0x41: {  	s22 =	simm.s32 @!p1 $0x8000;
	[sflag:s21] =	ssyncset.done @!p1 $0x0  }
0x42: {  	s16 =	simm.s32 @!p1 $0x200;
	s19 =	simm.s32 @!p1 $0x28;
	[sflag:s21] =	ssyncadd.s32 @!p1 $0xFFFFEC00  }
0x43: {  	[tilespmem:s22], [sflag:$0x1] =	stream.indirect.gather @!p1 [hbm4b:s1+s19], $0x80, s16, s19, $0xb8;
	[tilespmem:$0x12000] =	vst v63  }
0x44: {  	s21 =	simm.s32 @!p1 $0xD000;
	s16 =	simm.s32 @!p1 $0x4200;
	s22 =	simm.s32 @!p1 $0x3  }
0x45: {  	[tilespmem:s21], [sflag:$0x1] =	stream.indirect.gather @!p1 [hbm4b:s4+s19], $0x80, s16, s19, $0xb8;
	[tilespmem:$0x12000] =	vst v63  }
0x46: {  	_ =	swait.ge @!p1 [sflag:s22], $0x1400  }
0x47: {  	[sflag:s22] =	ssyncset.done @!p1 $0x0  }
0x48: {  	[sflag:s22] =	ssyncadd.s32 @!p1 $0xFFFFEC00  }
0x49: {  	p2 =	por @!p1 $0x0, $0x0;
	_ =	swait.ge @!p1 [sflag:s22], $0x1400  }
0x4a: {  	p2 =	por p2, p1;
	[sflag:s22] =	ssyncset.done @!p1 $0x0  }
0x4b: {  	s16 =	sadd.s32 @!p1 $0x500, s17;
	s17 =	simm.s32 @!p1 $0xA800;
	[sflag:s22] =	ssyncadd.s32 @!p1 $0xFFFFEC00  }
0x4c: {  	[hbm4b:s16+s20] =	stream.linear.scatter @!p1 [tilespmem:s17], [sflag:$0x7], $0x1400, $0x38;
	[tilespmem:$0x12000] =	vst v63  }
0x4d: {  	s16 =	sadd.s32 @!p1 $0x500, s18;
	s17 =	simm.s32 @!p1 $0xF800;
	s18 =	simm.s32 @!p2 $0x6  }
0x4e: {  	[hbm4b:s16+s20] =	stream.linear.scatter @!p1 [tilespmem:s17], [sflag:$0x7], $0x1400, $0x38;
	[tilespmem:$0x12000] =	vst v63  }
0x4f: {  	_ =	swait.ge @!p2 [sflag:s18], $0x1400  }
0x50: {  	[sflag:s18] =	ssyncset.done @!p2 $0x0  }
0x51: {  	[sflag:s18] =	ssyncadd.s32 @!p2 $0xFFFFEC00  }
0x52: {  	_ =	swait.ge @!p2 [sflag:s18], $0x1400  }
0x53: {  	s19 =	simm.s32 @!p2 $0x9400;
	[sflag:s18] =	ssyncset.done @!p2 $0x0  }
0x54: {  	s16 =	simm.s32 @!p2 $0x280;
	s17 =	simm.s32 @!p2 $0x28;
	[sflag:s18] =	ssyncadd.s32 @!p2 $0xFFFFEC00  }
0x55: {  	[tilespmem:s19], [sflag:$0x2] =	stream.indirect.gather @!p2 [hbm4b:s1+s17], $0x80, s16, s17, $0xb8;
	[tilespmem:$0x12000] =	vst v63  }
0x56: {  	s18 =	simm.s32 @!p2 $0xE400;
	s16 =	simm.s32 @!p2 $0x4280;
	s19 =	simm.s32 @!p0 $0x4  }
0x57: {  	[tilespmem:s18], [sflag:$0x2] =	stream.indirect.gather @!p2 [hbm4b:s4+s17], $0x80, s16, s17, $0xb8;
	[tilespmem:$0x12000] =	vst v63  }
0x58: {  	_ =	swait.ge @!p0 [sflag:s19], $0x1400  }
0x59: {  	[sflag:s19] =	ssyncset.done @!p0 $0x0  }
0x5a: {  	[sflag:s19] =	ssyncadd.s32 @!p0 $0xFFFFEC00  }
0x5b: {  	p1 =	por @!p0 $0x0, $0x0;
	s16 =	sadd.s32 @!p0 s9, s8;
	_ =	swait.ge @!p0 [sflag:s19], $0x1400  }
0x5c: {  	s17 =	sadd.s32 @!p0 s10, s8;
	s18 =	simm.s32 @!p0 $0x0;
	[sflag:s19] =	ssyncset.done @!p0 $0x0  }
0x5d: {  	p2 =	por p1, p0;
	s16 =	sadd.s32 @!p0 $0x780, s16;
	[sflag:s19] =	ssyncadd.s32 @!p0 $0xFFFFEC00  }
0x5e: {  	[hbm4b:s16+s18] =	stream.linear.scatter @!p0 [tilespmem:s0], [sflag:$0x8], $0x1400, $0x38;
	[tilespmem:$0x12000] =	vst v63  }
0x5f: {  	s20 =	simm.s32 @!p2 $0x7;
	s0 =	sadd.s32 @!p0 $0x780, s17  }
0x60: {  	[hbm4b:s0+s18] =	stream.linear.scatter @!p0 [tilespmem:s2], [sflag:$0x8], $0x1400, $0x38;
	[tilespmem:$0x12000] =	vst v63  }
0x61: {  	s31 =	simm.s32 $0x800;
	_ =	swait.ge @!p2 [sflag:s20], $0x1400  }
0x62: {  	s21 =	simm.s32 @!p2 $0x300;
	s22 =	simm.s32 @!p2 $0x28;
	[sflag:s20] =	ssyncset.done @!p2 $0x0  }
0x63: {  	s23 =	simm.s32 @!p2 $0xA800;
	s19 =	simm.s32 @!p2 $0x4300;
	[sflag:s20] =	ssyncadd.s32 @!p2 $0xFFFFEC00  }
0x64: {  	s16 =	simm.s32 $0x1;
	s17 =	sadd.s32 $0xA00, s9;
	_ =	swait.ge @!p2 [sflag:s20], $0x1400  }
0x65: {  	s0 =	sadd.s32 $0xA00, s10;
	s2 =	simm.s32 $0x7;
	[sflag:s20] =	ssyncset.done @!p2 $0x0  }
.LBB2_2:
0x66: {  	[sflag:s20] =	ssyncadd.s32 @!p2 $0xFFFFEC00  }
0x67: {  	s20 =	simm.s32 @!p2 $0xF800;
	s18 =	smov.u32 s31;
	s31 =	sadd.s32 $0x800, s31  }
0x68: {  	[tilespmem:s23], [sflag:$0x3] =	stream.indirect.gather @!p2 [hbm4b:s1+s22], $0x80, s21, s22, $0xb8;
	[tilespmem:$0x12000] =	vst v63  }
0x69: {  	p0 =	sne.s32 s31, $0x10000  }
0x6a: {  	[tilespmem:s20], [sflag:$0x3] =	stream.indirect.gather @!p2 [hbm4b:s4+s22], $0x80, s19, s22, $0xb8;
	[tilespmem:$0x12000] =	vst v63  }
0x6b: {  	_ =	swait.ge [sflag:s24], $0x1400  }
0x6c: {  	[sflag:s24] =	ssyncset.done $0x0  }
0x6d: {  	[sflag:s24] =	ssyncadd.s32 $0xFFFFEC00  }
0x6e: {  	p1 =	sgt.u32 s2, $0x7C;
	s19 =	sadd.s32 s17, s8;
	_ =	swait.ge [sflag:s24], $0x1400  }
0x6f: {  	p2 =	seq.s32 @!p1 s18, $0x0;
	s20 =	sshra.s32 @!p1 s18, $0x2;
	[sflag:s24] =	ssyncset.done $0x0  }
0x70: {  	p3 =	por p2, p1;
	s21 =	sadd.s32 @!p1 $0x180, s20;
	[sflag:s24] =	ssyncadd.s32 $0xFFFFEC00  }
0x71: {  	[hbm4b:s19+s3] =	stream.linear.scatter [tilespmem:s14], [sflag:$0x5], $0x1400, $0x38;
	[tilespmem:$0x12000] =	vst v63  }
0x72: {  	s23 =	sadd.s32 @!p1 $0x4180, s20;
	s22 =	simm.s32 @!p3 $0x8;
	s19 =	sadd.s32 s0, s8  }
0x73: {  	[hbm4b:s19+s3] =	stream.linear.scatter [tilespmem:s15], [sflag:$0x5], $0x1400, $0x38;
	[tilespmem:$0x12000] =	vst v63  }
0x74: {  	s5 =	sadd.s32 @!p1 s0, s8;
	s19 =	sadd.s32 @!p1 s17, s8;
	_ =	swait.ge @!p3 [sflag:s22], $0x1400  }
0x75: {  	s20 =	sadd.s32 @!p1 $0x780, s19;
	s19 =	sadd.s32 @!p1 $0x780, s5;
	[sflag:s22] =	ssyncset.done @!p3 $0x0  }
0x76: {  	p2 =	sgt.u32 @!p1 s16, $0x1D;
	[sflag:s22] =	ssyncadd.s32 @!p3 $0xFFFFEC00  }
0x77: {  	_ =	swait.ge @!p3 [sflag:s22], $0x1400  }
0x78: {  	s5 =	sadd.s32 $0xFFFFFFFE, s2;
	[sflag:s22] =	ssyncset.done @!p3 $0x0  }
0x79: {  	s12 =	simm.s32 @!p1 $0x28;
	[sflag:s22] =	ssyncadd.s32 @!p3 $0xFFFFEC00;
	s22 =	simm.s32 @!p1 $0xBC00  }
0x7a: {  	[tilespmem:s22], [sflag:$0x4] =	stream.indirect.gather @!p1 [hbm4b:s1+s12], $0x80, s21, s12, $0xb8;
	[tilespmem:$0x12000] =	vst v63  }
0x7b: {  	p3 =	sgt.u32 s5, $0x7C;
	s21 =	simm.s32 @!p1 $0x10C00  }
0x7c: {  	[tilespmem:s21], [sflag:$0x4] =	stream.indirect.gather @!p1 [hbm4b:s4+s12], $0x80, s23, s12, $0xb8;
	[tilespmem:$0x12000] =	vst v63  }
0x7d: {  	s5 =	simm.s32 @!p3 $0x2;
	s12 =	sadd.s32 @!p3 s17, s8;
	s23 =	sadd.s32 @!p3 s0, s8  }
0x7e: {  	s6 =	sadd.s32 @!p3 $0x280, s12;
	s7 =	sadd.s32 @!p3 $0x280, s23;
	_ =	swait.ge @!p3 [sflag:s5], $0x1400  }
0x7f: {  	s11 =	sshra.s32 @!p3 s18, $0x2;
	s12 =	sadd.s32 @!p3 $0x500, s12;
	[sflag:s5] =	ssyncset.done @!p3 $0x0  }
0x80: {  	s13 =	sadd.s32 @!p3 $0x200, s11;
	s11 =	sadd.s32 @!p3 $0x4200, s11;
	[sflag:s5] =	ssyncadd.s32 @!p3 $0xFFFFEC00  }
0x81: {  	p4 =	sgt.u32 @!p3 s16, $0x1D;
	s23 =	sadd.s32 @!p3 $0x500, s23;
	_ =	swait.ge @!p3 [sflag:s5], $0x1400  }
0x82: {  	s25 =	simm.s32 @!p3 $0x0;
	s26 =	simm.s32 @!p3 $0x9400;
	[sflag:s5] =	ssyncset.done @!p3 $0x0  }
0x83: {  	[sflag:s5] =	ssyncadd.s32 @!p3 $0xFFFFEC00;
	s5 =	simm.s32 @!p3 $0xE400  }
0x84: {  	[hbm4b:s6+s25] =	stream.linear.scatter @!p3 [tilespmem:s26], [sflag:$0x6], $0x1400, $0x38;
	[tilespmem:$0x12000] =	vst v63  }
0x85: {  	s6 =	simm.s32 @!p3 $0x5  }
0x86: {  	[hbm4b:s7+s25] =	stream.linear.scatter @!p3 [tilespmem:s5], [sflag:$0x6], $0x1400, $0x38;
	[tilespmem:$0x12000] =	vst v63  }
0x87: {  	_ =	swait.ge @!p3 [sflag:s6], $0x1400  }
0x88: {  	[sflag:s6] =	ssyncset.done @!p3 $0x0  }
0x89: {  	[sflag:s6] =	ssyncadd.s32 @!p3 $0xFFFFEC00  }
0x8a: {  	_ =	swait.ge @!p3 [sflag:s6], $0x1400  }
0x8b: {  	s5 =	simm.s32 @!p3 $0x28;
	s7 =	simm.s32 @!p3 $0x8000;
	[sflag:s6] =	ssyncset.done @!p3 $0x0  }
0x8c: {  	[sflag:s6] =	ssyncadd.s32 @!p3 $0xFFFFEC00;
	s6 =	simm.s32 @!p3 $0xD000  }
0x8d: {  	[tilespmem:s7], [sflag:$0x1] =	stream.indirect.gather @!p3 [hbm4b:s1+s5], $0x80, s13, s5, $0xb8;
	[tilespmem:$0x12000] =	vst v63  }
0x8e: {  	s7 =	simm.s32 @!p3 $0x3  }
0x8f: {  	[tilespmem:s6], [sflag:$0x1] =	stream.indirect.gather @!p3 [hbm4b:s4+s5], $0x80, s11, s5, $0xb8;
	[tilespmem:$0x12000] =	vst v63  }
0x90: {  	_ =	swait.ge @!p3 [sflag:s7], $0x1400  }
0x91: {  	[sflag:s7] =	ssyncset.done @!p3 $0x0  }
0x92: {  	[sflag:s7] =	ssyncadd.s32 @!p3 $0xFFFFEC00  }
0x93: {  	_ =	swait.ge @!p3 [sflag:s7], $0x1400  }
0x94: {  	s5 =	simm.s32 @!p3 $0xA800;
	[sflag:s7] =	ssyncset.done @!p3 $0x0  }
0x95: {  	p4 =	por p4, p3;
	s6 =	simm.s32 @!p3 $0xF800;
	[sflag:s7] =	ssyncadd.s32 @!p3 $0xFFFFEC00  }
0x96: {  	[hbm4b:s12+s25] =	stream.linear.scatter @!p3 [tilespmem:s5], [sflag:$0x7], $0x1400, $0x38;
	[tilespmem:$0x12000] =	vst v63  }
0x97: {  	s7 =	sshra.s32 @!p4 s18, $0x2;
	s5 =	simm.s32 @!p4 $0x6  }
0x98: {  	[hbm4b:s23+s25] =	stream.linear.scatter @!p3 [tilespmem:s6], [sflag:$0x7], $0x1400, $0x38;
	[tilespmem:$0x12000] =	vst v63  }
0x99: {  	s6 =	sadd.s32 @!p4 $0x280, s7;
	s7 =	sadd.s32 @!p4 $0x4280, s7;
	_ =	swait.ge @!p4 [sflag:s5], $0x1400  }
0x9a: {  	[sflag:s5] =	ssyncset.done @!p4 $0x0  }
0x9b: {  	[sflag:s5] =	ssyncadd.s32 @!p4 $0xFFFFEC00  }
0x9c: {  	_ =	swait.ge @!p4 [sflag:s5], $0x1400  }
0x9d: {  	s11 =	simm.s32 @!p4 $0x28;
	s12 =	simm.s32 @!p4 $0x9400;
	[sflag:s5] =	ssyncset.done @!p4 $0x0  }
0x9e: {  	[sflag:s5] =	ssyncadd.s32 @!p4 $0xFFFFEC00;
	s5 =	simm.s32 @!p4 $0xE400  }
0x9f: {  	[tilespmem:s12], [sflag:$0x2] =	stream.indirect.gather @!p4 [hbm4b:s1+s11], $0x80, s6, s11, $0xb8;
	[tilespmem:$0x12000] =	vst v63  }
0xa0: {  	s6 =	simm.s32 @!p1 $0x4  }
0xa1: {  	[tilespmem:s5], [sflag:$0x2] =	stream.indirect.gather @!p4 [hbm4b:s4+s11], $0x80, s7, s11, $0xb8;
	[tilespmem:$0x12000] =	vst v63  }
0xa2: {  	_ =	swait.ge @!p1 [sflag:s6], $0x1400  }
0xa3: {  	[sflag:s6] =	ssyncset.done @!p1 $0x0  }
0xa4: {  	[sflag:s6] =	ssyncadd.s32 @!p1 $0xFFFFEC00  }
0xa5: {  	_ =	swait.ge @!p1 [sflag:s6], $0x1400  }
0xa6: {  	s5 =	simm.s32 @!p1 $0x0;
	[sflag:s6] =	ssyncset.done @!p1 $0x0  }
0xa7: {  	p2 =	por p2, p1;
	[sflag:s6] =	ssyncadd.s32 @!p1 $0xFFFFEC00  }
0xa8: {  	[hbm4b:s20+s5] =	stream.linear.scatter @!p1 [tilespmem:s22], [sflag:$0x8], $0x1400, $0x38;
	[tilespmem:$0x12000] =	vst v63  }
0xa9: {  	s6 =	sshra.s32 @!p2 s18, $0x2;
	s20 =	simm.s32 @!p2 $0x7  }
0xaa: {  	[hbm4b:s19+s5] =	stream.linear.scatter @!p1 [tilespmem:s21], [sflag:$0x8], $0x1400, $0x38;
	[tilespmem:$0x12000] =	vst v63  }
0xab: {  	s21 =	sadd.s32 @!p2 $0x300, s6  }
.Ltmp0:
0xac: {  	s19 =	sadd.s32 @!p2 $0x4300, s6;
	_ =	swait.ge @!p2 [sflag:s20], $0x1400;
	(pc) =	sbr.rel @p0 .LBB2_2-.Ltmp0, $4  }
0xad: {  	[sflag:s20] =	ssyncset.done @!p2 $0x0  }
0xae: {  	s2 =	sadd.s32 $0x4, s2;
	s0 =	sadd.s32 $0xA00, s0;
	[sflag:s20] =	ssyncadd.s32 @!p2 $0xFFFFEC00  }
0xaf: {  	s16 =	sadd.s32 $0x1, s16;
	s17 =	sadd.s32 $0xA00, s17;
	_ =	swait.ge @!p2 [sflag:s20], $0x1400  }
0xb0: {  	s23 =	simm.s32 @!p2 $0xA800;
	s22 =	simm.s32 @!p2 $0x28;
	[sflag:s20] =	ssyncset.done @!p2 $0x0  }
0xb1: {  	[sflag:s20] =	ssyncadd.s32 @!p2 $0xFFFFEC00  }
0xb2: {  	[tilespmem:s23], [sflag:$0x3] =	stream.indirect.gather @!p2 [hbm4b:s1+s22], $0x80, s21, s22, $0xb8;
	[tilespmem:$0x12000] =	vst v63  }
0xb3: {  	s0 =	simm.s32 @!p2 $0xF800;
	s25 =	simm.s32 $0x5  }
0xb4: {  	[tilespmem:s0], [sflag:$0x3] =	stream.indirect.gather @!p2 [hbm4b:s4+s22], $0x80, s19, s22, $0xb8;
	[tilespmem:$0x12000] =	vst v63  }
0xb5: {  	_ =	swait.ge [sflag:s25], $0x1400  }
0xb6: {  	[sflag:s25] =	ssyncset.done $0x0  }
0xb7: {  	[sflag:s25] =	ssyncadd.s32 $0xFFFFEC00  }
0xb8: {  	_ =	swait.ge [sflag:s25], $0x1400  }
0xb9: {  	[sflag:s25] =	ssyncset.done $0x0  }
0xba: {  	s26 =	simm.s32 $0x6;
	[sflag:s25] =	ssyncadd.s32 $0xFFFFEC00  }
0xbb: {  	_ =	swait.ge [sflag:s26], $0x1400  }
0xbc: {  	[sflag:s26] =	ssyncset.done $0x0  }
0xbd: {  	[sflag:s26] =	ssyncadd.s32 $0xFFFFEC00  }
0xbe: {  	_ =	swait.ge [sflag:s26], $0x1400  }
0xbf: {  	[sflag:s26] =	ssyncset.done $0x0  }
0xc0: {  	[sflag:s26] =	ssyncadd.s32 $0xFFFFEC00  }
0xc1: {  	_ =	swait.ge [sflag:s28], $0x1400  }
0xc2: {  	[sflag:s28] =	ssyncset.done $0x0  }
0xc3: {  	[sflag:s28] =	ssyncadd.s32 $0xFFFFEC00  }
0xc4: {  	_ =	swait.ge [sflag:s28], $0x1400  }
0xc5: {  	[sflag:s28] =	ssyncset.done $0x0  }
0xc6: {  	[sflag:s28] =	ssyncadd.s32 $0xFFFFEC00  }
0xc7: {  	_ =	swait.ge [sflag:s29], $0x1400  }
0xc8: {  	[sflag:s29] =	ssyncset.done $0x0  }
0xc9: {  	[sflag:s29] =	ssyncadd.s32 $0xFFFFEC00  }
0xca: {  	_ =	swait.ge [sflag:s29], $0x1400  }
0xcb: {  	s30 =	sadd.s32 $0x1, s30;
	s31 =	rddreg [dreg:$0x5]  }
0xcc: {  	p0 =	sne.s32 s30, s31  }
.Ltmp1:
0xcd: {  	_ = 	snop;
	(pc) =	sbr.rel @p0 .LBB2_1-.Ltmp1, $3  }
0xce: {  	_ =	sdelay $0x1  }
0xcf: {  	[sflag:s29] =	ssyncset.done $0x0  }
0xd0: {  	[sflag:s29] =	ssyncadd.s32 $0xFFFFEC00  }
0xd1: {  	_ =	sfence.sel $0x180000  }
0xd2: {  	[bflag:$0x0] =	sbarrier.arrive $0xFFFF  }
0xd3: {  	_ =	strace $0x90000047  }
0xd4: {  	s0 =	stileid.u32;
	[bflag:$0x2] =	sbarrier.arrive $0xFFFF  }
0xd5: {  	p0 =	sne.s32 s0, $0x0;
	s0 =	rddreg [dreg:$0x2]  }
0xd6: {  	s0 =	sadd.s32 @!p0 $0x100000, s0  }
0xd7: {  	[sflag:s0] =	ssyncadd.tile.s32 @!p0 $0x1;
	_ =	shalt  }
.Lfunc_end2:
_tile_overlayer_lowered:
.L_overlay_start_2:
0xd8: {  	(tag) =	ssettag $0x2  }
0xd9: {  	s0 =	rddreg [dreg:$0x0];
	s2 =	stileid.u32  }
0xda: {  	s1 =	rddreg [dreg:$0x1];
	p0 =	sne.s32 s2, $0x0  }
0xdb: {  	s3 =	rddreg [dreg:$0x2];
	[bflag:$0x3] =	sbarrier.arrive $0xFFFF;
	s2 =	simm.s32 @!p0 $0x1C09  }
0xdc: {  	[timem:s3], [sflag:s2] =	dma.local @!p0 [hbm:s0], s1  }
0xdd: {  	s0 =	simm.s32 @!p0 $0x9  }
0xde: {  	_ =	swait.ge @!p0 [sflag:s0], s1  }
0xdf: {  	s1 =	ssub.s32 @!p0 $0x0, s1;
	[sflag:s0] =	ssyncset.done @!p0 $0x0  }
0xe0: {  	[sflag:s0] =	ssyncadd.s32 @!p0 s1  }
0xe1: {  	[bflag:$0x3] =	sbarrier.arrive $0xFFFF  }
0xe2: {  	_ =	shalt  }

// kernel: kernel.18.cloned.1.call-start
scs
__scs_entry_jumppad:
0x0: {  	(pc) =	sbr.rel $0x88, $3  }
0x1: {  	(tag) =	ssettag $0x0;
	lr =	simm.s32 $0x1  }
0x2: {  	[smem:$0x3F98] =	sst lr;
	_ =	strace $0xD0000000  }
0x3: {  	_ = 	snop  }
0x4: {  	_ = 	snop  }
0x5: {  	_ = 	snop  }
0x6: {  	_ = 	snop  }
0x7: {  	_ = 	snop  }
__scs_overlays_trampoline_lowered:
0x8: {  	[smem:$0x3FA7] =	sst s0  }
0x9: {  	[smem:$0x3FA8] =	sst s1  }
0xa: {  	[smem:$0x3FA9] =	sst s2  }
0xb: {  	[smem:$0x3FAA] =	sst s3  }
0xc: {  	[smem:$0x3FAB] =	sst s4  }
0xd: {  	[smem:$0x3FAC] =	sst s5  }
0xe: {  	[smem:$0x3FAD] =	sst s6  }
0xf: {  	[smem:$0x3FAE] =	sst s7  }
0x10: {  	[smem:$0x3FAF] =	sst s8  }
0x11: {  	[smem:$0x3FB0] =	sst s9;
	s0 =	simm.s32 @!p0 $0x0  }
0x12: {  	s1 =	sld [smem:$0x3F96];
	s0 =	simm.s32 @p0 $0x1  }
0x13: {  	[smem:$0x3FB1] =	sst s0;
	s0 =	simm.s32 @!p1 $0x0  }
0x14: {  	s2 =	sld [smem:$0x3F95];
	s0 =	simm.s32 @p1 $0x1  }
0x15: {  	[smem:$0x3FB2] =	sst s0;
	s0 =	simm.s32 @!p2 $0x0  }
0x16: {  	s3 =	sld [smem:$0x3FDB];
	s0 =	simm.s32 @p2 $0x1  }
0x17: {  	s4 =	simm.s32 $0x1BF5;
	[smem:$0x3FB4] =	sst s0  }
0x18: {  	s0 =	sld [smem:$0x3F97];
	_ =	swait.ge [sflag:s4], $0x0  }
0x19: {  	s7 =	sld [smem:$0x3F98]  }
0x1a: {  	s8 =	sadd.s32 $0xFFFFE003, lr  }
0x1b: {  	s9 =	sadd.s32 $0xFFFFFEF7, lr;
	s5 =	simm.s32 $0xFFFFFFFF;
	p2 =	slt.u32 s8, $0xFFFFF086  }
0x1c: {  	p1 =	slt.u32 s9, $0xF7A;
	s5 =	simm.s32 @!p2 $0x0  }
0x1d: {  	s5 =	simm.s32 @p1 $0x1;
	p0 =	seq.s32 s7, s2  }
0x1e: {  	s7 =	smul.u32 @!p0 $0xF7A, s2;
	p2 =	seq.s32 @!p0 s5, $0x0  }
0x1f: {  	s9 =	smul.u32 $0xF7A, s1;
	s8 =	simm.s32 @!p0 $0x1BF5;
	p2 =	por !p2, p0  }
0x20: {  	[sflag:s8] =	ssyncset.s32 @!p0 $0xFFFFF086;
	s6 =	sadd.s32 @!p0 s3, s7;
	s7 =	simm.s32 @!p0 $0x108  }
0x21: {  	s3 =	sadd.s32 s3, s9;
	s6 =	sadd.s32 @!p0 $0x88, s6;
	s7 =	simm.s32 @p2 $0x1082  }
0x22: {  	[simem:s7], [sflag:s8] =	dma.local @!p0 [hbm:s6], $0xF7A  }
0x23: {  	s9 =	sor.u32 $0xD0000000, s2;
	s6 =	simm.s32 $0x108;
	_ =	swait.ge @!p0 [sflag:s8], $0x0  }
0x24: {  	s3 =	sadd.s32 $0x88, s3;
	s6 =	simm.s32 @!p1 $0x1082;
	[sflag:s4] =	ssyncset.s32 $0xFFFFF086  }
0x25: {  	[simem:s6], [sflag:s4] =	dma.local [hbm:s3], $0xF7A  }
0x26: {  	[smem:$0x3F98] =	sst s1;
	(tag) =	ssettag s2;
	_ =	strace s9  }
0x27: {  	s1 =	sld [smem:$0x3FA8]  }
0x28: {  	s2 =	sld [smem:$0x3FA9]  }
0x29: {  	s4 =	sld [smem:$0x3FAB]  }
0x2a: {  	p0 =	seq.s32 s5, $0x0;
	s5 =	sld [smem:$0x3FAC]  }
0x2b: {  	s6 =	sld [smem:$0x3FAD]  }
0x2c: {  	s7 =	sld [smem:$0x3FAE]  }
0x2d: {  	s3 =	simm.s32 $0x108;
	s8 =	sld [smem:$0x3FAF]  }
0x2e: {  	s3 =	simm.s32 @!p0 $0x1082;
	s9 =	sld [smem:$0x3FB0]  }
0x2f: {  	lr =	sadd.s32 s0, s3;
	s0 =	sld [smem:$0x3FA7]  }
0x30: {  	s3 =	sld [smem:$0x3FAA]  }
0x31: {  	[smem:$0x3FB3] =	sst s10  }
0x32: {  	s10 =	sld [smem:$0x3FB1];
	_ =	sdelay $0x3  }
0x33: {  	p0 =	seq.s32 s10, $0x1;
	s10 =	sld [smem:$0x3FB3];
	_ =	sdelay $0x3  }
0x34: {  	[smem:$0x3FB3] =	sst s10  }
0x35: {  	s10 =	sld [smem:$0x3FB2];
	_ =	sdelay $0x3  }
0x36: {  	p1 =	seq.s32 s10, $0x1;
	s10 =	sld [smem:$0x3FB3];
	_ =	sdelay $0x3  }
0x37: {  	[smem:$0x3FB3] =	sst s10  }
0x38: {  	s10 =	sld [smem:$0x3FB4]  }
0x39: {  	_ = 	snop;
	(pc) =	sbr.ind lr, $3  }
0x3a: {  	_ = 	snop  }
0x3b: {  	_ = 	snop  }
0x3c: {  	p2 =	seq.s32 s10, $0x1;
	s10 =	sld [smem:$0x3FB3]  }
0x3d: {  	_ =	shalt  }
0x3e: {  	_ =	shalt  }
0x3f: {  	_ =	shalt  }
0x40: {  	_ =	shalt  }
0x41: {  	_ =	shalt  }
0x42: {  	_ =	shalt  }
0x43: {  	_ =	shalt  }
0x44: {  	_ =	shalt  }
0x45: {  	_ =	shalt  }
0x46: {  	_ =	shalt  }
0x47: {  	_ =	shalt  }
0x48: {  	_ =	shalt  }
0x49: {  	_ =	shalt  }
0x4a: {  	_ =	shalt  }
0x4b: {  	_ =	shalt  }
0x4c: {  	_ =	shalt  }
0x4d: {  	_ =	shalt  }
0x4e: {  	_ =	shalt  }
0x4f: {  	_ =	shalt  }
0x50: {  	_ =	shalt  }
0x51: {  	_ =	shalt  }
0x52: {  	_ =	shalt  }
0x53: {  	_ =	shalt  }
0x54: {  	_ =	shalt  }
0x55: {  	_ =	shalt  }
0x56: {  	_ =	shalt  }
0x57: {  	_ =	shalt  }
0x58: {  	_ =	shalt  }
0x59: {  	_ =	shalt  }
0x5a: {  	_ =	shalt  }
0x5b: {  	_ =	shalt  }
0x5c: {  	_ =	shalt  }
0x5d: {  	_ =	shalt  }
0x5e: {  	_ =	shalt  }
0x5f: {  	_ =	shalt  }
0x60: {  	_ =	shalt  }
0x61: {  	_ =	shalt  }
0x62: {  	_ =	shalt  }
0x63: {  	_ =	shalt  }
0x64: {  	_ =	shalt  }
0x65: {  	_ =	shalt  }
0x66: {  	_ =	shalt  }
0x67: {  	_ =	shalt  }
0x68: {  	_ =	shalt  }
0x69: {  	_ =	shalt  }
0x6a: {  	_ =	shalt  }
0x6b: {  	_ =	shalt  }
0x6c: {  	_ =	shalt  }
0x6d: {  	_ =	shalt  }
0x6e: {  	_ =	shalt  }
0x6f: {  	_ =	shalt  }
0x70: {  	_ =	shalt  }
0x71: {  	_ =	shalt  }
0x72: {  	_ =	shalt  }
0x73: {  	_ =	shalt  }
0x74: {  	_ =	shalt  }
0x75: {  	_ =	shalt  }
0x76: {  	_ =	shalt  }
0x77: {  	_ =	shalt  }
0x78: {  	_ =	shalt  }
0x79: {  	_ =	shalt  }
0x7a: {  	_ =	shalt  }
0x7b: {  	_ =	shalt  }
0x7c: {  	_ =	shalt  }
0x7d: {  	_ =	shalt  }
0x7e: {  	_ =	shalt  }
0x7f: {  	_ =	shalt  }
0x80: {  	_ =	shalt  }
0x81: {  	_ =	shalt  }
0x82: {  	_ =	shalt  }
0x83: {  	_ =	shalt  }
0x84: {  	_ =	shalt  }
0x85: {  	_ =	shalt  }
0x86: {  	_ =	shalt  }
0x87: {  	_ =	shalt  }
.Lfunc_end0:
.L_simem_size_0:
called_computation.2_lowered:
.L_overlay_start_0:
0x88: {  	s2 =	sld [smem:$0x3FD9]  }
0x89: {  	s3 =	sld [smem:$0x3FFE];
	_ =	sdelay $0x1  }
0x8a: {  	s1 =	srdreg.scid  }
0x8b: {  	s0 =	sand.u32 $0x1, s1  }
0x8c: {  	s17 =	sshll.u32 s0, $0xA;
	s2 =	sadd.s32 s3, s2  }
0x8d: {  	s2 =	sadd.s32 s2, s17  }
0x8e: {  	[smem:$0x3FBF] =	sst s2  }
0x8f: {  	_ = 	snop  }
0x90: {  	s18 =	sld [smem:$0x3FD0];
	(tm) =	ssettm $0x1  }
0x91: {  	s19 =	sld [smem:$0x3FFB];
	_ =	sdelay $0x3  }
0x92: {  	_ =	strace s19  }
0x93: {  	s2 =	sld [smem:$0x3FFC];
	_ =	sdelay $0x3  }
0x94: {  	_ =	strace s2  }
0x95: {  	s2 =	sld [smem:$0x3FFD];
	_ =	sdelay $0x3  }
0x96: {  	_ =	strace s2  }
0x97: {  	_ =	strace $0x8FFFFFFF  }
0x98: {  	s20 =	sld [smem:$0x3FDB];
	_ =	sdelay $0x1  }
0x99: {  	s4 =	simm.s32 $_scs_section_size  }
0x9a: {  	s5 =	simm.s32 $_size__tile_overlayer_lowered;
	s6 =	simm.s32 $_tile_overlayer_lowered  }
0x9b: {  	s7 =	simm.s32 $0x1BFF;
	s21 =	sshll.u32 s6, $0x1;
	s4 =	sadd.s32 s4, s20  }
0x9c: {  	s22 =	simm.s32 $0x0;
	s5 =	sshll.u32 s5, $0x1;
	s6 =	sadd.s32 s21, s4  }
0x9d: {  	[timem:s22], [sflag:s7] =	dma.local [hbm:s6], s5  }
0x9e: {  	_ =	swait.ge [sflag:s7], s5  }
0x9f: {  	s5 =	ssub.s32 $0x0, s5;
	[sflag:s7] =	ssyncset.done $0x0  }
0xa0: {  	[sflag:s7] =	ssyncadd.s32 s5;
	_ =	sdelay $0x1  }
0xa1: {  	s23 =	simm.s32 $0x1B8B  }
0xa2: {  	_ =	swait.ge [sflag:s23], $0x1  }
0xa3: {  	[sflag:s23] =	ssyncset.done $0x0  }
0xa4: {  	[sflag:s23] =	ssyncadd.s32 $0xFFFFFFFF  }
0xa5: {  	s5 =	sld [smem:$0x0]  }
0xa6: {  	s6 =	sand.u32 $0xFFFFFFFE, s1  }
0xa7: {  	p0 =	sne.s32 s1, s6  }
0xa8: {  	s6 =	sshll.u32 @p0 s6, $0xE  }
0xa9: {  	s6 =	sadd.s32 @p0 $0x11B8D, s6;
	s7 =	sshll.u32 @p0 s5, $0x11  }
0xaa: {  	s6 =	sor.u32 @p0 s7, s6  }
0xab: {  	[sflag:s6] =	ssyncadd.remote.s32 @p0 $0x1;
	_ =	sdelay $0x1  }
0xac: {  	s6 =	simm.s32 @p0 $0x1B8D  }
0xad: {  	_ =	swait.eq @p0 [sflag:s6], $0x1  }
0xae: {  	[sflag:s6] =	ssyncadd.s32 @p0 $0xFFFFFFFF  }
0xaf: {  	s7 =	sshll.u32 @!p0 s1, $0xE  }
0xb0: {  	s7 =	sor.u32 @!p0 $0x4000, s7;
	s6 =	simm.s32 @!p0 $0x1B8D  }
0xb1: {  	s5 =	sshll.u32 @!p0 s5, $0x11;
	s7 =	sadd.s32 @!p0 $0x11B8D, s7;
	_ =	swait.eq @!p0 [sflag:s6], $0x1  }
0xb2: {  	s5 =	sor.u32 @!p0 s5, s7;
	[sflag:s6] =	ssyncadd.s32 @!p0 $0xFFFFFFFF  }
0xb3: {  	s25 =	simm.s32 $0x1B8E;
	s24 =	sld [smem:$0x3FFE];
	[sflag:s5] =	ssyncadd.remote.s32 @!p0 $0x1  }
0xb4: {  	s26 =	simm.s32 $execute0_lowered;
	[smem:$0x3FD2] =	sst s25  }
0xb5: {  	s6 =	sshll.u32 s26, $0x1;
	_ =	strace $0x8000004F;
	[dreg:$0x1] =	wrdreg $0xFFFFFFFF  }
0xb6: {  	s28 =	simm.s32 $_size_execute0_lowered;
	s4 =	sadd.s32 s4, s6;
	[dreg:$0x0] =	wrdreg $0x0  }
0xb7: {  	s6 =	sshll.u32 s28, $0x1;
	[dreg:$0x2] =	wrdreg s4  }
0xb8: {  	[dreg:$0x3] =	wrdreg s6  }
0xb9: {  	[dreg:$0x4] =	wrdreg $0xC0  }
0xba: {  	_ =	task [dreg:s22], $0x5FFFF  }
0xbb: {  	[dreg:$0x1] =	wrdreg $0xFFFFFFFF  }
0xbc: {  	[dreg:$0x0] =	wrdreg $0x60  }
0xbd: {  	[dreg:$0x2] =	wrdreg s24  }
0xbe: {  	[dreg:$0x3] =	wrdreg s18  }
0xbf: {  	[dreg:$0x4] =	wrdreg $0x68000  }
0xc0: {  	[dreg:$0x5] =	wrdreg $0x9  }
0xc1: {  	_ =	task.clear_ibuf [dreg:s22], $0x6FFFF;
	_ =	strace $0x9000004F  }
0xc2: {  	s29 =	simm.s32 $0x9;
	_ =	strace $0x80000051  }
0xc3: {  	_ =	swait.ge [sflag:s29], $0x1  }
0xc4: {  	[sflag:s29] =	ssyncadd.s32 $0xFFFFFFFF  }
0xc5: {  	_ =	strace $0x90000051  }
0xc6: {  	_ =	sfence  }
0xc7: {  	s30 =	sld [smem:$0x0];
	_ =	sdelay $0x2  }
0xc8: {  	s31 =	sshll.u32 s1, $0xD;
	s1 =	sshrl.u32 s1, $0x2  }
0xc9: {  	s4 =	sand.u32 $0x4000, s31;
	s1 =	sadd.s32 s1, s30  }
0xca: {  	s0 =	sor.u32 s4, s0;
	s1 =	sshll.u32 s1, $0x11  }
0xcb: {  	s0 =	sor.u32 s1, s0  }
0xcc: {  	s0 =	sadd.s32 $0x8F2B, s0  }
0xcd: {  	[sflag:s0] =	ssyncadd.remote.s32 $0x1  }
0xce: {  	_ =	sfence.sel $0xFFFF  }
0xcf: {  	[dreg:$0x0] =	wrdreg $0xFFFFFFFF;
	(pc) =	sbr.abs _section_cstart, $3  }
0xd0: {  	[dreg:$0x1] =	wrdreg $0xFFFFFFFF  }
0xd1: {  	_ =	task.clear_ibuf [dreg:s22], $0x2FFFF;
	_ =	strace $0x9FFFFFFF  }
0xd2: {  	(tm) =	ssettm $0x7FFFFFFF  }
0xd3: {  	_ =	shalt  }
tec
execute0_lowered:
.L_overlay_start_1:
0x0: {  	(tag) =	ssettag $0x1  }
0x1: {  	s4 =	rddreg [dreg:$0x0]  }
0x2: {  	s6 =	rddreg [dreg:$0x1]  }
0x3: {  	s2 =	rddreg [dreg:$0x2]  }
0x4: {  	s0 =	rddreg [dreg:$0x3];
	s3 =	simm.s32 $0x0;
	s5 =	srdreg.scid  }
0x5: {  	s1 =	stileid.u32;
	s18 =	simm.s32 $0x1;
	s19 =	simm.s32 $0x28  }
0x6: {  	s20 =	simm.s32 $0x4;
	s21 =	simm.s32 $0x2;
	s22 =	simm.s32 $0x3E00  }
0x7: {  	[smem:$0x7FF] =	sst s3;
	s8 =	sand.u32 $0x1, s5;
	s10 =	smul.u32 $0x4E000, s1  }
0x8: {  	s23 =	sshll.u32 s1, $0x1;
	s12 =	smul.u32 $0x2700, s1;
	s13 =	sadd.s32 $0x2D3400, s4  }
0x9: {  	s9 =	sadd.s32 $0x62400, s4;
	s16 =	smul.u32 $0x13800, s1;
	s17 =	sadd.s32 $0x124800, s2  }
0xa: {  	s29 =	smul.u32 $0x27100, s1;
	p0 =	seq.s32 s1, $0xF;
	_ =	strace $0x80000050  }
0xb: {  	s5 =	sor.u32 s8, s23;
	s11 =	ssub.s32 $0x2, s8;
	s26 =	smul.u32 $0x138800, s8  }
0xc: {  	s30 =	smul.u32 $0x13880, s8;
	s23 =	simm.s32 $0x0;
	s7 =	sshll.u32 s5, $0xB  }
0xd: {  	s24 =	sshrl.u32 s11, $0x1;
	s14 =	smul.u32 $0x13880, s5;
	s25 =	sshrl.u32 s10, $0x2  }
0xe: {  	s5 =	sadd.s32 s6, s12;
	s6 =	sadd.s32 $0x24900, s6;
	s31 =	sadd.s32 s29, s9  }
0xf: {  	s7 =	sadd.s32 s7, s4;
	s11 =	ssub.s32 s11, s24;
	s15 =	sadd.s32 s25, s2  }
0x10: {  	s28 =	sadd.s32 s16, s26;
	s10 =	sshrl.u32 s26, $0x3;
	s16 =	simm.s32 $0x4000  }
0x11: {  	s4 =	sadd.s32 $0x52D400, s7;
	s7 =	sadd.s32 s9, s14;
	s12 =	sshrl.u32 s28, $0x3  }
0x12: {  	s10 =	sadd.s32 s13, s10;
	s14 =	sshll.u32 @!p0 s1, $0x6;
	s15 =	sshrl.u32 @!p0 s15, $0x3  }
0x13: {  	s8 =	sadd.s32 s13, s12;
	s9 =	sadd.s32 $0x24900, s10;
	s12 =	sadd.s32 s30, s31  }
0x14: {  	s10 =	smax.u32 s11, $0x1;
	s13 =	sshrl.u32 @p0 s17, $0x3;
	s14 =	sor.u32 @!p0 $0x1C03, s14  }
0x15: {  	s17 =	simm.s32 $0x5400;
	s11 =	sadd.s32 $0x280, s12;
	s12 =	simm.s32 $0x3  }
.LBB2_1:
0x16: {  	[tilespmem:s3], [sflag:$0x3] =	stream.linear.gather [hbm4b:s4+s3], $0x3E80, $0x38;
	[tilespmem:$0x1A080] =	vst v63  }
0x17: {  	_ =	swait.ge [sflag:s12], $0x3E80  }
0x18: {  	[sflag:s12] =	ssyncset.done $0x0  }
0x19: {  	s24 =	simm.s32 @p0 $0x1FC3;
	[sflag:s12] =	ssyncadd.s32 $0xFFFFC180  }
0x1a: {  	[spmem:s13], [sflag:s24] =	dma.local @p0 [hbm:s6], $0x2800  }
0x1b: {  	s24 =	simm.s32 @p0 $0x3  }
0x1c: {  	_ =	swait.ge @p0 [sflag:s24], $0x2800  }
0x1d: {  	[sflag:s24] =	ssyncset.done @p0 $0x0  }
0x1e: {  	[sflag:s24] =	ssyncadd.s32 @p0 $0xFFFFD800;
	s24 =	simm.s32 @!p0 $0x3  }
0x1f: {  	[spmem:s15], [sflag:s14] =	dma.local @!p0 [hbm:s5], $0x2700  }
0x20: {  	_ =	swait.ge @!p0 [sflag:s24], $0x2700  }
0x21: {  	[sflag:s24] =	ssyncset.done @!p0 $0x0  }
0x22: {  	[sflag:s24] =	ssyncadd.s32 @!p0 $0xFFFFD900  }
0x23: {  	[bflag:$0x0] =	sbarrier.arrive $0xFFFF  }
0x24: {  	[tilespmem:s16], [sflag:$0x1] =	stream.linear.gather [hbm4b:s7+s3], $0x1400, $0x38;
	[tilespmem:$0x1A080] =	vst v63  }
0x25: {  	_ = 	snop  }
0x26: {  	[tilespmem:s17], [sflag:$0x2] =	stream.linear.gather [hbm4b:s11+s3], $0x1400, $0x38;
	[tilespmem:$0x1A080] =	vst v63  }
0x27: {  	_ =	swait.ge [sflag:s18], $0x1400  }
0x28: {  	[sflag:s18] =	ssyncset.done $0x0  }
0x29: {  	s29 =	simm.s32 $0x0;
	[sflag:s18] =	ssyncadd.s32 $0xFFFFEC00  }
0x2a: {  	[spmem:s2] =	stream.indirect.scatter.add.f32 [tilespmem:s16], [sflag:$0x4], $0x80, s29, s19, $0xb8;
	[tilespmem:$0x1A080] =	vst v63  }
0x2b: {  	_ =	swait.ge [sflag:s20], $0x1400  }
0x2c: {  	[sflag:s20] =	ssyncset.done $0x0  }
0x2d: {  	s30 =	sadd.s32 $0x280, s11;
	[sflag:s20] =	ssyncadd.s32 $0xFFFFEC00  }
0x2e: {  	[tilespmem:s16], [sflag:$0x1] =	stream.linear.gather [hbm4b:s30+s3], $0x1400, $0x38;
	[tilespmem:$0x1A080] =	vst v63  }
0x2f: {  	_ =	swait.ge [sflag:s21], $0x1400  }
0x30: {  	[sflag:s21] =	ssyncset.done $0x0  }
0x31: {  	s31 =	simm.s32 $0x80;
	[sflag:s21] =	ssyncadd.s32 $0xFFFFEC00  }
0x32: {  	[spmem:s2] =	stream.indirect.scatter.add.f32 [tilespmem:s17], [sflag:$0x3], $0x80, s31, s19, $0xb8;
	[tilespmem:$0x1A080] =	vst v63  }
0x33: {  	_ =	swait.ge [sflag:s12], $0x1400  }
0x34: {  	s25 =	smov.u32 s11;
	s24 =	simm.s32 $0x400;
	[sflag:s12] =	ssyncset.done $0x0  }
.LBB2_2:
0x35: {  	p1 =	sne.s32 s24, $0xF400;
	[sflag:s12] =	ssyncadd.s32 $0xFFFFEC00;
	s25 =	sadd.s32 $0x500, s25  }
0x36: {  	[tilespmem:s17], [sflag:$0x2] =	stream.linear.gather [hbm4b:s25+s3], $0x1400, $0x38;
	[tilespmem:$0x1A080] =	vst v63  }
0x37: {  	s26 =	smov.u32 s24;
	s24 =	sadd.s32 $0x400, s24;
	_ =	swait.ge [sflag:s18], $0x1400  }
0x38: {  	[sflag:s18] =	ssyncset.done $0x0  }
0x39: {  	s26 =	sshra.s32 s26, $0x2;
	[sflag:s18] =	ssyncadd.s32 $0xFFFFEC00  }
0x3a: {  	[spmem:s2] =	stream.indirect.scatter.add.f32 [tilespmem:s16], [sflag:$0x4], $0x80, s26, s19, $0xb8;
	[tilespmem:$0x1A080] =	vst v63  }
0x3b: {  	_ =	swait.ge [sflag:s20], $0x1400  }
0x3c: {  	[sflag:s20] =	ssyncset.done $0x0  }
0x3d: {  	s28 =	sadd.s32 $0x280, s25;
	[sflag:s20] =	ssyncadd.s32 $0xFFFFEC00  }
0x3e: {  	[tilespmem:s16], [sflag:$0x1] =	stream.linear.gather [hbm4b:s28+s3], $0x1400, $0x38;
	[tilespmem:$0x1A080] =	vst v63  }
0x3f: {  	_ =	swait.ge [sflag:s21], $0x1400  }
.Ltmp0:
0x40: {  	[sflag:s21] =	ssyncset.done $0x0;
	(pc) =	sbr.rel @p1 .LBB2_2-.Ltmp0, $4  }
0x41: {  	s26 =	sadd.s32 $0x80, s26;
	[sflag:s21] =	ssyncadd.s32 $0xFFFFEC00  }
0x42: {  	[spmem:s2] =	stream.indirect.scatter.add.f32 [tilespmem:s17], [sflag:$0x3], $0x80, s26, s19, $0xb8;
	[tilespmem:$0x1A080] =	vst v63  }
0x43: {  	_ =	swait.ge [sflag:s12], $0x1400  }
0x44: {  	[sflag:s12] =	ssyncset.done $0x0  }
0x45: {  	[sflag:s12] =	ssyncadd.s32 $0xFFFFEC00  }
0x46: {  	_ =	swait.ge [sflag:s18], $0x1400  }
0x47: {  	[sflag:s18] =	ssyncset.done $0x0  }
0x48: {  	[sflag:s18] =	ssyncadd.s32 $0xFFFFEC00  }
0x49: {  	[spmem:s2] =	stream.indirect.scatter.add.f32 [tilespmem:s16], [sflag:$0x4], $0x80, s22, s19, $0xb8;
	[tilespmem:$0x1A080] =	vst v63  }
0x4a: {  	_ =	swait.ge [sflag:s20], $0x1400  }
0x4b: {  	[sflag:s20] =	ssyncset.done $0x0  }
0x4c: {  	[sflag:s20] =	ssyncadd.s32 $0xFFFFEC00  }
0x4d: {  	s24 =	simm.s32 @p0 $0x1FC3;
	[bflag:$0x0] =	sbarrier.arrive $0xFFFF  }
0x4e: {  	[hbm:s9], [sflag:s24] =	dma.local @p0 [spmem:s13], $0x2800  }
0x4f: {  	s24 =	simm.s32 @p0 $0x3  }
0x50: {  	s23 =	sadd.s32 $0x1, s23;
	_ =	swait.ge @p0 [sflag:s24], $0x2800  }
0x51: {  	p1 =	sne.s32 s23, s10;
	[sflag:s24] =	ssyncset.done @p0 $0x0  }
.Ltmp1:
0x52: {  	[sflag:s24] =	ssyncadd.s32 @p0 $0xFFFFD800;
	s24 =	simm.s32 @!p0 $0x3;
	(pc) =	sbr.rel @p1 .LBB2_1-.Ltmp1, $4  }
0x53: {  	[hbm:s8], [sflag:s14] =	dma.local @!p0 [spmem:s15], $0x2700  }
0x54: {  	_ =	swait.ge @!p0 [sflag:s24], $0x2700  }
0x55: {  	[sflag:s24] =	ssyncset.done @!p0 $0x0  }
0x56: {  	[sflag:s24] =	ssyncadd.s32 @!p0 $0xFFFFD900  }
0x57: {  	_ =	sfence.sel $0x180000  }
0x58: {  	[bflag:$0x0] =	sbarrier.arrive $0xFFFF  }
0x59: {  	p0 =	sne.s32 s1, $0x0;
	_ =	strace $0x90000050  }
0x5a: {  	s0 =	sadd.s32 @!p0 $0x100000, s0;
	[bflag:$0x2] =	sbarrier.arrive $0xFFFF  }
0x5b: {  	[sflag:s0] =	ssyncadd.tile.s32 @!p0 $0x1;
	_ =	shalt  }
.Lfunc_end2:
_tile_overlayer_lowered:
.L_overlay_start_2:
0x5c: {  	(tag) =	ssettag $0x2  }
0x5d: {  	s0 =	rddreg [dreg:$0x0];
	s2 =	stileid.u32  }
0x5e: {  	s1 =	rddreg [dreg:$0x1];
	p0 =	sne.s32 s2, $0x0  }
0x5f: {  	s3 =	rddreg [dreg:$0x2];
	[bflag:$0x3] =	sbarrier.arrive $0xFFFF;
	s2 =	simm.s32 @!p0 $0x1C03  }
0x60: {  	[timem:s3], [sflag:s2] =	dma.local @!p0 [hbm:s0], s1  }
0x61: {  	s0 =	simm.s32 @!p0 $0x3  }
0x62: {  	_ =	swait.ge @!p0 [sflag:s0], s1  }
0x63: {  	s1 =	ssub.s32 @!p0 $0x0, s1;
	[sflag:s0] =	ssyncset.done @!p0 $0x0  }
0x64: {  	[sflag:s0] =	ssyncadd.s32 @!p0 s1  }
0x65: {  	[bflag:$0x3] =	sbarrier.arrive $0xFFFF  }
0x66: {  	_ =	shalt  }

// kernel: kernel.21.cloned.1.call-start
scs
__scs_entry_jumppad:
0x0: {  	(pc) =	sbr.rel $0x88, $3  }
0x1: {  	(tag) =	ssettag $0x0;
	lr =	simm.s32 $0x1  }
0x2: {  	[smem:$0x3F98] =	sst lr;
	_ =	strace $0xD0000000  }
0x3: {  	_ = 	snop  }
0x4: {  	_ = 	snop  }
0x5: {  	_ = 	snop  }
0x6: {  	_ = 	snop  }
0x7: {  	_ = 	snop  }
__scs_overlays_trampoline_lowered:
0x8: {  	[smem:$0x3FA7] =	sst s0  }
0x9: {  	[smem:$0x3FA8] =	sst s1  }
0xa: {  	[smem:$0x3FA9] =	sst s2  }
0xb: {  	[smem:$0x3FAA] =	sst s3  }
0xc: {  	[smem:$0x3FAB] =	sst s4  }
0xd: {  	[smem:$0x3FAC] =	sst s5  }
0xe: {  	[smem:$0x3FAD] =	sst s6  }
0xf: {  	[smem:$0x3FAE] =	sst s7  }
0x10: {  	[smem:$0x3FAF] =	sst s8  }
0x11: {  	[smem:$0x3FB0] =	sst s9;
	s0 =	simm.s32 @!p0 $0x0  }
0x12: {  	s1 =	sld [smem:$0x3F96];
	s0 =	simm.s32 @p0 $0x1  }
0x13: {  	[smem:$0x3FB1] =	sst s0;
	s0 =	simm.s32 @!p1 $0x0  }
0x14: {  	s2 =	sld [smem:$0x3F95];
	s0 =	simm.s32 @p1 $0x1  }
0x15: {  	[smem:$0x3FB2] =	sst s0;
	s0 =	simm.s32 @!p2 $0x0  }
0x16: {  	s3 =	sld [smem:$0x3FDB];
	s0 =	simm.s32 @p2 $0x1  }
0x17: {  	s4 =	simm.s32 $0x1BF5;
	[smem:$0x3FB4] =	sst s0  }
0x18: {  	s0 =	sld [smem:$0x3F97];
	_ =	swait.ge [sflag:s4], $0x0  }
0x19: {  	s7 =	sld [smem:$0x3F98]  }
0x1a: {  	s8 =	sadd.s32 $0xFFFFE003, lr  }
0x1b: {  	s9 =	sadd.s32 $0xFFFFFEF7, lr;
	s5 =	simm.s32 $0xFFFFFFFF;
	p2 =	slt.u32 s8, $0xFFFFF086  }
0x1c: {  	p1 =	slt.u32 s9, $0xF7A;
	s5 =	simm.s32 @!p2 $0x0  }
0x1d: {  	s5 =	simm.s32 @p1 $0x1;
	p0 =	seq.s32 s7, s2  }
0x1e: {  	s7 =	smul.u32 @!p0 $0xF7A, s2;
	p2 =	seq.s32 @!p0 s5, $0x0  }
0x1f: {  	s9 =	smul.u32 $0xF7A, s1;
	s8 =	simm.s32 @!p0 $0x1BF5;
	p2 =	por !p2, p0  }
0x20: {  	[sflag:s8] =	ssyncset.s32 @!p0 $0xFFFFF086;
	s6 =	sadd.s32 @!p0 s3, s7;
	s7 =	simm.s32 @!p0 $0x108  }
0x21: {  	s3 =	sadd.s32 s3, s9;
	s6 =	sadd.s32 @!p0 $0x88, s6;
	s7 =	simm.s32 @p2 $0x1082  }
0x22: {  	[simem:s7], [sflag:s8] =	dma.local @!p0 [hbm:s6], $0xF7A  }
0x23: {  	s9 =	sor.u32 $0xD0000000, s2;
	s6 =	simm.s32 $0x108;
	_ =	swait.ge @!p0 [sflag:s8], $0x0  }
0x24: {  	s3 =	sadd.s32 $0x88, s3;
	s6 =	simm.s32 @!p1 $0x1082;
	[sflag:s4] =	ssyncset.s32 $0xFFFFF086  }
0x25: {  	[simem:s6], [sflag:s4] =	dma.local [hbm:s3], $0xF7A  }
0x26: {  	[smem:$0x3F98] =	sst s1;
	(tag) =	ssettag s2;
	_ =	strace s9  }
0x27: {  	s1 =	sld [smem:$0x3FA8]  }
0x28: {  	s2 =	sld [smem:$0x3FA9]  }
0x29: {  	s4 =	sld [smem:$0x3FAB]  }
0x2a: {  	p0 =	seq.s32 s5, $0x0;
	s5 =	sld [smem:$0x3FAC]  }
0x2b: {  	s6 =	sld [smem:$0x3FAD]  }
0x2c: {  	s7 =	sld [smem:$0x3FAE]  }
0x2d: {  	s3 =	simm.s32 $0x108;
	s8 =	sld [smem:$0x3FAF]  }
0x2e: {  	s3 =	simm.s32 @!p0 $0x1082;
	s9 =	sld [smem:$0x3FB0]  }
0x2f: {  	lr =	sadd.s32 s0, s3;
	s0 =	sld [smem:$0x3FA7]  }
0x30: {  	s3 =	sld [smem:$0x3FAA]  }
0x31: {  	[smem:$0x3FB3] =	sst s10  }
0x32: {  	s10 =	sld [smem:$0x3FB1];
	_ =	sdelay $0x3  }
0x33: {  	p0 =	seq.s32 s10, $0x1;
	s10 =	sld [smem:$0x3FB3];
	_ =	sdelay $0x3  }
0x34: {  	[smem:$0x3FB3] =	sst s10  }
0x35: {  	s10 =	sld [smem:$0x3FB2];
	_ =	sdelay $0x3  }
0x36: {  	p1 =	seq.s32 s10, $0x1;
	s10 =	sld [smem:$0x3FB3];
	_ =	sdelay $0x3  }
0x37: {  	[smem:$0x3FB3] =	sst s10  }
0x38: {  	s10 =	sld [smem:$0x3FB4]  }
0x39: {  	_ = 	snop;
	(pc) =	sbr.ind lr, $3  }
0x3a: {  	_ = 	snop  }
0x3b: {  	_ = 	snop  }
0x3c: {  	p2 =	seq.s32 s10, $0x1;
	s10 =	sld [smem:$0x3FB3]  }
0x3d: {  	_ =	shalt  }
0x3e: {  	_ =	shalt  }
0x3f: {  	_ =	shalt  }
0x40: {  	_ =	shalt  }
0x41: {  	_ =	shalt  }
0x42: {  	_ =	shalt  }
0x43: {  	_ =	shalt  }
0x44: {  	_ =	shalt  }
0x45: {  	_ =	shalt  }
0x46: {  	_ =	shalt  }
0x47: {  	_ =	shalt  }
0x48: {  	_ =	shalt  }
0x49: {  	_ =	shalt  }
0x4a: {  	_ =	shalt  }
0x4b: {  	_ =	shalt  }
0x4c: {  	_ =	shalt  }
0x4d: {  	_ =	shalt  }
0x4e: {  	_ =	shalt  }
0x4f: {  	_ =	shalt  }
0x50: {  	_ =	shalt  }
0x51: {  	_ =	shalt  }
0x52: {  	_ =	shalt  }
0x53: {  	_ =	shalt  }
0x54: {  	_ =	shalt  }
0x55: {  	_ =	shalt  }
0x56: {  	_ =	shalt  }
0x57: {  	_ =	shalt  }
0x58: {  	_ =	shalt  }
0x59: {  	_ =	shalt  }
0x5a: {  	_ =	shalt  }
0x5b: {  	_ =	shalt  }
0x5c: {  	_ =	shalt  }
0x5d: {  	_ =	shalt  }
0x5e: {  	_ =	shalt  }
0x5f: {  	_ =	shalt  }
0x60: {  	_ =	shalt  }
0x61: {  	_ =	shalt  }
0x62: {  	_ =	shalt  }
0x63: {  	_ =	shalt  }
0x64: {  	_ =	shalt  }
0x65: {  	_ =	shalt  }
0x66: {  	_ =	shalt  }
0x67: {  	_ =	shalt  }
0x68: {  	_ =	shalt  }
0x69: {  	_ =	shalt  }
0x6a: {  	_ =	shalt  }
0x6b: {  	_ =	shalt  }
0x6c: {  	_ =	shalt  }
0x6d: {  	_ =	shalt  }
0x6e: {  	_ =	shalt  }
0x6f: {  	_ =	shalt  }
0x70: {  	_ =	shalt  }
0x71: {  	_ =	shalt  }
0x72: {  	_ =	shalt  }
0x73: {  	_ =	shalt  }
0x74: {  	_ =	shalt  }
0x75: {  	_ =	shalt  }
0x76: {  	_ =	shalt  }
0x77: {  	_ =	shalt  }
0x78: {  	_ =	shalt  }
0x79: {  	_ =	shalt  }
0x7a: {  	_ =	shalt  }
0x7b: {  	_ =	shalt  }
0x7c: {  	_ =	shalt  }
0x7d: {  	_ =	shalt  }
0x7e: {  	_ =	shalt  }
0x7f: {  	_ =	shalt  }
0x80: {  	_ =	shalt  }
0x81: {  	_ =	shalt  }
0x82: {  	_ =	shalt  }
0x83: {  	_ =	shalt  }
0x84: {  	_ =	shalt  }
0x85: {  	_ =	shalt  }
0x86: {  	_ =	shalt  }
0x87: {  	_ =	shalt  }
.Lfunc_end0:
.L_simem_size_0:
called_computation.3_lowered:
.L_overlay_start_0:
0x88: {  	s2 =	sld [smem:$0x3FD9]  }
0x89: {  	s3 =	sld [smem:$0x3FFE];
	_ =	sdelay $0x1  }
0x8a: {  	s1 =	srdreg.scid  }
0x8b: {  	s0 =	sand.u32 $0x1, s1  }
0x8c: {  	s17 =	sshll.u32 s0, $0xA;
	s2 =	sadd.s32 s3, s2  }
0x8d: {  	s2 =	sadd.s32 s2, s17  }
0x8e: {  	[smem:$0x3FBF] =	sst s2  }
0x8f: {  	_ = 	snop  }
0x90: {  	s2 =	sld [smem:$0x3FD0];
	(tm) =	ssettm $0x1  }
0x91: {  	s18 =	sld [smem:$0x3FFB];
	_ =	sdelay $0x3  }
0x92: {  	_ =	strace s18  }
0x93: {  	s3 =	sld [smem:$0x3FFC];
	_ =	sdelay $0x3  }
0x94: {  	_ =	strace s3  }
0x95: {  	s3 =	sld [smem:$0x3FFD];
	_ =	sdelay $0x3  }
0x96: {  	_ =	strace s3  }
0x97: {  	_ =	strace $0x8FFFFFFF  }
0x98: {  	s19 =	sld [smem:$0x3FDB];
	_ =	sdelay $0x1  }
0x99: {  	s4 =	simm.s32 $_scs_section_size  }
0x9a: {  	s5 =	simm.s32 $_size__tile_overlayer_lowered;
	s6 =	simm.s32 $_tile_overlayer_lowered  }
0x9b: {  	s22 =	simm.s32 $0x1BFF;
	s21 =	sshll.u32 s6, $0x1;
	s3 =	sadd.s32 s4, s19  }
0x9c: {  	s7 =	simm.s32 $0x0;
	s20 =	sshll.u32 s5, $0x1;
	s5 =	sadd.s32 s21, s3  }
0x9d: {  	[timem:s7], [sflag:s22] =	dma.local [hbm:s5], s20  }
0x9e: {  	_ =	swait.ge [sflag:s22], s20  }
0x9f: {  	s4 =	ssub.s32 $0x0, s20;
	[sflag:s22] =	ssyncset.done $0x0  }
0xa0: {  	[sflag:s22] =	ssyncadd.s32 s4;
	_ =	sdelay $0x1  }
0xa1: {  	s23 =	simm.s32 $0x1B8B  }
0xa2: {  	_ =	swait.ge [sflag:s23], $0x1  }
0xa3: {  	[sflag:s23] =	ssyncset.done $0x0  }
0xa4: {  	s25 =	simm.s32 $0x1B8E;
	s24 =	sld [smem:$0x3FFE];
	[sflag:s23] =	ssyncadd.s32 $0xFFFFFFFF  }
0xa5: {  	s26 =	simm.s32 $execute0_lowered;
	[smem:$0x3FD2] =	sst s25  }
0xa6: {  	s5 =	sshll.u32 s26, $0x1;
	_ =	strace $0x8000004C;
	[dreg:$0x1] =	wrdreg $0xFFFFFFFF  }
0xa7: {  	s28 =	simm.s32 $_size_execute0_lowered;
	s3 =	sadd.s32 s3, s5;
	[dreg:$0x0] =	wrdreg $0x0  }
0xa8: {  	s5 =	sshll.u32 s28, $0x1;
	[dreg:$0x2] =	wrdreg s3  }
0xa9: {  	[dreg:$0x3] =	wrdreg s5  }
0xaa: {  	[dreg:$0x4] =	wrdreg $0xC0  }
0xab: {  	_ =	task [dreg:s7], $0x5FFFF  }
0xac: {  	[dreg:$0x1] =	wrdreg $0xFFFFFFFF  }
0xad: {  	[dreg:$0x0] =	wrdreg $0x60  }
0xae: {  	[dreg:$0x2] =	wrdreg s24  }
0xaf: {  	[dreg:$0x3] =	wrdreg s2  }
0xb0: {  	[dreg:$0x4] =	wrdreg $0x68000  }
0xb1: {  	[dreg:$0x5] =	wrdreg $0xA  }
0xb2: {  	_ =	task.clear_ibuf [dreg:s7], $0x6FFFF;
	_ =	strace $0x9000004C  }
0xb3: {  	s29 =	simm.s32 $0xA;
	_ =	strace $0x8000004E  }
0xb4: {  	_ =	swait.ge [sflag:s29], $0x1  }
0xb5: {  	[sflag:s29] =	ssyncadd.s32 $0xFFFFFFFF  }
0xb6: {  	_ =	strace $0x9000004E  }
0xb7: {  	_ =	sfence  }
0xb8: {  	s30 =	sld [smem:$0x0];
	_ =	sdelay $0x2  }
0xb9: {  	s31 =	sshll.u32 s1, $0xD;
	s1 =	sshrl.u32 s1, $0x2  }
0xba: {  	s3 =	sand.u32 $0x4000, s31;
	s1 =	sadd.s32 s1, s30  }
0xbb: {  	s0 =	sor.u32 s3, s0;
	s1 =	sshll.u32 s1, $0x11  }
0xbc: {  	s0 =	sor.u32 s1, s0  }
0xbd: {  	s0 =	sadd.s32 $0x8F2B, s0  }
0xbe: {  	[sflag:s0] =	ssyncadd.remote.s32 $0x1  }
0xbf: {  	_ =	sfence.sel $0xFFFF  }
0xc0: {  	[dreg:$0x0] =	wrdreg $0xFFFFFFFF;
	(pc) =	sbr.abs _section_cstart, $3  }
0xc1: {  	[dreg:$0x1] =	wrdreg $0xFFFFFFFF  }
0xc2: {  	_ =	task.clear_ibuf [dreg:s7], $0x2FFFF;
	_ =	strace $0x9FFFFFFF  }
0xc3: {  	(tm) =	ssettm $0x7FFFFFFF  }
tec
execute0_lowered:
.L_overlay_start_1:
0x0: {  	(tag) =	ssettag $0x1  }
0x1: {  	s4 =	rddreg [dreg:$0x0]  }
0x2: {  	s6 =	rddreg [dreg:$0x1]  }
0x3: {  	s2 =	rddreg [dreg:$0x2]  }
0x4: {  	s0 =	rddreg [dreg:$0x3];
	s3 =	simm.s32 $0x0;
	s5 =	srdreg.scid  }
0x5: {  	s1 =	stileid.u32;
	s18 =	simm.s32 $0x1;
	s19 =	simm.s32 $0x28  }
0x6: {  	s20 =	simm.s32 $0x4;
	s21 =	simm.s32 $0x2;
	s22 =	simm.s32 $0x3E00  }
0x7: {  	[smem:$0x7FF] =	sst s3;
	s8 =	sand.u32 $0x1, s5;
	s10 =	smul.u32 $0x4E000, s1  }
0x8: {  	s23 =	sshll.u32 s1, $0x1;
	s9 =	sadd.s32 $0xA2F400, s4;
	s12 =	smul.u32 $0x2700, s1  }
0x9: {  	s13 =	sadd.s32 $0x14200, s4;
	s16 =	smul.u32 $0x13800, s1;
	s17 =	sadd.s32 $0x124800, s2  }
0xa: {  	s29 =	smul.u32 $0x27100, s1;
	p0 =	seq.s32 s1, $0xF;
	_ =	strace $0x8000004D  }
0xb: {  	s5 =	sor.u32 s8, s23;
	s11 =	ssub.s32 $0x2, s8;
	s26 =	smul.u32 $0x138800, s8  }
0xc: {  	s30 =	smul.u32 $0x13880, s8;
	s23 =	simm.s32 $0x0;
	s7 =	sshll.u32 s5, $0xB  }
0xd: {  	s24 =	sshrl.u32 s11, $0x1;
	s14 =	smul.u32 $0x13880, s5;
	s25 =	sshrl.u32 s10, $0x2  }
0xe: {  	s5 =	sadd.s32 s6, s12;
	s6 =	sadd.s32 $0x24900, s6;
	s31 =	sadd.s32 s29, s9  }
0xf: {  	s7 =	sadd.s32 s7, s4;
	s11 =	ssub.s32 s11, s24;
	s15 =	sadd.s32 s25, s2  }
0x10: {  	s28 =	sadd.s32 s16, s26;
	s10 =	sshrl.u32 s26, $0x3;
	s16 =	simm.s32 $0x4000  }
0x11: {  	s4 =	sadd.s32 $0x4200, s7;
	s7 =	sadd.s32 s9, s14;
	s12 =	sshrl.u32 s28, $0x3  }
0x12: {  	s10 =	sadd.s32 s13, s10;
	s14 =	sshll.u32 @!p0 s1, $0x6;
	s15 =	sshrl.u32 @!p0 s15, $0x3  }
0x13: {  	s8 =	sadd.s32 s13, s12;
	s9 =	sadd.s32 $0x24900, s10;
	s12 =	sadd.s32 s30, s31  }
0x14: {  	s10 =	smax.u32 s11, $0x1;
	s13 =	sshrl.u32 @p0 s17, $0x3;
	s14 =	sor.u32 @!p0 $0x1C03, s14  }
0x15: {  	s17 =	simm.s32 $0x5400;
	s11 =	sadd.s32 $0x280, s12;
	s12 =	simm.s32 $0x3  }
.LBB2_1:
0x16: {  	[tilespmem:s3], [sflag:$0x3] =	stream.linear.gather [hbm4b:s4+s3], $0x3E80, $0x38;
	[tilespmem:$0x1A080] =	vst v63  }
0x17: {  	_ =	swait.ge [sflag:s12], $0x3E80  }
0x18: {  	[sflag:s12] =	ssyncset.done $0x0  }
0x19: {  	s24 =	simm.s32 @p0 $0x1FC3;
	[sflag:s12] =	ssyncadd.s32 $0xFFFFC180  }
0x1a: {  	[spmem:s13], [sflag:s24] =	dma.local @p0 [hbm:s6], $0x2800  }
0x1b: {  	s24 =	simm.s32 @p0 $0x3  }
0x1c: {  	_ =	swait.ge @p0 [sflag:s24], $0x2800  }
0x1d: {  	[sflag:s24] =	ssyncset.done @p0 $0x0  }
0x1e: {  	[sflag:s24] =	ssyncadd.s32 @p0 $0xFFFFD800;
	s24 =	simm.s32 @!p0 $0x3  }
0x1f: {  	[spmem:s15], [sflag:s14] =	dma.local @!p0 [hbm:s5], $0x2700  }
0x20: {  	_ =	swait.ge @!p0 [sflag:s24], $0x2700  }
0x21: {  	[sflag:s24] =	ssyncset.done @!p0 $0x0  }
0x22: {  	[sflag:s24] =	ssyncadd.s32 @!p0 $0xFFFFD900  }
0x23: {  	[bflag:$0x0] =	sbarrier.arrive $0xFFFF  }
0x24: {  	[tilespmem:s16], [sflag:$0x1] =	stream.linear.gather [hbm4b:s7+s3], $0x1400, $0x38;
	[tilespmem:$0x1A080] =	vst v63  }
0x25: {  	_ = 	snop  }
0x26: {  	[tilespmem:s17], [sflag:$0x2] =	stream.linear.gather [hbm4b:s11+s3], $0x1400, $0x38;
	[tilespmem:$0x1A080] =	vst v63  }
0x27: {  	_ =	swait.ge [sflag:s18], $0x1400  }
0x28: {  	[sflag:s18] =	ssyncset.done $0x0  }
0x29: {  	s29 =	simm.s32 $0x0;
	[sflag:s18] =	ssyncadd.s32 $0xFFFFEC00  }
0x2a: {  	[spmem:s2] =	stream.indirect.scatter.add.f32 [tilespmem:s16], [sflag:$0x4], $0x80, s29, s19, $0xb8;
	[tilespmem:$0x1A080] =	vst v63  }
0x2b: {  	_ =	swait.ge [sflag:s20], $0x1400  }
0x2c: {  	[sflag:s20] =	ssyncset.done $0x0  }
0x2d: {  	s30 =	sadd.s32 $0x280, s11;
	[sflag:s20] =	ssyncadd.s32 $0xFFFFEC00  }
0x2e: {  	[tilespmem:s16], [sflag:$0x1] =	stream.linear.gather [hbm4b:s30+s3], $0x1400, $0x38;
	[tilespmem:$0x1A080] =	vst v63  }
0x2f: {  	_ =	swait.ge [sflag:s21], $0x1400  }
0x30: {  	[sflag:s21] =	ssyncset.done $0x0  }
0x31: {  	s31 =	simm.s32 $0x80;
	[sflag:s21] =	ssyncadd.s32 $0xFFFFEC00  }
0x32: {  	[spmem:s2] =	stream.indirect.scatter.add.f32 [tilespmem:s17], [sflag:$0x3], $0x80, s31, s19, $0xb8;
	[tilespmem:$0x1A080] =	vst v63  }
0x33: {  	_ =	swait.ge [sflag:s12], $0x1400  }
0x34: {  	s25 =	smov.u32 s11;
	s24 =	simm.s32 $0x400;
	[sflag:s12] =	ssyncset.done $0x0  }
.LBB2_2:
0x35: {  	p1 =	sne.s32 s24, $0xF400;
	[sflag:s12] =	ssyncadd.s32 $0xFFFFEC00;
	s25 =	sadd.s32 $0x500, s25  }
0x36: {  	[tilespmem:s17], [sflag:$0x2] =	stream.linear.gather [hbm4b:s25+s3], $0x1400, $0x38;
	[tilespmem:$0x1A080] =	vst v63  }
0x37: {  	s26 =	smov.u32 s24;
	s24 =	sadd.s32 $0x400, s24;
	_ =	swait.ge [sflag:s18], $0x1400  }
0x38: {  	[sflag:s18] =	ssyncset.done $0x0  }
0x39: {  	s26 =	sshra.s32 s26, $0x2;
	[sflag:s18] =	ssyncadd.s32 $0xFFFFEC00  }
0x3a: {  	[spmem:s2] =	stream.indirect.scatter.add.f32 [tilespmem:s16], [sflag:$0x4], $0x80, s26, s19, $0xb8;
	[tilespmem:$0x1A080] =	vst v63  }
0x3b: {  	_ =	swait.ge [sflag:s20], $0x1400  }
0x3c: {  	[sflag:s20] =	ssyncset.done $0x0  }
0x3d: {  	s28 =	sadd.s32 $0x280, s25;
	[sflag:s20] =	ssyncadd.s32 $0xFFFFEC00  }
0x3e: {  	[tilespmem:s16], [sflag:$0x1] =	stream.linear.gather [hbm4b:s28+s3], $0x1400, $0x38;
	[tilespmem:$0x1A080] =	vst v63  }
0x3f: {  	_ =	swait.ge [sflag:s21], $0x1400  }
.Ltmp0:
0x40: {  	[sflag:s21] =	ssyncset.done $0x0;
	(pc) =	sbr.rel @p1 .LBB2_2-.Ltmp0, $4  }
0x41: {  	s26 =	sadd.s32 $0x80, s26;
	[sflag:s21] =	ssyncadd.s32 $0xFFFFEC00  }
0x42: {  	[spmem:s2] =	stream.indirect.scatter.add.f32 [tilespmem:s17], [sflag:$0x3], $0x80, s26, s19, $0xb8;
	[tilespmem:$0x1A080] =	vst v63  }
0x43: {  	_ =	swait.ge [sflag:s12], $0x1400  }
0x44: {  	[sflag:s12] =	ssyncset.done $0x0  }
0x45: {  	[sflag:s12] =	ssyncadd.s32 $0xFFFFEC00  }
0x46: {  	_ =	swait.ge [sflag:s18], $0x1400  }
0x47: {  	[sflag:s18] =	ssyncset.done $0x0  }
0x48: {  	[sflag:s18] =	ssyncadd.s32 $0xFFFFEC00  }
0x49: {  	[spmem:s2] =	stream.indirect.scatter.add.f32 [tilespmem:s16], [sflag:$0x4], $0x80, s22, s19, $0xb8;
	[tilespmem:$0x1A080] =	vst v63  }
0x4a: {  	_ =	swait.ge [sflag:s20], $0x1400  }
0x4b: {  	[sflag:s20] =	ssyncset.done $0x0  }
0x4c: {  	[sflag:s20] =	ssyncadd.s32 $0xFFFFEC00  }
0x4d: {  	s24 =	simm.s32 @p0 $0x1FC3;
	[bflag:$0x0] =	sbarrier.arrive $0xFFFF  }
0x4e: {  	[hbm:s9], [sflag:s24] =	dma.local @p0 [spmem:s13], $0x2800  }
0x4f: {  	s24 =	simm.s32 @p0 $0x3  }
0x50: {  	s23 =	sadd.s32 $0x1, s23;
	_ =	swait.ge @p0 [sflag:s24], $0x2800  }
0x51: {  	p1 =	sne.s32 s23, s10;
	[sflag:s24] =	ssyncset.done @p0 $0x0  }
.Ltmp1:
0x52: {  	[sflag:s24] =	ssyncadd.s32 @p0 $0xFFFFD800;
	s24 =	simm.s32 @!p0 $0x3;
	(pc) =	sbr.rel @p1 .LBB2_1-.Ltmp1, $4  }
0x53: {  	[hbm:s8], [sflag:s14] =	dma.local @!p0 [spmem:s15], $0x2700  }
0x54: {  	_ =	swait.ge @!p0 [sflag:s24], $0x2700  }
0x55: {  	[sflag:s24] =	ssyncset.done @!p0 $0x0  }
0x56: {  	[sflag:s24] =	ssyncadd.s32 @!p0 $0xFFFFD900  }
0x57: {  	_ =	sfence.sel $0x180000  }
0x58: {  	[bflag:$0x0] =	sbarrier.arrive $0xFFFF  }
0x59: {  	p0 =	sne.s32 s1, $0x0;
	_ =	strace $0x9000004D  }
0x5a: {  	s0 =	sadd.s32 @!p0 $0x100000, s0;
	[bflag:$0x2] =	sbarrier.arrive $0xFFFF  }
0x5b: {  	[sflag:s0] =	ssyncadd.tile.s32 @!p0 $0x1;
	_ =	shalt  }
.Lfunc_end2:
_tile_overlayer_lowered:
.L_overlay_start_2:
0x5c: {  	(tag) =	ssettag $0x2  }
0x5d: {  	s0 =	rddreg [dreg:$0x0];
	s2 =	stileid.u32  }
0x5e: {  	s1 =	rddreg [dreg:$0x1];
	p0 =	sne.s32 s2, $0x0  }
0x5f: {  	s3 =	rddreg [dreg:$0x2];
	[bflag:$0x3] =	sbarrier.arrive $0xFFFF;
	s2 =	simm.s32 @!p0 $0x1C03  }
0x60: {  	[timem:s3], [sflag:s2] =	dma.local @!p0 [hbm:s0], s1  }
0x61: {  	s0 =	simm.s32 @!p0 $0x3  }
0x62: {  	_ =	swait.ge @!p0 [sflag:s0], s1  }
0x63: {  	s1 =	ssub.s32 @!p0 $0x0, s1;
	[sflag:s0] =	ssyncset.done @!p0 $0x0  }
0x64: {  	[sflag:s0] =	ssyncadd.s32 @!p0 s1  }
0x65: {  	[bflag:$0x3] =	sbarrier.arrive $0xFFFF  }
0x66: {  	_ =	shalt  }

</sc_bundles>
